<compile_context>
chip_gen: v7x
topology: tpu7x:2x2x1
jax: 0.10.2.dev20260603
libtpu: 0.0.44.dev20260713+nightly
codegen_flags: <defaults>
</compile_context>

<pallas_src>
import functools

import jax
import jax.numpy as jnp
from jax import lax
from jax.experimental import pallas as pl
from jax.experimental.pallas import tpu as pltpu
from jax.experimental.pallas import tpu_sc as plsc

S_SHORT, S, B, D = 2048, 4096, 16, 1024
ROWS = S * B
SRC_ROWS = S_SHORT * B

NC, NS = 2, 16
NW = NC * NS
RPW = ROWS // NW
CHUNK = 32
NCHUNK = RPW // CHUNK
NBUF = 2


def _ln_body(x_ref, w_ref, b_ref, o_ref):
    blk = x_ref.shape[0]
    xb = x_ref[...]
    m = jnp.mean(xb, axis=-1, keepdims=True)
    c = xb - m
    v = jnp.mean(c * c, axis=-1, keepdims=True)
    normed = c * lax.rsqrt(v + 1e-5) * w_ref[...] + b_ref[...]
    u = lax.bitcast_convert_type(normed, jnp.uint32) + jnp.uint32(0x8000)
    o_ref[...] = (u[:, : D // 2] >> 16) | (u[:, D // 2 :] & jnp.uint32(0xFFFF0000))


def _layernorm(x2d, ln_w, ln_b):
    blk = 2048
    return pl.pallas_call(
        _ln_body,
        grid=(SRC_ROWS // blk,),
        in_specs=[
            pl.BlockSpec((blk, D), lambda i: (i, 0)),
            pl.BlockSpec((1, D), lambda i: (0, 0)),
            pl.BlockSpec((1, D), lambda i: (0, 0)),
        ],
        out_specs=pl.BlockSpec((blk, D // 2), lambda i: (i, 0)),
        out_shape=jax.ShapeDtypeStruct((SRC_ROWS, D // 2), jnp.uint32),
    )(x2d, ln_w.reshape(1, D), ln_b.reshape(1, D))


def _sc_body(table_hbm, idx_hbm, resid_hbm, out_hbm, idx_v, *scratch):
    bufs_g = scratch[0:NBUF]
    bufs_r = scratch[NBUF : 2 * NBUF]
    sems_g = scratch[2 * NBUF : 3 * NBUF]
    sems_r = scratch[3 * NBUF : 4 * NBUF]
    sems_s = scratch[4 * NBUF : 5 * NBUF]

    wid = lax.axis_index("s") * NC + lax.axis_index("c")
    base = wid * RPW
    pltpu.sync_copy(idx_hbm.at[pl.ds(base, RPW)], idx_v)

    def start_gather(k, b):
        pltpu.async_copy(
            table_hbm.at[idx_v.at[pl.ds(k * CHUNK, CHUNK)]], bufs_g[b], sems_g[b]
        )

    def start_resid(k, b):
        pltpu.async_copy(
            resid_hbm.at[pl.ds(base + k * CHUNK, CHUNK)], bufs_r[b], sems_r[b]
        )

    for b in range(NBUF):
        start_gather(b, b)
        start_resid(b, b)

    @pl.loop(0, NCHUNK, step=NBUF)
    def body(c):
        for b in range(NBUF):
            k = c + b
            row0 = base + k * CHUNK
            pltpu.make_async_copy(
                table_hbm.at[idx_v.at[pl.ds(k * CHUNK, CHUNK)]], bufs_g[b], sems_g[b]
            ).wait()
            pltpu.make_async_copy(
                resid_hbm.at[pl.ds(row0, CHUNK)], bufs_r[b], sems_r[b]
            ).wait()

            @pl.loop(0, CHUNK)
            def add_row(r):
                for i in range(D // 32):
                    v = bufs_g[b][r, pl.ds(i * 16, 16)]
                    lo = lax.bitcast_convert_type(v << jnp.int32(16), jnp.float32)
                    hi = lax.bitcast_convert_type(v, jnp.float32)
                    plsc.addupdate(bufs_r[b].at[r, pl.ds(i * 16, 16)], lo)
                    plsc.addupdate(bufs_r[b].at[r, pl.ds(D // 2 + i * 16, 16)], hi)

            @pl.when(k + NBUF < NCHUNK)
            def _():
                start_gather(k + NBUF, b)

            store = pltpu.async_copy(
                bufs_r[b], out_hbm.at[pl.ds(row0, CHUNK)], sems_s[b]
            )

            @pl.when(k + NBUF < NCHUNK)
            def _():
                store.wait()
                start_resid(k + NBUF, b)

    for b in range(NBUF):
        k_last = NCHUNK - NBUF + b
        pltpu.make_async_copy(
            bufs_r[b], out_hbm.at[pl.ds(base + k_last * CHUNK, CHUNK)], sems_s[b]
        ).wait()


_sc_gather_add = pl.kernel(
    _sc_body,
    out_type=jax.ShapeDtypeStruct((ROWS, D), jnp.float32),
    mesh=plsc.VectorSubcoreMesh(
        core_axis_name="c", subcore_axis_name="s", num_cores=NC, num_subcores=NS
    ),
    scratch_types=(
        [pltpu.VMEM((RPW,), jnp.int32)]
        + [pltpu.VMEM((CHUNK, D // 2), jnp.int32) for _ in range(NBUF)]
        + [pltpu.VMEM((CHUNK, D), jnp.float32) for _ in range(NBUF)]
        + [pltpu.SemaphoreType.DMA for _ in range(3 * NBUF)]
    ),
)


def kernel(x, residual, upsampling_mask, boundaries, ln_w, ln_b):
    del boundaries
    x2d = x.reshape(SRC_ROWS, D)
    normed = _layernorm(x2d, ln_w.astype(jnp.float32), ln_b.astype(jnp.float32))
    normed = lax.bitcast_convert_type(normed, jnp.int32)
    flat_idx = (
        upsampling_mask.T.astype(jnp.int32) * B + jnp.arange(B, dtype=jnp.int32)[None, :]
    ).reshape(ROWS)
    out2d = _sc_gather_add(normed, flat_idx, residual.reshape(ROWS, D))
    return out2d.reshape(S, B, D)

# --- scband reference (transcript-rebuilt; emitter-appended) ---
"""Pipeline reference for scband-upsampler-25022479466877 (READ-ONLY COPY).

The authoritative reference and input builder live on the scoring server;
editing this copy changes nothing except your own understanding.
"""

import jax, jax.numpy as jnp
import numpy as np


def setup_inputs(seed: int = 0) -> dict:
    key = jax.random.key(seed)
    k1, k2, k3, k4 = jax.random.split(key, 4)
    S_short, S, B, D = 2048, 4096, 16, 1024
    x = jax.random.normal(k1, (S_short, B, D), dtype=jnp.float32)
    residual = jax.random.normal(k2, (S, B, D), dtype=jnp.float32)
    upsampling_mask = jax.random.randint(k3, (B, S), 0, S_short)
    boundaries = jax.random.randint(k4, (B, S), 0, 2).astype(bool)
    ln_w = jnp.ones((D,), dtype=jnp.float32)
    ln_b = jnp.zeros((D,), dtype=jnp.float32)
    return {"x": x, "residual": residual, "upsampling_mask": upsampling_mask,
            "boundaries": boundaries, "ln_w": ln_w, "ln_b": ln_b}


def reference(x, residual, upsampling_mask, boundaries, ln_w, ln_b):
    # mode == 'average': gather shortened tokens back to full length, then LN + residual
    # x: [S_short, B, D] -> [B, S_short, D]
    xt = jnp.transpose(x, (1, 0, 2))
    # gather along seq dim with per-(batch, position) indices into the shortened sequence
    idx = upsampling_mask[:, :, None]  # [B, S, 1], broadcasts over D
    gathered = jnp.take_along_axis(xt, idx, axis=1)  # [B, S, D]
    xg = jnp.transpose(gathered, (1, 0, 2))  # [S, B, D]
    s = xg[: residual.shape[0]]
    mean = jnp.mean(s, axis=-1, keepdims=True)
    var = jnp.var(s, axis=-1, keepdims=True)
    normed = (s - mean) / jnp.sqrt(var + 1e-5) * ln_w + ln_b
    return normed + residual

if __name__ == "__main__":
    import jax
    _d = setup_inputs()
    print(jax.jit(kernel)(*tuple(_d.values())))

</pallas_src>

<mosaic_0001>
#map = affine_map<(d0, d1) -> (0, 0)>
#map1 = affine_map<(d0, d1) -> (0)>
module attributes {stable_mosaic.version = 14 : i64} {
  func.func @_sc_body(%arg0: i32, %arg1: i32, %arg2: memref<32768x512xi32, #tpu.memory_space<hbm>>, %arg3: memref<65536xi32, #tpu.memory_space<hbm>>, %arg4: memref<65536x1024xf32, #tpu.memory_space<hbm>>, %arg5: memref<65536x1024xf32, #tpu.memory_space<hbm>>, %arg6: memref<2048xi32, #tpu.memory_space<vmem>>, %arg7: memref<32x512xi32, #tpu.memory_space<vmem>>, %arg8: memref<32x512xi32, #tpu.memory_space<vmem>>, %arg9: memref<32x1024xf32, #tpu.memory_space<vmem>>, %arg10: memref<32x1024xf32, #tpu.memory_space<vmem>>, %arg11: memref<!tpu.dma_semaphore, #tpu.memory_space<semaphore_mem>>, %arg12: memref<!tpu.dma_semaphore, #tpu.memory_space<semaphore_mem>>, %arg13: memref<!tpu.dma_semaphore, #tpu.memory_space<semaphore_mem>>, %arg14: memref<!tpu.dma_semaphore, #tpu.memory_space<semaphore_mem>>, %arg15: memref<!tpu.dma_semaphore, #tpu.memory_space<semaphore_mem>>, %arg16: memref<!tpu.dma_semaphore, #tpu.memory_space<semaphore_mem>>) attributes {dimension_semantics = [#tpu.dimension_semantics<core_parallel>, #tpu.dimension_semantics<subcore_parallel>], iteration_bounds = array<i64: 2, 16>, scalar_prefetch = 0 : i64, scratch_operands = 11 : i64, tpu.core_type = #tpu.core_type<sc_vector_subcore>, window_params = [{transform_indices = #map}, {transform_indices = #map1}, {transform_indices = #map}, {transform_indices = #map}]} {
    %mul3A = arith.constant 2 : i32
    %mul3A_0 = arith.muli %arg1, %mul3A : i32
    %add3A = arith.addi %mul3A_0, %arg0 : i32
    %mul3A_1 = arith.constant 2048 : i32
    %mul3A_2 = arith.muli %add3A, %mul3A_1 : i32
    "tpu.region"() ({
      %run_scoped3A = tpu.sem_alloc : memref<!tpu.dma_semaphore, #tpu.memory_space<semaphore_mem>>
      %dma_start3A_39 = tpu.memref_slice %arg3[%mul3A_2] : memref<65536xi32, #tpu.memory_space<hbm>> -> memref<2048xi32, #tpu.memory_space<hbm>>
      %dma_start3A_40 = tpu.memref_slice %arg3[%mul3A_2] : memref<65536xi32, #tpu.memory_space<hbm>> -> memref<2048xi32, #tpu.memory_space<hbm>>
      tpu.enqueue_dma source(%dma_start3A_40 : memref<2048xi32, #tpu.memory_space<hbm>>) target(%arg6 : memref<2048xi32, #tpu.memory_space<vmem>>) target_semaphore(%run_scoped3A : memref<!tpu.dma_semaphore, #tpu.memory_space<semaphore_mem>>)
      %dma_wait3A_41 = tpu.memref_slice %arg3[%mul3A_2] : memref<65536xi32, #tpu.memory_space<hbm>> -> memref<2048xi32, #tpu.memory_space<hbm>>
      %dma_wait3A_42 = tpu.memref_slice %arg3[%mul3A_2] : memref<65536xi32, #tpu.memory_space<hbm>> -> memref<2048xi32, #tpu.memory_space<hbm>>
      tpu.wait_dma2 semaphore(%run_scoped3A : memref<!tpu.dma_semaphore, #tpu.memory_space<semaphore_mem>>) src(%dma_wait3A_42 : memref<2048xi32, #tpu.memory_space<hbm>>) dst(%arg6 : memref<2048xi32, #tpu.memory_space<vmem>>)
      tpu.yield
    }) : () -> ()
    %dma_start3A = arith.constant 0 : i32
    %dma_start3A_3 = tpu.memref_slice %arg6[%dma_start3A] : memref<2048xi32, #tpu.memory_space<vmem>> -> memref<32xi32, #tpu.memory_space<vmem>>
    %dma_start3A_4 = arith.constant 0 : i32
    %dma_start3A_5 = arith.constant 0 : i32
    %dma_start3A_6 = tpu.memref_slice %arg2[%dma_start3A_4, %dma_start3A_5] : memref<32768x512xi32, #tpu.memory_space<hbm>> -> memref<32768x512xi32, #tpu.memory_space<hbm>>
    tpu.enqueue_indirect_dma source(%dma_start3A_6 : memref<32768x512xi32, #tpu.memory_space<hbm>>) target(%arg7 : memref<32x512xi32, #tpu.memory_space<vmem>>) offsets(%dma_start3A_3 : memref<32xi32, #tpu.memory_space<vmem>>) semaphore(%arg11 : memref<!tpu.dma_semaphore, #tpu.memory_space<semaphore_mem>>)
    %add3A_7 = arith.constant 0 : i32
    %add3A_8 = arith.addi %mul3A_2, %add3A_7 : i32
    %dma_start3A_9 = arith.constant 0 : i32
    %dma_start3A_10 = tpu.memref_slice %arg4[%add3A_8, %dma_start3A_9] : memref<65536x1024xf32, #tpu.memory_space<hbm>> -> memref<32x1024xf32, #tpu.memory_space<hbm>>
    %dma_start3A_11 = arith.constant 0 : i32
    %dma_start3A_12 = tpu.memref_slice %arg4[%add3A_8, %dma_start3A_11] : memref<65536x1024xf32, #tpu.memory_space<hbm>> -> memref<32x1024xf32, #tpu.memory_space<hbm>>
    tpu.enqueue_dma source(%dma_start3A_12 : memref<32x1024xf32, #tpu.memory_space<hbm>>) target(%arg9 : memref<32x1024xf32, #tpu.memory_space<vmem>>) target_semaphore(%arg13 : memref<!tpu.dma_semaphore, #tpu.memory_space<semaphore_mem>>)
    %dma_start3A_13 = arith.constant 32 : i32
    %dma_start3A_14 = tpu.memref_slice %arg6[%dma_start3A_13] : memref<2048xi32, #tpu.memory_space<vmem>> -> memref<32xi32, #tpu.memory_space<vmem>>
    %dma_start3A_15 = arith.constant 0 : i32
    %dma_start3A_16 = arith.constant 0 : i32
    %dma_start3A_17 = tpu.memref_slice %arg2[%dma_start3A_15, %dma_start3A_16] : memref<32768x512xi32, #tpu.memory_space<hbm>> -> memref<32768x512xi32, #tpu.memory_space<hbm>>
    tpu.enqueue_indirect_dma source(%dma_start3A_17 : memref<32768x512xi32, #tpu.memory_space<hbm>>) target(%arg8 : memref<32x512xi32, #tpu.memory_space<vmem>>) offsets(%dma_start3A_14 : memref<32xi32, #tpu.memory_space<vmem>>) semaphore(%arg12 : memref<!tpu.dma_semaphore, #tpu.memory_space<semaphore_mem>>)
    %add3A_18 = arith.constant 32 : i32
    %add3A_19 = arith.addi %mul3A_2, %add3A_18 : i32
    %dma_start3A_20 = arith.constant 0 : i32
    %dma_start3A_21 = tpu.memref_slice %arg4[%add3A_19, %dma_start3A_20] : memref<65536x1024xf32, #tpu.memory_space<hbm>> -> memref<32x1024xf32, #tpu.memory_space<hbm>>
    %dma_start3A_22 = arith.constant 0 : i32
    %dma_start3A_23 = tpu.memref_slice %arg4[%add3A_19, %dma_start3A_22] : memref<65536x1024xf32, #tpu.memory_space<hbm>> -> memref<32x1024xf32, #tpu.memory_space<hbm>>
    tpu.enqueue_dma source(%dma_start3A_23 : memref<32x1024xf32, #tpu.memory_space<hbm>>) target(%arg10 : memref<32x1024xf32, #tpu.memory_space<vmem>>) target_semaphore(%arg14 : memref<!tpu.dma_semaphore, #tpu.memory_space<semaphore_mem>>)
    %scan3A = arith.constant 0 : i32
    %scan3A_24 = arith.constant 32 : i32
    %scan3A_25 = arith.addi %scan3A, %scan3A_24 : i32
    %scan3A_26 = arith.constant 1 : i32
    scf.for %scan3A_39 = %scan3A to %scan3A_25 step %scan3A_26  : i32 {
      %mul3A_40 = arith.constant 2 : i32
      %mul3A_41 = arith.muli %scan3A_39, %mul3A_40 : i32
      %add3A_42 = arith.constant 0 : i32
      %add3A_43 = arith.addi %add3A_42, %mul3A_41 : i32
      %add3A_44 = arith.constant 0 : i32
      %add3A_45 = arith.addi %add3A_43, %add3A_44 : i32
      %mul3A_46 = arith.constant 32 : i32
      %mul3A_47 = arith.muli %add3A_45, %mul3A_46 : i32
      %add3A_48 = arith.addi %mul3A_2, %mul3A_47 : i32
      %mul3A_49 = arith.constant 32 : i32
      %mul3A_50 = arith.muli %add3A_45, %mul3A_49 : i32
      %dma_wait3A_51 = tpu.memref_slice %arg6[%mul3A_50] : memref<2048xi32, #tpu.memory_space<vmem>> -> memref<32xi32, #tpu.memory_space<vmem>>
      %dma_wait3A_52 = arith.constant 0 : i32
      %dma_wait3A_53 = arith.constant 0 : i32
      %dma_wait3A_54 = tpu.memref_slice %arg2[%dma_wait3A_52, %dma_wait3A_53] : memref<32768x512xi32, #tpu.memory_space<hbm>> -> memref<32768x512xi32, #tpu.memory_space<hbm>>
      tpu.wait_indirect_dma semaphore(%arg11 : memref<!tpu.dma_semaphore, #tpu.memory_space<semaphore_mem>>) src(%dma_wait3A_54 : memref<32768x512xi32, #tpu.memory_space<hbm>>) dst(%arg7 : memref<32x512xi32, #tpu.memory_space<vmem>>)
      %dma_wait3A_55 = arith.constant 0 : i32
      %dma_wait3A_56 = tpu.memref_slice %arg4[%add3A_48, %dma_wait3A_55] : memref<65536x1024xf32, #tpu.memory_space<hbm>> -> memref<32x1024xf32, #tpu.memory_space<hbm>>
      %dma_wait3A_57 = arith.constant 0 : i32
      %dma_wait3A_58 = tpu.memref_slice %arg4[%add3A_48, %dma_wait3A_57] : memref<65536x1024xf32, #tpu.memory_space<hbm>> -> memref<32x1024xf32, #tpu.memory_space<hbm>>
      tpu.wait_dma2 semaphore(%arg13 : memref<!tpu.dma_semaphore, #tpu.memory_space<semaphore_mem>>) src(%dma_wait3A_58 : memref<32x1024xf32, #tpu.memory_space<hbm>>) dst(%arg9 : memref<32x1024xf32, #tpu.memory_space<vmem>>)
      %scan3A_59 = arith.constant 0 : i32
      %scan3A_60 = arith.constant 32 : i32
      %scan3A_61 = arith.addi %scan3A_59, %scan3A_60 : i32
      %scan3A_62 = arith.constant 1 : i32
      scf.for %scan3A_117 = %scan3A_59 to %scan3A_61 step %scan3A_62  : i32 {
        %mul3A_118 = arith.constant 1 : i32
        %mul3A_119 = arith.muli %scan3A_117, %mul3A_118 : i32
        %add3A_120 = arith.constant 0 : i32
        %add3A_121 = arith.addi %add3A_120, %mul3A_119 : i32
        %get3A = arith.index_cast %add3A_121 : i32 to index
        %get3A_122 = arith.constant 0 : index
        %get3A_123 = tpu.vector_load %arg7[%get3A, %get3A_122] {strides = array<i32>} : memref<32x512xi32, #tpu.memory_space<vmem>>, vector<1x16xi32>,
        %get3A_124 = vector.shape_cast %get3A_123 : vector<1x16xi32> to vector<16xi32>
        %shift_left3A = arith.constant 16 : i32
        %shift_left3A_125 = vector.broadcast %shift_left3A : i32 to vector<16xi32>
        %shift_left3A_126 = arith.shli %get3A_124, %shift_left3A_125 : vector<16xi32>
        %bitcast_convert_type3A = tpu.bitcast %shift_left3A_126 : vector<16xi32> -> vector<16xf32>
        %bitcast_convert_type3A_127 = tpu.bitcast %get3A_124 : vector<16xi32> -> vector<16xf32>
        %swap3A = arith.index_cast %add3A_121 : i32 to index
        %swap3A_128 = arith.constant 0 : index
        %swap3A_129 = tpu.vector_load %arg9[%swap3A, %swap3A_128] {strides = array<i32>} : memref<32x1024xf32, #tpu.memory_space<vmem>>, vector<1x16xf32>,
        %swap3A_130 = vector.shape_cast %swap3A_129 : vector<1x16xf32> to vector<16xf32>
        %swap3A_131 = vector.shape_cast %bitcast_convert_type3A : vector<16xf32> to vector<1x16xf32>
        tpu.vector_store %arg9[%swap3A, %swap3A_128], %swap3A_131 {add = true, strides = array<i32>} : memref<32x1024xf32, #tpu.memory_space<vmem>>, vector<1x16xf32>,
        %swap3A_132 = arith.index_cast %add3A_121 : i32 to index
        %swap3A_133 = arith.constant 512 : index
        %swap3A_134 = tpu.vector_load %arg9[%swap3A_132, %swap3A_133] {strides = array<i32>} : memref<32x1024xf32, #tpu.memory_space<vmem>>, vector<1x16xf32>,
        %swap3A_135 = vector.shape_cast %swap3A_134 : vector<1x16xf32> to vector<16xf32>
        %swap3A_136 = vector.shape_cast %bitcast_convert_type3A_127 : vector<16xf32> to vector<1x16xf32>
        tpu.vector_store %arg9[%swap3A_132, %swap3A_133], %swap3A_136 {add = true, strides = array<i32>} : memref<32x1024xf32, #tpu.memory_space<vmem>>, vector<1x16xf32>,
        %get3A_137 = arith.index_cast %add3A_121 : i32 to index
        %get3A_138 = arith.constant 16 : index
        %get3A_139 = tpu.vector_load %arg7[%get3A_137, %get3A_138] {strides = array<i32>} : memref<32x512xi32, #tpu.memory_space<vmem>>, vector<1x16xi32>,
        %get3A_140 = vector.shape_cast %get3A_139 : vector<1x16xi32> to vector<16xi32>
        %shift_left3A_141 = arith.constant 16 : i32
        %shift_left3A_142 = vector.broadcast %shift_left3A_141 : i32 to vector<16xi32>
        %shift_left3A_143 = arith.shli %get3A_140, %shift_left3A_142 : vector<16xi32>
        %bitcast_convert_type3A_144 = tpu.bitcast %shift_left3A_143 : vector<16xi32> -> vector<16xf32>
        %bitcast_convert_type3A_145 = tpu.bitcast %get3A_140 : vector<16xi32> -> vector<16xf32>
        %swap3A_146 = arith.index_cast %add3A_121 : i32 to index
        %swap3A_147 = arith.constant 16 : index
        %swap3A_148 = tpu.vector_load %arg9[%swap3A_146, %swap3A_147] {strides = array<i32>} : memref<32x1024xf32, #tpu.memory_space<vmem>>, vector<1x16xf32>,
        %swap3A_149 = vector.shape_cast %swap3A_148 : vector<1x16xf32> to vector<16xf32>
        %swap3A_150 = vector.shape_cast %bitcast_convert_type3A_144 : vector<16xf32> to vector<1x16xf32>
        tpu.vector_store %arg9[%swap3A_146, %swap3A_147], %swap3A_150 {add = true, strides = array<i32>} : memref<32x1024xf32, #tpu.memory_space<vmem>>, vector<1x16xf32>,
        %swap3A_151 = arith.index_cast %add3A_121 : i32 to index
        %swap3A_152 = arith.constant 528 : index
        %swap3A_153 = tpu.vector_load %arg9[%swap3A_151, %swap3A_152] {strides = array<i32>} : memref<32x1024xf32, #tpu.memory_space<vmem>>, vector<1x16xf32>,
        %swap3A_154 = vector.shape_cast %swap3A_153 : vector<1x16xf32> to vector<16xf32>
        %swap3A_155 = vector.shape_cast %bitcast_convert_type3A_145 : vector<16xf32> to vector<1x16xf32>
        tpu.vector_store %arg9[%swap3A_151, %swap3A_152], %swap3A_155 {add = true, strides = array<i32>} : memref<32x1024xf32, #tpu.memory_space<vmem>>, vector<1x16xf32>,
        %get3A_156 = arith.index_cast %add3A_121 : i32 to index
        %get3A_157 = arith.constant 32 : index
        %get3A_158 = tpu.vector_load %arg7[%get3A_156, %get3A_157] {strides = array<i32>} : memref<32x512xi32, #tpu.memory_space<vmem>>, vector<1x16xi32>,
        %get3A_159 = vector.shape_cast %get3A_158 : vector<1x16xi32> to vector<16xi32>
        %shift_left3A_160 = arith.constant 16 : i32
        %shift_left3A_161 = vector.broadcast %shift_left3A_160 : i32 to vector<16xi32>
        %shift_left3A_162 = arith.shli %get3A_159, %shift_left3A_161 : vector<16xi32>
        %bitcast_convert_type3A_163 = tpu.bitcast %shift_left3A_162 : vector<16xi32> -> vector<16xf32>
        %bitcast_convert_type3A_164 = tpu.bitcast %get3A_159 : vector<16xi32> -> vector<16xf32>
        %swap3A_165 = arith.index_cast %add3A_121 : i32 to index
        %swap3A_166 = arith.constant 32 : index
        %swap3A_167 = tpu.vector_load %arg9[%swap3A_165, %swap3A_166] {strides = array<i32>} : memref<32x1024xf32, #tpu.memory_space<vmem>>, vector<1x16xf32>,
        %swap3A_168 = vector.shape_cast %swap3A_167 : vector<1x16xf32> to vector<16xf32>
        %swap3A_169 = vector.shape_cast %bitcast_convert_type3A_163 : vector<16xf32> to vector<1x16xf32>
        tpu.vector_store %arg9[%swap3A_165, %swap3A_166], %swap3A_169 {add = true, strides = array<i32>} : memref<32x1024xf32, #tpu.memory_space<vmem>>, vector<1x16xf32>,
        %swap3A_170 = arith.index_cast %add3A_121 : i32 to index
        %swap3A_171 = arith.constant 544 : index
        %swap3A_172 = tpu.vector_load %arg9[%swap3A_170, %swap3A_171] {strides = array<i32>} : memref<32x1024xf32, #tpu.memory_space<vmem>>, vector<1x16xf32>,
        %swap3A_173 = vector.shape_cast %swap3A_172 : vector<1x16xf32> to vector<16xf32>
        %swap3A_174 = vector.shape_cast %bitcast_convert_type3A_164 : vector<16xf32> to vector<1x16xf32>
        tpu.vector_store %arg9[%swap3A_170, %swap3A_171], %swap3A_174 {add = true, strides = array<i32>} : memref<32x1024xf32, #tpu.memory_space<vmem>>, vector<1x16xf32>,
        %get3A_175 = arith.index_cast %add3A_121 : i32 to index
        %get3A_176 = arith.constant 48 : index
        %get3A_177 = tpu.vector_load %arg7[%get3A_175, %get3A_176] {strides = array<i32>} : memref<32x512xi32, #tpu.memory_space<vmem>>, vector<1x16xi32>,
        %get3A_178 = vector.shape_cast %get3A_177 : vector<1x16xi32> to vector<16xi32>
        %shift_left3A_179 = arith.constant 16 : i32
        %shift_left3A_180 = vector.broadcast %shift_left3A_179 : i32 to vector<16xi32>
        %shift_left3A_181 = arith.shli %get3A_178, %shift_left3A_180 : vector<16xi32>
        %bitcast_convert_type3A_182 = tpu.bitcast %shift_left3A_181 : vector<16xi32> -> vector<16xf32>
        %bitcast_convert_type3A_183 = tpu.bitcast %get3A_178 : vector<16xi32> -> vector<16xf32>
        %swap3A_184 = arith.index_cast %add3A_121 : i32 to index
        %swap3A_185 = arith.constant 48 : index
        %swap3A_186 = tpu.vector_load %arg9[%swap3A_184, %swap3A_185] {strides = array<i32>} : memref<32x1024xf32, #tpu.memory_space<vmem>>, vector<1x16xf32>,
        %swap3A_187 = vector.shape_cast %swap3A_186 : vector<1x16xf32> to vector<16xf32>
        %swap3A_188 = vector.shape_cast %bitcast_convert_type3A_182 : vector<16xf32> to vector<1x16xf32>
        tpu.vector_store %arg9[%swap3A_184, %swap3A_185], %swap3A_188 {add = true, strides = array<i32>} : memref<32x1024xf32, #tpu.memory_space<vmem>>, vector<1x16xf32>,
        %swap3A_189 = arith.index_cast %add3A_121 : i32 to index
        %swap3A_190 = arith.constant 560 : index
        %swap3A_191 = tpu.vector_load %arg9[%swap3A_189, %swap3A_190] {strides = array<i32>} : memref<32x1024xf32, #tpu.memory_space<vmem>>, vector<1x16xf32>,
        %swap3A_192 = vector.shape_cast %swap3A_191 : vector<1x16xf32> to vector<16xf32>
        %swap3A_193 = vector.shape_cast %bitcast_convert_type3A_183 : vector<16xf32> to vector<1x16xf32>
        tpu.vector_store %arg9[%swap3A_189, %swap3A_190], %swap3A_193 {add = true, strides = array<i32>} : memref<32x1024xf32, #tpu.memory_space<vmem>>, vector<1x16xf32>,
        %get3A_194 = arith.index_cast %add3A_121 : i32 to index
        %get3A_195 = arith.constant 64 : index
        %get3A_196 = tpu.vector_load %arg7[%get3A_194, %get3A_195] {strides = array<i32>} : memref<32x512xi32, #tpu.memory_space<vmem>>, vector<1x16xi32>,
        %get3A_197 = vector.shape_cast %get3A_196 : vector<1x16xi32> to vector<16xi32>
        %shift_left3A_198 = arith.constant 16 : i32
        %shift_left3A_199 = vector.broadcast %shift_left3A_198 : i32 to vector<16xi32>
        %shift_left3A_200 = arith.shli %get3A_197, %shift_left3A_199 : vector<16xi32>
        %bitcast_convert_type3A_201 = tpu.bitcast %shift_left3A_200 : vector<16xi32> -> vector<16xf32>
        %bitcast_convert_type3A_202 = tpu.bitcast %get3A_197 : vector<16xi32> -> vector<16xf32>
        %swap3A_203 = arith.index_cast %add3A_121 : i32 to index
        %swap3A_204 = arith.constant 64 : index
        %swap3A_205 = tpu.vector_load %arg9[%swap3A_203, %swap3A_204] {strides = array<i32>} : memref<32x1024xf32, #tpu.memory_space<vmem>>, vector<1x16xf32>,
        %swap3A_206 = vector.shape_cast %swap3A_205 : vector<1x16xf32> to vector<16xf32>
        %swap3A_207 = vector.shape_cast %bitcast_convert_type3A_201 : vector<16xf32> to vector<1x16xf32>
        tpu.vector_store %arg9[%swap3A_203, %swap3A_204], %swap3A_207 {add = true, strides = array<i32>} : memref<32x1024xf32, #tpu.memory_space<vmem>>, vector<1x16xf32>,
        %swap3A_208 = arith.index_cast %add3A_121 : i32 to index
        %swap3A_209 = arith.constant 576 : index
        %swap3A_210 = tpu.vector_load %arg9[%swap3A_208, %swap3A_209] {strides = array<i32>} : memref<32x1024xf32, #tpu.memory_space<vmem>>, vector<1x16xf32>,
        %swap3A_211 = vector.shape_cast %swap3A_210 : vector<1x16xf32> to vector<16xf32>
        %swap3A_212 = vector.shape_cast %bitcast_convert_type3A_202 : vector<16xf32> to vector<1x16xf32>
        tpu.vector_store %arg9[%swap3A_208, %swap3A_209], %swap3A_212 {add = true, strides = array<i32>} : memref<32x1024xf32, #tpu.memory_space<vmem>>, vector<1x16xf32>,
        %get3A_213 = arith.index_cast %add3A_121 : i32 to index
        %get3A_214 = arith.constant 80 : index
        %get3A_215 = tpu.vector_load %arg7[%get3A_213, %get3A_214] {strides = array<i32>} : memref<32x512xi32, #tpu.memory_space<vmem>>, vector<1x16xi32>,
        %get3A_216 = vector.shape_cast %get3A_215 : vector<1x16xi32> to vector<16xi32>
        %shift_left3A_217 = arith.constant 16 : i32
        %shift_left3A_218 = vector.broadcast %shift_left3A_217 : i32 to vector<16xi32>
        %shift_left3A_219 = arith.shli %get3A_216, %shift_left3A_218 : vector<16xi32>
        %bitcast_convert_type3A_220 = tpu.bitcast %shift_left3A_219 : vector<16xi32> -> vector<16xf32>
        %bitcast_convert_type3A_221 = tpu.bitcast %get3A_216 : vector<16xi32> -> vector<16xf32>
        %swap3A_222 = arith.index_cast %add3A_121 : i32 to index
        %swap3A_223 = arith.constant 80 : index
        %swap3A_224 = tpu.vector_load %arg9[%swap3A_222, %swap3A_223] {strides = array<i32>} : memref<32x1024xf32, #tpu.memory_space<vmem>>, vector<1x16xf32>,
        %swap3A_225 = vector.shape_cast %swap3A_224 : vector<1x16xf32> to vector<16xf32>
        %swap3A_226 = vector.shape_cast %bitcast_convert_type3A_220 : vector<16xf32> to vector<1x16xf32>
        tpu.vector_store %arg9[%swap3A_222, %swap3A_223], %swap3A_226 {add = true, strides = array<i32>} : memref<32x1024xf32, #tpu.memory_space<vmem>>, vector<1x16xf32>,
        %swap3A_227 = arith.index_cast %add3A_121 : i32 to index
        %swap3A_228 = arith.constant 592 : index
        %swap3A_229 = tpu.vector_load %arg9[%swap3A_227, %swap3A_228] {strides = array<i32>} : memref<32x1024xf32, #tpu.memory_space<vmem>>, vector<1x16xf32>,
        %swap3A_230 = vector.shape_cast %swap3A_229 : vector<1x16xf32> to vector<16xf32>
        %swap3A_231 = vector.shape_cast %bitcast_convert_type3A_221 : vector<16xf32> to vector<1x16xf32>
        tpu.vector_store %arg9[%swap3A_227, %swap3A_228], %swap3A_231 {add = true, strides = array<i32>} : memref<32x1024xf32, #tpu.memory_space<vmem>>, vector<1x16xf32>,
        %get3A_232 = arith.index_cast %add3A_121 : i32 to index
        %get3A_233 = arith.constant 96 : index
        %get3A_234 = tpu.vector_load %arg7[%get3A_232, %get3A_233] {strides = array<i32>} : memref<32x512xi32, #tpu.memory_space<vmem>>, vector<1x16xi32>,
        %get3A_235 = vector.shape_cast %get3A_234 : vector<1x16xi32> to vector<16xi32>
        %shift_left3A_236 = arith.constant 16 : i32
        %shift_left3A_237 = vector.broadcast %shift_left3A_236 : i32 to vector<16xi32>
        %shift_left3A_238 = arith.shli %get3A_235, %shift_left3A_237 : vector<16xi32>
        %bitcast_convert_type3A_239 = tpu.bitcast %shift_left3A_238 : vector<16xi32> -> vector<16xf32>
        %bitcast_convert_type3A_240 = tpu.bitcast %get3A_235 : vector<16xi32> -> vector<16xf32>
        %swap3A_241 = arith.index_cast %add3A_121 : i32 to index
        %swap3A_242 = arith.constant 96 : index
        %swap3A_243 = tpu.vector_load %arg9[%swap3A_241, %swap3A_242] {strides = array<i32>} : memref<32x1024xf32, #tpu.memory_space<vmem>>, vector<1x16xf32>,
        %swap3A_244 = vector.shape_cast %swap3A_243 : vector<1x16xf32> to vector<16xf32>
        %swap3A_245 = vector.shape_cast %bitcast_convert_type3A_239 : vector<16xf32> to vector<1x16xf32>
        tpu.vector_store %arg9[%swap3A_241, %swap3A_242], %swap3A_245 {add = true, strides = array<i32>} : memref<32x1024xf32, #tpu.memory_space<vmem>>, vector<1x16xf32>,
        %swap3A_246 = arith.index_cast %add3A_121 : i32 to index
        %swap3A_247 = arith.constant 608 : index
        %swap3A_248 = tpu.vector_load %arg9[%swap3A_246, %swap3A_247] {strides = array<i32>} : memref<32x1024xf32, #tpu.memory_space<vmem>>, vector<1x16xf32>,
        %swap3A_249 = vector.shape_cast %swap3A_248 : vector<1x16xf32> to vector<16xf32>
        %swap3A_250 = vector.shape_cast %bitcast_convert_type3A_240 : vector<16xf32> to vector<1x16xf32>
        tpu.vector_store %arg9[%swap3A_246, %swap3A_247], %swap3A_250 {add = true, strides = array<i32>} : memref<32x1024xf32, #tpu.memory_space<vmem>>, vector<1x16xf32>,
        %get3A_251 = arith.index_cast %add3A_121 : i32 to index
        %get3A_252 = arith.constant 112 : index
        %get3A_253 = tpu.vector_load %arg7[%get3A_251, %get3A_252] {strides = array<i32>} : memref<32x512xi32, #tpu.memory_space<vmem>>, vector<1x16xi32>,
        %get3A_254 = vector.shape_cast %get3A_253 : vector<1x16xi32> to vector<16xi32>
        %shift_left3A_255 = arith.constant 16 : i32
        %shift_left3A_256 = vector.broadcast %shift_left3A_255 : i32 to vector<16xi32>
        %shift_left3A_257 = arith.shli %get3A_254, %shift_left3A_256 : vector<16xi32>
        %bitcast_convert_type3A_258 = tpu.bitcast %shift_left3A_257 : vector<16xi32> -> vector<16xf32>
        %bitcast_convert_type3A_259 = tpu.bitcast %get3A_254 : vector<16xi32> -> vector<16xf32>
        %swap3A_260 = arith.index_cast %add3A_121 : i32 to index
        %swap3A_261 = arith.constant 112 : index
        %swap3A_262 = tpu.vector_load %arg9[%swap3A_260, %swap3A_261] {strides = array<i32>} : memref<32x1024xf32, #tpu.memory_space<vmem>>, vector<1x16xf32>,
        %swap3A_263 = vector.shape_cast %swap3A_262 : vector<1x16xf32> to vector<16xf32>
        %swap3A_264 = vector.shape_cast %bitcast_convert_type3A_258 : vector<16xf32> to vector<1x16xf32>
        tpu.vector_store %arg9[%swap3A_260, %swap3A_261], %swap3A_264 {add = true, strides = array<i32>} : memref<32x1024xf32, #tpu.memory_space<vmem>>, vector<1x16xf32>,
        %swap3A_265 = arith.index_cast %add3A_121 : i32 to index
        %swap3A_266 = arith.constant 624 : index
        %swap3A_267 = tpu.vector_load %arg9[%swap3A_265, %swap3A_266] {strides = array<i32>} : memref<32x1024xf32, #tpu.memory_space<vmem>>, vector<1x16xf32>,
        %swap3A_268 = vector.shape_cast %swap3A_267 : vector<1x16xf32> to vector<16xf32>
        %swap3A_269 = vector.shape_cast %bitcast_convert_type3A_259 : vector<16xf32> to vector<1x16xf32>
        tpu.vector_store %arg9[%swap3A_265, %swap3A_266], %swap3A_269 {add = true, strides = array<i32>} : memref<32x1024xf32, #tpu.memory_space<vmem>>, vector<1x16xf32>,
        %get3A_270 = arith.index_cast %add3A_121 : i32 to index
        %get3A_271 = arith.constant 128 : index
        %get3A_272 = tpu.vector_load %arg7[%get3A_270, %get3A_271] {strides = array<i32>} : memref<32x512xi32, #tpu.memory_space<vmem>>, vector<1x16xi32>,
        %get3A_273 = vector.shape_cast %get3A_272 : vector<1x16xi32> to vector<16xi32>
        %shift_left3A_274 = arith.constant 16 : i32
        %shift_left3A_275 = vector.broadcast %shift_left3A_274 : i32 to vector<16xi32>
        %shift_left3A_276 = arith.shli %get3A_273, %shift_left3A_275 : vector<16xi32>
        %bitcast_convert_type3A_277 = tpu.bitcast %shift_left3A_276 : vector<16xi32> -> vector<16xf32>
        %bitcast_convert_type3A_278 = tpu.bitcast %get3A_273 : vector<16xi32> -> vector<16xf32>
        %swap3A_279 = arith.index_cast %add3A_121 : i32 to index
        %swap3A_280 = arith.constant 128 : index
        %swap3A_281 = tpu.vector_load %arg9[%swap3A_279, %swap3A_280] {strides = array<i32>} : memref<32x1024xf32, #tpu.memory_space<vmem>>, vector<1x16xf32>,
        %swap3A_282 = vector.shape_cast %swap3A_281 : vector<1x16xf32> to vector<16xf32>
        %swap3A_283 = vector.shape_cast %bitcast_convert_type3A_277 : vector<16xf32> to vector<1x16xf32>
        tpu.vector_store %arg9[%swap3A_279, %swap3A_280], %swap3A_283 {add = true, strides = array<i32>} : memref<32x1024xf32, #tpu.memory_space<vmem>>, vector<1x16xf32>,
        %swap3A_284 = arith.index_cast %add3A_121 : i32 to index
        %swap3A_285 = arith.constant 640 : index
        %swap3A_286 = tpu.vector_load %arg9[%swap3A_284, %swap3A_285] {strides = array<i32>} : memref<32x1024xf32, #tpu.memory_space<vmem>>, vector<1x16xf32>,
        %swap3A_287 = vector.shape_cast %swap3A_286 : vector<1x16xf32> to vector<16xf32>
        %swap3A_288 = vector.shape_cast %bitcast_convert_type3A_278 : vector<16xf32> to vector<1x16xf32>
        tpu.vector_store %arg9[%swap3A_284, %swap3A_285], %swap3A_288 {add = true, strides = array<i32>} : memref<32x1024xf32, #tpu.memory_space<vmem>>, vector<1x16xf32>,
        %get3A_289 = arith.index_cast %add3A_121 : i32 to index
        %get3A_290 = arith.constant 144 : index
        %get3A_291 = tpu.vector_load %arg7[%get3A_289, %get3A_290] {strides = array<i32>} : memref<32x512xi32, #tpu.memory_space<vmem>>, vector<1x16xi32>,
        %get3A_292 = vector.shape_cast %get3A_291 : vector<1x16xi32> to vector<16xi32>
        %shift_left3A_293 = arith.constant 16 : i32
        %shift_left3A_294 = vector.broadcast %shift_left3A_293 : i32 to vector<16xi32>
        %shift_left3A_295 = arith.shli %get3A_292, %shift_left3A_294 : vector<16xi32>
        %bitcast_convert_type3A_296 = tpu.bitcast %shift_left3A_295 : vector<16xi32> -> vector<16xf32>
        %bitcast_convert_type3A_297 = tpu.bitcast %get3A_292 : vector<16xi32> -> vector<16xf32>
        %swap3A_298 = arith.index_cast %add3A_121 : i32 to index
        %swap3A_299 = arith.constant 144 : index
        %swap3A_300 = tpu.vector_load %arg9[%swap3A_298, %swap3A_299] {strides = array<i32>} : memref<32x1024xf32, #tpu.memory_space<vmem>>, vector<1x16xf32>,
        %swap3A_301 = vector.shape_cast %swap3A_300 : vector<1x16xf32> to vector<16xf32>
        %swap3A_302 = vector.shape_cast %bitcast_convert_type3A_296 : vector<16xf32> to vector<1x16xf32>
        tpu.vector_store %arg9[%swap3A_298, %swap3A_299], %swap3A_302 {add = true, strides = array<i32>} : memref<32x1024xf32, #tpu.memory_space<vmem>>, vector<1x16xf32>,
        %swap3A_303 = arith.index_cast %add3A_121 : i32 to index
        %swap3A_304 = arith.constant 656 : index
        %swap3A_305 = tpu.vector_load %arg9[%swap3A_303, %swap3A_304] {strides = array<i32>} : memref<32x1024xf32, #tpu.memory_space<vmem>>, vector<1x16xf32>,
        %swap3A_306 = vector.shape_cast %swap3A_305 : vector<1x16xf32> to vector<16xf32>
        %swap3A_307 = vector.shape_cast %bitcast_convert_type3A_297 : vector<16xf32> to vector<1x16xf32>
        tpu.vector_store %arg9[%swap3A_303, %swap3A_304], %swap3A_307 {add = true, strides = array<i32>} : memref<32x1024xf32, #tpu.memory_space<vmem>>, vector<1x16xf32>,
        %get3A_308 = arith.index_cast %add3A_121 : i32 to index
        %get3A_309 = arith.constant 160 : index
        %get3A_310 = tpu.vector_load %arg7[%get3A_308, %get3A_309] {strides = array<i32>} : memref<32x512xi32, #tpu.memory_space<vmem>>, vector<1x16xi32>,
        %get3A_311 = vector.shape_cast %get3A_310 : vector<1x16xi32> to vector<16xi32>
        %shift_left3A_312 = arith.constant 16 : i32
        %shift_left3A_313 = vector.broadcast %shift_left3A_312 : i32 to vector<16xi32>
        %shift_left3A_314 = arith.shli %get3A_311, %shift_left3A_313 : vector<16xi32>
        %bitcast_convert_type3A_315 = tpu.bitcast %shift_left3A_314 : vector<16xi32> -> vector<16xf32>
        %bitcast_convert_type3A_316 = tpu.bitcast %get3A_311 : vector<16xi32> -> vector<16xf32>
        %swap3A_317 = arith.index_cast %add3A_121 : i32 to index
        %swap3A_318 = arith.constant 160 : index
        %swap3A_319 = tpu.vector_load %arg9[%swap3A_317, %swap3A_318] {strides = array<i32>} : memref<32x1024xf32, #tpu.memory_space<vmem>>, vector<1x16xf32>,
        %swap3A_320 = vector.shape_cast %swap3A_319 : vector<1x16xf32> to vector<16xf32>
        %swap3A_321 = vector.shape_cast %bitcast_convert_type3A_315 : vector<16xf32> to vector<1x16xf32>
        tpu.vector_store %arg9[%swap3A_317, %swap3A_318], %swap3A_321 {add = true, strides = array<i32>} : memref<32x1024xf32, #tpu.memory_space<vmem>>, vector<1x16xf32>,
        %swap3A_322 = arith.index_cast %add3A_121 : i32 to index
        %swap3A_323 = arith.constant 672 : index
        %swap3A_324 = tpu.vector_load %arg9[%swap3A_322, %swap3A_323] {strides = array<i32>} : memref<32x1024xf32, #tpu.memory_space<vmem>>, vector<1x16xf32>,
        %swap3A_325 = vector.shape_cast %swap3A_324 : vector<1x16xf32> to vector<16xf32>
        %swap3A_326 = vector.shape_cast %bitcast_convert_type3A_316 : vector<16xf32> to vector<1x16xf32>
        tpu.vector_store %arg9[%swap3A_322, %swap3A_323], %swap3A_326 {add = true, strides = array<i32>} : memref<32x1024xf32, #tpu.memory_space<vmem>>, vector<1x16xf32>,
        %get3A_327 = arith.index_cast %add3A_121 : i32 to index
        %get3A_328 = arith.constant 176 : index
        %get3A_329 = tpu.vector_load %arg7[%get3A_327, %get3A_328] {strides = array<i32>} : memref<32x512xi32, #tpu.memory_space<vmem>>, vector<1x16xi32>,
        %get3A_330 = vector.shape_cast %get3A_329 : vector<1x16xi32> to vector<16xi32>
        %shift_left3A_331 = arith.constant 16 : i32
        %shift_left3A_332 = vector.broadcast %shift_left3A_331 : i32 to vector<16xi32>
        %shift_left3A_333 = arith.shli %get3A_330, %shift_left3A_332 : vector<16xi32>
        %bitcast_convert_type3A_334 = tpu.bitcast %shift_left3A_333 : vector<16xi32> -> vector<16xf32>
        %bitcast_convert_type3A_335 = tpu.bitcast %get3A_330 : vector<16xi32> -> vector<16xf32>
        %swap3A_336 = arith.index_cast %add3A_121 : i32 to index
        %swap3A_337 = arith.constant 176 : index
        %swap3A_338 = tpu.vector_load %arg9[%swap3A_336, %swap3A_337] {strides = array<i32>} : memref<32x1024xf32, #tpu.memory_space<vmem>>, vector<1x16xf32>,
        %swap3A_339 = vector.shape_cast %swap3A_338 : vector<1x16xf32> to vector<16xf32>
        %swap3A_340 = vector.shape_cast %bitcast_convert_type3A_334 : vector<16xf32> to vector<1x16xf32>
        tpu.vector_store %arg9[%swap3A_336, %swap3A_337], %swap3A_340 {add = true, strides = array<i32>} : memref<32x1024xf32, #tpu.memory_space<vmem>>, vector<1x16xf32>,
        %swap3A_341 = arith.index_cast %add3A_121 : i32 to index
        %swap3A_342 = arith.constant 688 : index
        %swap3A_343 = tpu.vector_load %arg9[%swap3A_341, %swap3A_342] {strides = array<i32>} : memref<32x1024xf32, #tpu.memory_space<vmem>>, vector<1x16xf32>,
        %swap3A_344 = vector.shape_cast %swap3A_343 : vector<1x16xf32> to vector<16xf32>
        %swap3A_345 = vector.shape_cast %bitcast_convert_type3A_335 : vector<16xf32> to vector<1x16xf32>
        tpu.vector_store %arg9[%swap3A_341, %swap3A_342], %swap3A_345 {add = true, strides = array<i32>} : memref<32x1024xf32, #tpu.memory_space<vmem>>, vector<1x16xf32>,
        %get3A_346 = arith.index_cast %add3A_121 : i32 to index
        %get3A_347 = arith.constant 192 : index
        %get3A_348 = tpu.vector_load %arg7[%get3A_346, %get3A_347] {strides = array<i32>} : memref<32x512xi32, #tpu.memory_space<vmem>>, vector<1x16xi32>,
        %get3A_349 = vector.shape_cast %get3A_348 : vector<1x16xi32> to vector<16xi32>
        %shift_left3A_350 = arith.constant 16 : i32
        %shift_left3A_351 = vector.broadcast %shift_left3A_350 : i32 to vector<16xi32>
        %shift_left3A_352 = arith.shli %get3A_349, %shift_left3A_351 : vector<16xi32>
        %bitcast_convert_type3A_353 = tpu.bitcast %shift_left3A_352 : vector<16xi32> -> vector<16xf32>
        %bitcast_convert_type3A_354 = tpu.bitcast %get3A_349 : vector<16xi32> -> vector<16xf32>
        %swap3A_355 = arith.index_cast %add3A_121 : i32 to index
        %swap3A_356 = arith.constant 192 : index
        %swap3A_357 = tpu.vector_load %arg9[%swap3A_355, %swap3A_356] {strides = array<i32>} : memref<32x1024xf32, #tpu.memory_space<vmem>>, vector<1x16xf32>,
        %swap3A_358 = vector.shape_cast %swap3A_357 : vector<1x16xf32> to vector<16xf32>
        %swap3A_359 = vector.shape_cast %bitcast_convert_type3A_353 : vector<16xf32> to vector<1x16xf32>
        tpu.vector_store %arg9[%swap3A_355, %swap3A_356], %swap3A_359 {add = true, strides = array<i32>} : memref<32x1024xf32, #tpu.memory_space<vmem>>, vector<1x16xf32>,
        %swap3A_360 = arith.index_cast %add3A_121 : i32 to index
        %swap3A_361 = arith.constant 704 : index
        %swap3A_362 = tpu.vector_load %arg9[%swap3A_360, %swap3A_361] {strides = array<i32>} : memref<32x1024xf32, #tpu.memory_space<vmem>>, vector<1x16xf32>,
        %swap3A_363 = vector.shape_cast %swap3A_362 : vector<1x16xf32> to vector<16xf32>
        %swap3A_364 = vector.shape_cast %bitcast_convert_type3A_354 : vector<16xf32> to vector<1x16xf32>
        tpu.vector_store %arg9[%swap3A_360, %swap3A_361], %swap3A_364 {add = true, strides = array<i32>} : memref<32x1024xf32, #tpu.memory_space<vmem>>, vector<1x16xf32>,
        %get3A_365 = arith.index_cast %add3A_121 : i32 to index
        %get3A_366 = arith.constant 208 : index
        %get3A_367 = tpu.vector_load %arg7[%get3A_365, %get3A_366] {strides = array<i32>} : memref<32x512xi32, #tpu.memory_space<vmem>>, vector<1x16xi32>,
        %get3A_368 = vector.shape_cast %get3A_367 : vector<1x16xi32> to vector<16xi32>
        %shift_left3A_369 = arith.constant 16 : i32
        %shift_left3A_370 = vector.broadcast %shift_left3A_369 : i32 to vector<16xi32>
        %shift_left3A_371 = arith.shli %get3A_368, %shift_left3A_370 : vector<16xi32>
        %bitcast_convert_type3A_372 = tpu.bitcast %shift_left3A_371 : vector<16xi32> -> vector<16xf32>
        %bitcast_convert_type3A_373 = tpu.bitcast %get3A_368 : vector<16xi32> -> vector<16xf32>
        %swap3A_374 = arith.index_cast %add3A_121 : i32 to index
        %swap3A_375 = arith.constant 208 : index
        %swap3A_376 = tpu.vector_load %arg9[%swap3A_374, %swap3A_375] {strides = array<i32>} : memref<32x1024xf32, #tpu.memory_space<vmem>>, vector<1x16xf32>,
        %swap3A_377 = vector.shape_cast %swap3A_376 : vector<1x16xf32> to vector<16xf32>
        %swap3A_378 = vector.shape_cast %bitcast_convert_type3A_372 : vector<16xf32> to vector<1x16xf32>
        tpu.vector_store %arg9[%swap3A_374, %swap3A_375], %swap3A_378 {add = true, strides = array<i32>} : memref<32x1024xf32, #tpu.memory_space<vmem>>, vector<1x16xf32>,
        %swap3A_379 = arith.index_cast %add3A_121 : i32 to index
        %swap3A_380 = arith.constant 720 : index
        %swap3A_381 = tpu.vector_load %arg9[%swap3A_379, %swap3A_380] {strides = array<i32>} : memref<32x1024xf32, #tpu.memory_space<vmem>>, vector<1x16xf32>,
        %swap3A_382 = vector.shape_cast %swap3A_381 : vector<1x16xf32> to vector<16xf32>
        %swap3A_383 = vector.shape_cast %bitcast_convert_type3A_373 : vector<16xf32> to vector<1x16xf32>
        tpu.vector_store %arg9[%swap3A_379, %swap3A_380], %swap3A_383 {add = true, strides = array<i32>} : memref<32x1024xf32, #tpu.memory_space<vmem>>, vector<1x16xf32>,
        %get3A_384 = arith.index_cast %add3A_121 : i32 to index
        %get3A_385 = arith.constant 224 : index
        %get3A_386 = tpu.vector_load %arg7[%get3A_384, %get3A_385] {strides = array<i32>} : memref<32x512xi32, #tpu.memory_space<vmem>>, vector<1x16xi32>,
        %get3A_387 = vector.shape_cast %get3A_386 : vector<1x16xi32> to vector<16xi32>
        %shift_left3A_388 = arith.constant 16 : i32
        %shift_left3A_389 = vector.broadcast %shift_left3A_388 : i32 to vector<16xi32>
        %shift_left3A_390 = arith.shli %get3A_387, %shift_left3A_389 : vector<16xi32>
        %bitcast_convert_type3A_391 = tpu.bitcast %shift_left3A_390 : vector<16xi32> -> vector<16xf32>
        %bitcast_convert_type3A_392 = tpu.bitcast %get3A_387 : vector<16xi32> -> vector<16xf32>
        %swap3A_393 = arith.index_cast %add3A_121 : i32 to index
        %swap3A_394 = arith.constant 224 : index
        %swap3A_395 = tpu.vector_load %arg9[%swap3A_393, %swap3A_394] {strides = array<i32>} : memref<32x1024xf32, #tpu.memory_space<vmem>>, vector<1x16xf32>,
        %swap3A_396 = vector.shape_cast %swap3A_395 : vector<1x16xf32> to vector<16xf32>
        %swap3A_397 = vector.shape_cast %bitcast_convert_type3A_391 : vector<16xf32> to vector<1x16xf32>
        tpu.vector_store %arg9[%swap3A_393, %swap3A_394], %swap3A_397 {add = true, strides = array<i32>} : memref<32x1024xf32, #tpu.memory_space<vmem>>, vector<1x16xf32>,
        %swap3A_398 = arith.index_cast %add3A_121 : i32 to index
        %swap3A_399 = arith.constant 736 : index
        %swap3A_400 = tpu.vector_load %arg9[%swap3A_398, %swap3A_399] {strides = array<i32>} : memref<32x1024xf32, #tpu.memory_space<vmem>>, vector<1x16xf32>,
        %swap3A_401 = vector.shape_cast %swap3A_400 : vector<1x16xf32> to vector<16xf32>
        %swap3A_402 = vector.shape_cast %bitcast_convert_type3A_392 : vector<16xf32> to vector<1x16xf32>
        tpu.vector_store %arg9[%swap3A_398, %swap3A_399], %swap3A_402 {add = true, strides = array<i32>} : memref<32x1024xf32, #tpu.memory_space<vmem>>, vector<1x16xf32>,
        %get3A_403 = arith.index_cast %add3A_121 : i32 to index
        %get3A_404 = arith.constant 240 : index
        %get3A_405 = tpu.vector_load %arg7[%get3A_403, %get3A_404] {strides = array<i32>} : memref<32x512xi32, #tpu.memory_space<vmem>>, vector<1x16xi32>,
        %get3A_406 = vector.shape_cast %get3A_405 : vector<1x16xi32> to vector<16xi32>
        %shift_left3A_407 = arith.constant 16 : i32
        %shift_left3A_408 = vector.broadcast %shift_left3A_407 : i32 to vector<16xi32>
        %shift_left3A_409 = arith.shli %get3A_406, %shift_left3A_408 : vector<16xi32>
        %bitcast_convert_type3A_410 = tpu.bitcast %shift_left3A_409 : vector<16xi32> -> vector<16xf32>
        %bitcast_convert_type3A_411 = tpu.bitcast %get3A_406 : vector<16xi32> -> vector<16xf32>
        %swap3A_412 = arith.index_cast %add3A_121 : i32 to index
        %swap3A_413 = arith.constant 240 : index
        %swap3A_414 = tpu.vector_load %arg9[%swap3A_412, %swap3A_413] {strides = array<i32>} : memref<32x1024xf32, #tpu.memory_space<vmem>>, vector<1x16xf32>,
        %swap3A_415 = vector.shape_cast %swap3A_414 : vector<1x16xf32> to vector<16xf32>
        %swap3A_416 = vector.shape_cast %bitcast_convert_type3A_410 : vector<16xf32> to vector<1x16xf32>
        tpu.vector_store %arg9[%swap3A_412, %swap3A_413], %swap3A_416 {add = true, strides = array<i32>} : memref<32x1024xf32, #tpu.memory_space<vmem>>, vector<1x16xf32>,
        %swap3A_417 = arith.index_cast %add3A_121 : i32 to index
        %swap3A_418 = arith.constant 752 : index
        %swap3A_419 = tpu.vector_load %arg9[%swap3A_417, %swap3A_418] {strides = array<i32>} : memref<32x1024xf32, #tpu.memory_space<vmem>>, vector<1x16xf32>,
        %swap3A_420 = vector.shape_cast %swap3A_419 : vector<1x16xf32> to vector<16xf32>
        %swap3A_421 = vector.shape_cast %bitcast_convert_type3A_411 : vector<16xf32> to vector<1x16xf32>
        tpu.vector_store %arg9[%swap3A_417, %swap3A_418], %swap3A_421 {add = true, strides = array<i32>} : memref<32x1024xf32, #tpu.memory_space<vmem>>, vector<1x16xf32>,
        %get3A_422 = arith.index_cast %add3A_121 : i32 to index
        %get3A_423 = arith.constant 256 : index
        %get3A_424 = tpu.vector_load %arg7[%get3A_422, %get3A_423] {strides = array<i32>} : memref<32x512xi32, #tpu.memory_space<vmem>>, vector<1x16xi32>,
        %get3A_425 = vector.shape_cast %get3A_424 : vector<1x16xi32> to vector<16xi32>
        %shift_left3A_426 = arith.constant 16 : i32
        %shift_left3A_427 = vector.broadcast %shift_left3A_426 : i32 to vector<16xi32>
        %shift_left3A_428 = arith.shli %get3A_425, %shift_left3A_427 : vector<16xi32>
        %bitcast_convert_type3A_429 = tpu.bitcast %shift_left3A_428 : vector<16xi32> -> vector<16xf32>
        %bitcast_convert_type3A_430 = tpu.bitcast %get3A_425 : vector<16xi32> -> vector<16xf32>
        %swap3A_431 = arith.index_cast %add3A_121 : i32 to index
        %swap3A_432 = arith.constant 256 : index
        %swap3A_433 = tpu.vector_load %arg9[%swap3A_431, %swap3A_432] {strides = array<i32>} : memref<32x1024xf32, #tpu.memory_space<vmem>>, vector<1x16xf32>,
        %swap3A_434 = vector.shape_cast %swap3A_433 : vector<1x16xf32> to vector<16xf32>
        %swap3A_435 = vector.shape_cast %bitcast_convert_type3A_429 : vector<16xf32> to vector<1x16xf32>
        tpu.vector_store %arg9[%swap3A_431, %swap3A_432], %swap3A_435 {add = true, strides = array<i32>} : memref<32x1024xf32, #tpu.memory_space<vmem>>, vector<1x16xf32>,
        %swap3A_436 = arith.index_cast %add3A_121 : i32 to index
        %swap3A_437 = arith.constant 768 : index
        %swap3A_438 = tpu.vector_load %arg9[%swap3A_436, %swap3A_437] {strides = array<i32>} : memref<32x1024xf32, #tpu.memory_space<vmem>>, vector<1x16xf32>,
        %swap3A_439 = vector.shape_cast %swap3A_438 : vector<1x16xf32> to vector<16xf32>
        %swap3A_440 = vector.shape_cast %bitcast_convert_type3A_430 : vector<16xf32> to vector<1x16xf32>
        tpu.vector_store %arg9[%swap3A_436, %swap3A_437], %swap3A_440 {add = true, strides = array<i32>} : memref<32x1024xf32, #tpu.memory_space<vmem>>, vector<1x16xf32>,
        %get3A_441 = arith.index_cast %add3A_121 : i32 to index
        %get3A_442 = arith.constant 272 : index
        %get3A_443 = tpu.vector_load %arg7[%get3A_441, %get3A_442] {strides = array<i32>} : memref<32x512xi32, #tpu.memory_space<vmem>>, vector<1x16xi32>,
        %get3A_444 = vector.shape_cast %get3A_443 : vector<1x16xi32> to vector<16xi32>
        %shift_left3A_445 = arith.constant 16 : i32
        %shift_left3A_446 = vector.broadcast %shift_left3A_445 : i32 to vector<16xi32>
        %shift_left3A_447 = arith.shli %get3A_444, %shift_left3A_446 : vector<16xi32>
        %bitcast_convert_type3A_448 = tpu.bitcast %shift_left3A_447 : vector<16xi32> -> vector<16xf32>
        %bitcast_convert_type3A_449 = tpu.bitcast %get3A_444 : vector<16xi32> -> vector<16xf32>
        %swap3A_450 = arith.index_cast %add3A_121 : i32 to index
        %swap3A_451 = arith.constant 272 : index
        %swap3A_452 = tpu.vector_load %arg9[%swap3A_450, %swap3A_451] {strides = array<i32>} : memref<32x1024xf32, #tpu.memory_space<vmem>>, vector<1x16xf32>,
        %swap3A_453 = vector.shape_cast %swap3A_452 : vector<1x16xf32> to vector<16xf32>
        %swap3A_454 = vector.shape_cast %bitcast_convert_type3A_448 : vector<16xf32> to vector<1x16xf32>
        tpu.vector_store %arg9[%swap3A_450, %swap3A_451], %swap3A_454 {add = true, strides = array<i32>} : memref<32x1024xf32, #tpu.memory_space<vmem>>, vector<1x16xf32>,
        %swap3A_455 = arith.index_cast %add3A_121 : i32 to index
        %swap3A_456 = arith.constant 784 : index
        %swap3A_457 = tpu.vector_load %arg9[%swap3A_455, %swap3A_456] {strides = array<i32>} : memref<32x1024xf32, #tpu.memory_space<vmem>>, vector<1x16xf32>,
        %swap3A_458 = vector.shape_cast %swap3A_457 : vector<1x16xf32> to vector<16xf32>
        %swap3A_459 = vector.shape_cast %bitcast_convert_type3A_449 : vector<16xf32> to vector<1x16xf32>
        tpu.vector_store %arg9[%swap3A_455, %swap3A_456], %swap3A_459 {add = true, strides = array<i32>} : memref<32x1024xf32, #tpu.memory_space<vmem>>, vector<1x16xf32>,
        %get3A_460 = arith.index_cast %add3A_121 : i32 to index
        %get3A_461 = arith.constant 288 : index
        %get3A_462 = tpu.vector_load %arg7[%get3A_460, %get3A_461] {strides = array<i32>} : memref<32x512xi32, #tpu.memory_space<vmem>>, vector<1x16xi32>,
        %get3A_463 = vector.shape_cast %get3A_462 : vector<1x16xi32> to vector<16xi32>
        %shift_left3A_464 = arith.constant 16 : i32
        %shift_left3A_465 = vector.broadcast %shift_left3A_464 : i32 to vector<16xi32>
        %shift_left3A_466 = arith.shli %get3A_463, %shift_left3A_465 : vector<16xi32>
        %bitcast_convert_type3A_467 = tpu.bitcast %shift_left3A_466 : vector<16xi32> -> vector<16xf32>
        %bitcast_convert_type3A_468 = tpu.bitcast %get3A_463 : vector<16xi32> -> vector<16xf32>
        %swap3A_469 = arith.index_cast %add3A_121 : i32 to index
        %swap3A_470 = arith.constant 288 : index
        %swap3A_471 = tpu.vector_load %arg9[%swap3A_469, %swap3A_470] {strides = array<i32>} : memref<32x1024xf32, #tpu.memory_space<vmem>>, vector<1x16xf32>,
        %swap3A_472 = vector.shape_cast %swap3A_471 : vector<1x16xf32> to vector<16xf32>
        %swap3A_473 = vector.shape_cast %bitcast_convert_type3A_467 : vector<16xf32> to vector<1x16xf32>
        tpu.vector_store %arg9[%swap3A_469, %swap3A_470], %swap3A_473 {add = true, strides = array<i32>} : memref<32x1024xf32, #tpu.memory_space<vmem>>, vector<1x16xf32>,
        %swap3A_474 = arith.index_cast %add3A_121 : i32 to index
        %swap3A_475 = arith.constant 800 : index
        %swap3A_476 = tpu.vector_load %arg9[%swap3A_474, %swap3A_475] {strides = array<i32>} : memref<32x1024xf32, #tpu.memory_space<vmem>>, vector<1x16xf32>,
        %swap3A_477 = vector.shape_cast %swap3A_476 : vector<1x16xf32> to vector<16xf32>
        %swap3A_478 = vector.shape_cast %bitcast_convert_type3A_468 : vector<16xf32> to vector<1x16xf32>
        tpu.vector_store %arg9[%swap3A_474, %swap3A_475], %swap3A_478 {add = true, strides = array<i32>} : memref<32x1024xf32, #tpu.memory_space<vmem>>, vector<1x16xf32>,
        %get3A_479 = arith.index_cast %add3A_121 : i32 to index
        %get3A_480 = arith.constant 304 : index
        %get3A_481 = tpu.vector_load %arg7[%get3A_479, %get3A_480] {strides = array<i32>} : memref<32x512xi32, #tpu.memory_space<vmem>>, vector<1x16xi32>,
        %get3A_482 = vector.shape_cast %get3A_481 : vector<1x16xi32> to vector<16xi32>
        %shift_left3A_483 = arith.constant 16 : i32
        %shift_left3A_484 = vector.broadcast %shift_left3A_483 : i32 to vector<16xi32>
        %shift_left3A_485 = arith.shli %get3A_482, %shift_left3A_484 : vector<16xi32>
        %bitcast_convert_type3A_486 = tpu.bitcast %shift_left3A_485 : vector<16xi32> -> vector<16xf32>
        %bitcast_convert_type3A_487 = tpu.bitcast %get3A_482 : vector<16xi32> -> vector<16xf32>
        %swap3A_488 = arith.index_cast %add3A_121 : i32 to index
        %swap3A_489 = arith.constant 304 : index
        %swap3A_490 = tpu.vector_load %arg9[%swap3A_488, %swap3A_489] {strides = array<i32>} : memref<32x1024xf32, #tpu.memory_space<vmem>>, vector<1x16xf32>,
        %swap3A_491 = vector.shape_cast %swap3A_490 : vector<1x16xf32> to vector<16xf32>
        %swap3A_492 = vector.shape_cast %bitcast_convert_type3A_486 : vector<16xf32> to vector<1x16xf32>
        tpu.vector_store %arg9[%swap3A_488, %swap3A_489], %swap3A_492 {add = true, strides = array<i32>} : memref<32x1024xf32, #tpu.memory_space<vmem>>, vector<1x16xf32>,
        %swap3A_493 = arith.index_cast %add3A_121 : i32 to index
        %swap3A_494 = arith.constant 816 : index
        %swap3A_495 = tpu.vector_load %arg9[%swap3A_493, %swap3A_494] {strides = array<i32>} : memref<32x1024xf32, #tpu.memory_space<vmem>>, vector<1x16xf32>,
        %swap3A_496 = vector.shape_cast %swap3A_495 : vector<1x16xf32> to vector<16xf32>
        %swap3A_497 = vector.shape_cast %bitcast_convert_type3A_487 : vector<16xf32> to vector<1x16xf32>
        tpu.vector_store %arg9[%swap3A_493, %swap3A_494], %swap3A_497 {add = true, strides = array<i32>} : memref<32x1024xf32, #tpu.memory_space<vmem>>, vector<1x16xf32>,
        %get3A_498 = arith.index_cast %add3A_121 : i32 to index
        %get3A_499 = arith.constant 320 : index
        %get3A_500 = tpu.vector_load %arg7[%get3A_498, %get3A_499] {strides = array<i32>} : memref<32x512xi32, #tpu.memory_space<vmem>>, vector<1x16xi32>,
        %get3A_501 = vector.shape_cast %get3A_500 : vector<1x16xi32> to vector<16xi32>
        %shift_left3A_502 = arith.constant 16 : i32
        %shift_left3A_503 = vector.broadcast %shift_left3A_502 : i32 to vector<16xi32>
        %shift_left3A_504 = arith.shli %get3A_501, %shift_left3A_503 : vector<16xi32>
        %bitcast_convert_type3A_505 = tpu.bitcast %shift_left3A_504 : vector<16xi32> -> vector<16xf32>
        %bitcast_convert_type3A_506 = tpu.bitcast %get3A_501 : vector<16xi32> -> vector<16xf32>
        %swap3A_507 = arith.index_cast %add3A_121 : i32 to index
        %swap3A_508 = arith.constant 320 : index
        %swap3A_509 = tpu.vector_load %arg9[%swap3A_507, %swap3A_508] {strides = array<i32>} : memref<32x1024xf32, #tpu.memory_space<vmem>>, vector<1x16xf32>,
        %swap3A_510 = vector.shape_cast %swap3A_509 : vector<1x16xf32> to vector<16xf32>
        %swap3A_511 = vector.shape_cast %bitcast_convert_type3A_505 : vector<16xf32> to vector<1x16xf32>
        tpu.vector_store %arg9[%swap3A_507, %swap3A_508], %swap3A_511 {add = true, strides = array<i32>} : memref<32x1024xf32, #tpu.memory_space<vmem>>, vector<1x16xf32>,
        %swap3A_512 = arith.index_cast %add3A_121 : i32 to index
        %swap3A_513 = arith.constant 832 : index
        %swap3A_514 = tpu.vector_load %arg9[%swap3A_512, %swap3A_513] {strides = array<i32>} : memref<32x1024xf32, #tpu.memory_space<vmem>>, vector<1x16xf32>,
        %swap3A_515 = vector.shape_cast %swap3A_514 : vector<1x16xf32> to vector<16xf32>
        %swap3A_516 = vector.shape_cast %bitcast_convert_type3A_506 : vector<16xf32> to vector<1x16xf32>
        tpu.vector_store %arg9[%swap3A_512, %swap3A_513], %swap3A_516 {add = true, strides = array<i32>} : memref<32x1024xf32, #tpu.memory_space<vmem>>, vector<1x16xf32>,
        %get3A_517 = arith.index_cast %add3A_121 : i32 to index
        %get3A_518 = arith.constant 336 : index
        %get3A_519 = tpu.vector_load %arg7[%get3A_517, %get3A_518] {strides = array<i32>} : memref<32x512xi32, #tpu.memory_space<vmem>>, vector<1x16xi32>,
        %get3A_520 = vector.shape_cast %get3A_519 : vector<1x16xi32> to vector<16xi32>
        %shift_left3A_521 = arith.constant 16 : i32
        %shift_left3A_522 = vector.broadcast %shift_left3A_521 : i32 to vector<16xi32>
        %shift_left3A_523 = arith.shli %get3A_520, %shift_left3A_522 : vector<16xi32>
        %bitcast_convert_type3A_524 = tpu.bitcast %shift_left3A_523 : vector<16xi32> -> vector<16xf32>
        %bitcast_convert_type3A_525 = tpu.bitcast %get3A_520 : vector<16xi32> -> vector<16xf32>
        %swap3A_526 = arith.index_cast %add3A_121 : i32 to index
        %swap3A_527 = arith.constant 336 : index
        %swap3A_528 = tpu.vector_load %arg9[%swap3A_526, %swap3A_527] {strides = array<i32>} : memref<32x1024xf32, #tpu.memory_space<vmem>>, vector<1x16xf32>,
        %swap3A_529 = vector.shape_cast %swap3A_528 : vector<1x16xf32> to vector<16xf32>
        %swap3A_530 = vector.shape_cast %bitcast_convert_type3A_524 : vector<16xf32> to vector<1x16xf32>
        tpu.vector_store %arg9[%swap3A_526, %swap3A_527], %swap3A_530 {add = true, strides = array<i32>} : memref<32x1024xf32, #tpu.memory_space<vmem>>, vector<1x16xf32>,
        %swap3A_531 = arith.index_cast %add3A_121 : i32 to index
        %swap3A_532 = arith.constant 848 : index
        %swap3A_533 = tpu.vector_load %arg9[%swap3A_531, %swap3A_532] {strides = array<i32>} : memref<32x1024xf32, #tpu.memory_space<vmem>>, vector<1x16xf32>,
        %swap3A_534 = vector.shape_cast %swap3A_533 : vector<1x16xf32> to vector<16xf32>
        %swap3A_535 = vector.shape_cast %bitcast_convert_type3A_525 : vector<16xf32> to vector<1x16xf32>
        tpu.vector_store %arg9[%swap3A_531, %swap3A_532], %swap3A_535 {add = true, strides = array<i32>} : memref<32x1024xf32, #tpu.memory_space<vmem>>, vector<1x16xf32>,
        %get3A_536 = arith.index_cast %add3A_121 : i32 to index
        %get3A_537 = arith.constant 352 : index
        %get3A_538 = tpu.vector_load %arg7[%get3A_536, %get3A_537] {strides = array<i32>} : memref<32x512xi32, #tpu.memory_space<vmem>>, vector<1x16xi32>,
        %get3A_539 = vector.shape_cast %get3A_538 : vector<1x16xi32> to vector<16xi32>
        %shift_left3A_540 = arith.constant 16 : i32
        %shift_left3A_541 = vector.broadcast %shift_left3A_540 : i32 to vector<16xi32>
        %shift_left3A_542 = arith.shli %get3A_539, %shift_left3A_541 : vector<16xi32>
        %bitcast_convert_type3A_543 = tpu.bitcast %shift_left3A_542 : vector<16xi32> -> vector<16xf32>
        %bitcast_convert_type3A_544 = tpu.bitcast %get3A_539 : vector<16xi32> -> vector<16xf32>
        %swap3A_545 = arith.index_cast %add3A_121 : i32 to index
        %swap3A_546 = arith.constant 352 : index
        %swap3A_547 = tpu.vector_load %arg9[%swap3A_545, %swap3A_546] {strides = array<i32>} : memref<32x1024xf32, #tpu.memory_space<vmem>>, vector<1x16xf32>,
        %swap3A_548 = vector.shape_cast %swap3A_547 : vector<1x16xf32> to vector<16xf32>
        %swap3A_549 = vector.shape_cast %bitcast_convert_type3A_543 : vector<16xf32> to vector<1x16xf32>
        tpu.vector_store %arg9[%swap3A_545, %swap3A_546], %swap3A_549 {add = true, strides = array<i32>} : memref<32x1024xf32, #tpu.memory_space<vmem>>, vector<1x16xf32>,
        %swap3A_550 = arith.index_cast %add3A_121 : i32 to index
        %swap3A_551 = arith.constant 864 : index
        %swap3A_552 = tpu.vector_load %arg9[%swap3A_550, %swap3A_551] {strides = array<i32>} : memref<32x1024xf32, #tpu.memory_space<vmem>>, vector<1x16xf32>,
        %swap3A_553 = vector.shape_cast %swap3A_552 : vector<1x16xf32> to vector<16xf32>
        %swap3A_554 = vector.shape_cast %bitcast_convert_type3A_544 : vector<16xf32> to vector<1x16xf32>
        tpu.vector_store %arg9[%swap3A_550, %swap3A_551], %swap3A_554 {add = true, strides = array<i32>} : memref<32x1024xf32, #tpu.memory_space<vmem>>, vector<1x16xf32>,
        %get3A_555 = arith.index_cast %add3A_121 : i32 to index
        %get3A_556 = arith.constant 368 : index
        %get3A_557 = tpu.vector_load %arg7[%get3A_555, %get3A_556] {strides = array<i32>} : memref<32x512xi32, #tpu.memory_space<vmem>>, vector<1x16xi32>,
        %get3A_558 = vector.shape_cast %get3A_557 : vector<1x16xi32> to vector<16xi32>
        %shift_left3A_559 = arith.constant 16 : i32
        %shift_left3A_560 = vector.broadcast %shift_left3A_559 : i32 to vector<16xi32>
        %shift_left3A_561 = arith.shli %get3A_558, %shift_left3A_560 : vector<16xi32>
        %bitcast_convert_type3A_562 = tpu.bitcast %shift_left3A_561 : vector<16xi32> -> vector<16xf32>
        %bitcast_convert_type3A_563 = tpu.bitcast %get3A_558 : vector<16xi32> -> vector<16xf32>
        %swap3A_564 = arith.index_cast %add3A_121 : i32 to index
        %swap3A_565 = arith.constant 368 : index
        %swap3A_566 = tpu.vector_load %arg9[%swap3A_564, %swap3A_565] {strides = array<i32>} : memref<32x1024xf32, #tpu.memory_space<vmem>>, vector<1x16xf32>,
        %swap3A_567 = vector.shape_cast %swap3A_566 : vector<1x16xf32> to vector<16xf32>
        %swap3A_568 = vector.shape_cast %bitcast_convert_type3A_562 : vector<16xf32> to vector<1x16xf32>
        tpu.vector_store %arg9[%swap3A_564, %swap3A_565], %swap3A_568 {add = true, strides = array<i32>} : memref<32x1024xf32, #tpu.memory_space<vmem>>, vector<1x16xf32>,
        %swap3A_569 = arith.index_cast %add3A_121 : i32 to index
        %swap3A_570 = arith.constant 880 : index
        %swap3A_571 = tpu.vector_load %arg9[%swap3A_569, %swap3A_570] {strides = array<i32>} : memref<32x1024xf32, #tpu.memory_space<vmem>>, vector<1x16xf32>,
        %swap3A_572 = vector.shape_cast %swap3A_571 : vector<1x16xf32> to vector<16xf32>
        %swap3A_573 = vector.shape_cast %bitcast_convert_type3A_563 : vector<16xf32> to vector<1x16xf32>
        tpu.vector_store %arg9[%swap3A_569, %swap3A_570], %swap3A_573 {add = true, strides = array<i32>} : memref<32x1024xf32, #tpu.memory_space<vmem>>, vector<1x16xf32>,
        %get3A_574 = arith.index_cast %add3A_121 : i32 to index
        %get3A_575 = arith.constant 384 : index
        %get3A_576 = tpu.vector_load %arg7[%get3A_574, %get3A_575] {strides = array<i32>} : memref<32x512xi32, #tpu.memory_space<vmem>>, vector<1x16xi32>,
        %get3A_577 = vector.shape_cast %get3A_576 : vector<1x16xi32> to vector<16xi32>
        %shift_left3A_578 = arith.constant 16 : i32
        %shift_left3A_579 = vector.broadcast %shift_left3A_578 : i32 to vector<16xi32>
        %shift_left3A_580 = arith.shli %get3A_577, %shift_left3A_579 : vector<16xi32>
        %bitcast_convert_type3A_581 = tpu.bitcast %shift_left3A_580 : vector<16xi32> -> vector<16xf32>
        %bitcast_convert_type3A_582 = tpu.bitcast %get3A_577 : vector<16xi32> -> vector<16xf32>
        %swap3A_583 = arith.index_cast %add3A_121 : i32 to index
        %swap3A_584 = arith.constant 384 : index
        %swap3A_585 = tpu.vector_load %arg9[%swap3A_583, %swap3A_584] {strides = array<i32>} : memref<32x1024xf32, #tpu.memory_space<vmem>>, vector<1x16xf32>,
        %swap3A_586 = vector.shape_cast %swap3A_585 : vector<1x16xf32> to vector<16xf32>
        %swap3A_587 = vector.shape_cast %bitcast_convert_type3A_581 : vector<16xf32> to vector<1x16xf32>
        tpu.vector_store %arg9[%swap3A_583, %swap3A_584], %swap3A_587 {add = true, strides = array<i32>} : memref<32x1024xf32, #tpu.memory_space<vmem>>, vector<1x16xf32>,
        %swap3A_588 = arith.index_cast %add3A_121 : i32 to index
        %swap3A_589 = arith.constant 896 : index
        %swap3A_590 = tpu.vector_load %arg9[%swap3A_588, %swap3A_589] {strides = array<i32>} : memref<32x1024xf32, #tpu.memory_space<vmem>>, vector<1x16xf32>,
        %swap3A_591 = vector.shape_cast %swap3A_590 : vector<1x16xf32> to vector<16xf32>
        %swap3A_592 = vector.shape_cast %bitcast_convert_type3A_582 : vector<16xf32> to vector<1x16xf32>
        tpu.vector_store %arg9[%swap3A_588, %swap3A_589], %swap3A_592 {add = true, strides = array<i32>} : memref<32x1024xf32, #tpu.memory_space<vmem>>, vector<1x16xf32>,
        %get3A_593 = arith.index_cast %add3A_121 : i32 to index
        %get3A_594 = arith.constant 400 : index
        %get3A_595 = tpu.vector_load %arg7[%get3A_593, %get3A_594] {strides = array<i32>} : memref<32x512xi32, #tpu.memory_space<vmem>>, vector<1x16xi32>,
        %get3A_596 = vector.shape_cast %get3A_595 : vector<1x16xi32> to vector<16xi32>
        %shift_left3A_597 = arith.constant 16 : i32
        %shift_left3A_598 = vector.broadcast %shift_left3A_597 : i32 to vector<16xi32>
        %shift_left3A_599 = arith.shli %get3A_596, %shift_left3A_598 : vector<16xi32>
        %bitcast_convert_type3A_600 = tpu.bitcast %shift_left3A_599 : vector<16xi32> -> vector<16xf32>
        %bitcast_convert_type3A_601 = tpu.bitcast %get3A_596 : vector<16xi32> -> vector<16xf32>
        %swap3A_602 = arith.index_cast %add3A_121 : i32 to index
        %swap3A_603 = arith.constant 400 : index
        %swap3A_604 = tpu.vector_load %arg9[%swap3A_602, %swap3A_603] {strides = array<i32>} : memref<32x1024xf32, #tpu.memory_space<vmem>>, vector<1x16xf32>,
        %swap3A_605 = vector.shape_cast %swap3A_604 : vector<1x16xf32> to vector<16xf32>
        %swap3A_606 = vector.shape_cast %bitcast_convert_type3A_600 : vector<16xf32> to vector<1x16xf32>
        tpu.vector_store %arg9[%swap3A_602, %swap3A_603], %swap3A_606 {add = true, strides = array<i32>} : memref<32x1024xf32, #tpu.memory_space<vmem>>, vector<1x16xf32>,
        %swap3A_607 = arith.index_cast %add3A_121 : i32 to index
        %swap3A_608 = arith.constant 912 : index
        %swap3A_609 = tpu.vector_load %arg9[%swap3A_607, %swap3A_608] {strides = array<i32>} : memref<32x1024xf32, #tpu.memory_space<vmem>>, vector<1x16xf32>,
        %swap3A_610 = vector.shape_cast %swap3A_609 : vector<1x16xf32> to vector<16xf32>
        %swap3A_611 = vector.shape_cast %bitcast_convert_type3A_601 : vector<16xf32> to vector<1x16xf32>
        tpu.vector_store %arg9[%swap3A_607, %swap3A_608], %swap3A_611 {add = true, strides = array<i32>} : memref<32x1024xf32, #tpu.memory_space<vmem>>, vector<1x16xf32>,
        %get3A_612 = arith.index_cast %add3A_121 : i32 to index
        %get3A_613 = arith.constant 416 : index
        %get3A_614 = tpu.vector_load %arg7[%get3A_612, %get3A_613] {strides = array<i32>} : memref<32x512xi32, #tpu.memory_space<vmem>>, vector<1x16xi32>,
        %get3A_615 = vector.shape_cast %get3A_614 : vector<1x16xi32> to vector<16xi32>
        %shift_left3A_616 = arith.constant 16 : i32
        %shift_left3A_617 = vector.broadcast %shift_left3A_616 : i32 to vector<16xi32>
        %shift_left3A_618 = arith.shli %get3A_615, %shift_left3A_617 : vector<16xi32>
        %bitcast_convert_type3A_619 = tpu.bitcast %shift_left3A_618 : vector<16xi32> -> vector<16xf32>
        %bitcast_convert_type3A_620 = tpu.bitcast %get3A_615 : vector<16xi32> -> vector<16xf32>
        %swap3A_621 = arith.index_cast %add3A_121 : i32 to index
        %swap3A_622 = arith.constant 416 : index
        %swap3A_623 = tpu.vector_load %arg9[%swap3A_621, %swap3A_622] {strides = array<i32>} : memref<32x1024xf32, #tpu.memory_space<vmem>>, vector<1x16xf32>,
        %swap3A_624 = vector.shape_cast %swap3A_623 : vector<1x16xf32> to vector<16xf32>
        %swap3A_625 = vector.shape_cast %bitcast_convert_type3A_619 : vector<16xf32> to vector<1x16xf32>
        tpu.vector_store %arg9[%swap3A_621, %swap3A_622], %swap3A_625 {add = true, strides = array<i32>} : memref<32x1024xf32, #tpu.memory_space<vmem>>, vector<1x16xf32>,
        %swap3A_626 = arith.index_cast %add3A_121 : i32 to index
        %swap3A_627 = arith.constant 928 : index
        %swap3A_628 = tpu.vector_load %arg9[%swap3A_626, %swap3A_627] {strides = array<i32>} : memref<32x1024xf32, #tpu.memory_space<vmem>>, vector<1x16xf32>,
        %swap3A_629 = vector.shape_cast %swap3A_628 : vector<1x16xf32> to vector<16xf32>
        %swap3A_630 = vector.shape_cast %bitcast_convert_type3A_620 : vector<16xf32> to vector<1x16xf32>
        tpu.vector_store %arg9[%swap3A_626, %swap3A_627], %swap3A_630 {add = true, strides = array<i32>} : memref<32x1024xf32, #tpu.memory_space<vmem>>, vector<1x16xf32>,
        %get3A_631 = arith.index_cast %add3A_121 : i32 to index
        %get3A_632 = arith.constant 432 : index
        %get3A_633 = tpu.vector_load %arg7[%get3A_631, %get3A_632] {strides = array<i32>} : memref<32x512xi32, #tpu.memory_space<vmem>>, vector<1x16xi32>,
        %get3A_634 = vector.shape_cast %get3A_633 : vector<1x16xi32> to vector<16xi32>
        %shift_left3A_635 = arith.constant 16 : i32
        %shift_left3A_636 = vector.broadcast %shift_left3A_635 : i32 to vector<16xi32>
        %shift_left3A_637 = arith.shli %get3A_634, %shift_left3A_636 : vector<16xi32>
        %bitcast_convert_type3A_638 = tpu.bitcast %shift_left3A_637 : vector<16xi32> -> vector<16xf32>
        %bitcast_convert_type3A_639 = tpu.bitcast %get3A_634 : vector<16xi32> -> vector<16xf32>
        %swap3A_640 = arith.index_cast %add3A_121 : i32 to index
        %swap3A_641 = arith.constant 432 : index
        %swap3A_642 = tpu.vector_load %arg9[%swap3A_640, %swap3A_641] {strides = array<i32>} : memref<32x1024xf32, #tpu.memory_space<vmem>>, vector<1x16xf32>,
        %swap3A_643 = vector.shape_cast %swap3A_642 : vector<1x16xf32> to vector<16xf32>
        %swap3A_644 = vector.shape_cast %bitcast_convert_type3A_638 : vector<16xf32> to vector<1x16xf32>
        tpu.vector_store %arg9[%swap3A_640, %swap3A_641], %swap3A_644 {add = true, strides = array<i32>} : memref<32x1024xf32, #tpu.memory_space<vmem>>, vector<1x16xf32>,
        %swap3A_645 = arith.index_cast %add3A_121 : i32 to index
        %swap3A_646 = arith.constant 944 : index
        %swap3A_647 = tpu.vector_load %arg9[%swap3A_645, %swap3A_646] {strides = array<i32>} : memref<32x1024xf32, #tpu.memory_space<vmem>>, vector<1x16xf32>,
        %swap3A_648 = vector.shape_cast %swap3A_647 : vector<1x16xf32> to vector<16xf32>
        %swap3A_649 = vector.shape_cast %bitcast_convert_type3A_639 : vector<16xf32> to vector<1x16xf32>
        tpu.vector_store %arg9[%swap3A_645, %swap3A_646], %swap3A_649 {add = true, strides = array<i32>} : memref<32x1024xf32, #tpu.memory_space<vmem>>, vector<1x16xf32>,
        %get3A_650 = arith.index_cast %add3A_121 : i32 to index
        %get3A_651 = arith.constant 448 : index
        %get3A_652 = tpu.vector_load %arg7[%get3A_650, %get3A_651] {strides = array<i32>} : memref<32x512xi32, #tpu.memory_space<vmem>>, vector<1x16xi32>,
        %get3A_653 = vector.shape_cast %get3A_652 : vector<1x16xi32> to vector<16xi32>
        %shift_left3A_654 = arith.constant 16 : i32
        %shift_left3A_655 = vector.broadcast %shift_left3A_654 : i32 to vector<16xi32>
        %shift_left3A_656 = arith.shli %get3A_653, %shift_left3A_655 : vector<16xi32>
        %bitcast_convert_type3A_657 = tpu.bitcast %shift_left3A_656 : vector<16xi32> -> vector<16xf32>
        %bitcast_convert_type3A_658 = tpu.bitcast %get3A_653 : vector<16xi32> -> vector<16xf32>
        %swap3A_659 = arith.index_cast %add3A_121 : i32 to index
        %swap3A_660 = arith.constant 448 : index
        %swap3A_661 = tpu.vector_load %arg9[%swap3A_659, %swap3A_660] {strides = array<i32>} : memref<32x1024xf32, #tpu.memory_space<vmem>>, vector<1x16xf32>,
        %swap3A_662 = vector.shape_cast %swap3A_661 : vector<1x16xf32> to vector<16xf32>
        %swap3A_663 = vector.shape_cast %bitcast_convert_type3A_657 : vector<16xf32> to vector<1x16xf32>
        tpu.vector_store %arg9[%swap3A_659, %swap3A_660], %swap3A_663 {add = true, strides = array<i32>} : memref<32x1024xf32, #tpu.memory_space<vmem>>, vector<1x16xf32>,
        %swap3A_664 = arith.index_cast %add3A_121 : i32 to index
        %swap3A_665 = arith.constant 960 : index
        %swap3A_666 = tpu.vector_load %arg9[%swap3A_664, %swap3A_665] {strides = array<i32>} : memref<32x1024xf32, #tpu.memory_space<vmem>>, vector<1x16xf32>,
        %swap3A_667 = vector.shape_cast %swap3A_666 : vector<1x16xf32> to vector<16xf32>
        %swap3A_668 = vector.shape_cast %bitcast_convert_type3A_658 : vector<16xf32> to vector<1x16xf32>
        tpu.vector_store %arg9[%swap3A_664, %swap3A_665], %swap3A_668 {add = true, strides = array<i32>} : memref<32x1024xf32, #tpu.memory_space<vmem>>, vector<1x16xf32>,
        %get3A_669 = arith.index_cast %add3A_121 : i32 to index
        %get3A_670 = arith.constant 464 : index
        %get3A_671 = tpu.vector_load %arg7[%get3A_669, %get3A_670] {strides = array<i32>} : memref<32x512xi32, #tpu.memory_space<vmem>>, vector<1x16xi32>,
        %get3A_672 = vector.shape_cast %get3A_671 : vector<1x16xi32> to vector<16xi32>
        %shift_left3A_673 = arith.constant 16 : i32
        %shift_left3A_674 = vector.broadcast %shift_left3A_673 : i32 to vector<16xi32>
        %shift_left3A_675 = arith.shli %get3A_672, %shift_left3A_674 : vector<16xi32>
        %bitcast_convert_type3A_676 = tpu.bitcast %shift_left3A_675 : vector<16xi32> -> vector<16xf32>
        %bitcast_convert_type3A_677 = tpu.bitcast %get3A_672 : vector<16xi32> -> vector<16xf32>
        %swap3A_678 = arith.index_cast %add3A_121 : i32 to index
        %swap3A_679 = arith.constant 464 : index
        %swap3A_680 = tpu.vector_load %arg9[%swap3A_678, %swap3A_679] {strides = array<i32>} : memref<32x1024xf32, #tpu.memory_space<vmem>>, vector<1x16xf32>,
        %swap3A_681 = vector.shape_cast %swap3A_680 : vector<1x16xf32> to vector<16xf32>
        %swap3A_682 = vector.shape_cast %bitcast_convert_type3A_676 : vector<16xf32> to vector<1x16xf32>
        tpu.vector_store %arg9[%swap3A_678, %swap3A_679], %swap3A_682 {add = true, strides = array<i32>} : memref<32x1024xf32, #tpu.memory_space<vmem>>, vector<1x16xf32>,
        %swap3A_683 = arith.index_cast %add3A_121 : i32 to index
        %swap3A_684 = arith.constant 976 : index
        %swap3A_685 = tpu.vector_load %arg9[%swap3A_683, %swap3A_684] {strides = array<i32>} : memref<32x1024xf32, #tpu.memory_space<vmem>>, vector<1x16xf32>,
        %swap3A_686 = vector.shape_cast %swap3A_685 : vector<1x16xf32> to vector<16xf32>
        %swap3A_687 = vector.shape_cast %bitcast_convert_type3A_677 : vector<16xf32> to vector<1x16xf32>
        tpu.vector_store %arg9[%swap3A_683, %swap3A_684], %swap3A_687 {add = true, strides = array<i32>} : memref<32x1024xf32, #tpu.memory_space<vmem>>, vector<1x16xf32>,
        %get3A_688 = arith.index_cast %add3A_121 : i32 to index
        %get3A_689 = arith.constant 480 : index
        %get3A_690 = tpu.vector_load %arg7[%get3A_688, %get3A_689] {strides = array<i32>} : memref<32x512xi32, #tpu.memory_space<vmem>>, vector<1x16xi32>,
        %get3A_691 = vector.shape_cast %get3A_690 : vector<1x16xi32> to vector<16xi32>
        %shift_left3A_692 = arith.constant 16 : i32
        %shift_left3A_693 = vector.broadcast %shift_left3A_692 : i32 to vector<16xi32>
        %shift_left3A_694 = arith.shli %get3A_691, %shift_left3A_693 : vector<16xi32>
        %bitcast_convert_type3A_695 = tpu.bitcast %shift_left3A_694 : vector<16xi32> -> vector<16xf32>
        %bitcast_convert_type3A_696 = tpu.bitcast %get3A_691 : vector<16xi32> -> vector<16xf32>
        %swap3A_697 = arith.index_cast %add3A_121 : i32 to index
        %swap3A_698 = arith.constant 480 : index
        %swap3A_699 = tpu.vector_load %arg9[%swap3A_697, %swap3A_698] {strides = array<i32>} : memref<32x1024xf32, #tpu.memory_space<vmem>>, vector<1x16xf32>,
        %swap3A_700 = vector.shape_cast %swap3A_699 : vector<1x16xf32> to vector<16xf32>
        %swap3A_701 = vector.shape_cast %bitcast_convert_type3A_695 : vector<16xf32> to vector<1x16xf32>
        tpu.vector_store %arg9[%swap3A_697, %swap3A_698], %swap3A_701 {add = true, strides = array<i32>} : memref<32x1024xf32, #tpu.memory_space<vmem>>, vector<1x16xf32>,
        %swap3A_702 = arith.index_cast %add3A_121 : i32 to index
        %swap3A_703 = arith.constant 992 : index
        %swap3A_704 = tpu.vector_load %arg9[%swap3A_702, %swap3A_703] {strides = array<i32>} : memref<32x1024xf32, #tpu.memory_space<vmem>>, vector<1x16xf32>,
        %swap3A_705 = vector.shape_cast %swap3A_704 : vector<1x16xf32> to vector<16xf32>
        %swap3A_706 = vector.shape_cast %bitcast_convert_type3A_696 : vector<16xf32> to vector<1x16xf32>
        tpu.vector_store %arg9[%swap3A_702, %swap3A_703], %swap3A_706 {add = true, strides = array<i32>} : memref<32x1024xf32, #tpu.memory_space<vmem>>, vector<1x16xf32>,
        %get3A_707 = arith.index_cast %add3A_121 : i32 to index
        %get3A_708 = arith.constant 496 : index
        %get3A_709 = tpu.vector_load %arg7[%get3A_707, %get3A_708] {strides = array<i32>} : memref<32x512xi32, #tpu.memory_space<vmem>>, vector<1x16xi32>,
        %get3A_710 = vector.shape_cast %get3A_709 : vector<1x16xi32> to vector<16xi32>
        %shift_left3A_711 = arith.constant 16 : i32
        %shift_left3A_712 = vector.broadcast %shift_left3A_711 : i32 to vector<16xi32>
        %shift_left3A_713 = arith.shli %get3A_710, %shift_left3A_712 : vector<16xi32>
        %bitcast_convert_type3A_714 = tpu.bitcast %shift_left3A_713 : vector<16xi32> -> vector<16xf32>
        %bitcast_convert_type3A_715 = tpu.bitcast %get3A_710 : vector<16xi32> -> vector<16xf32>
        %swap3A_716 = arith.index_cast %add3A_121 : i32 to index
        %swap3A_717 = arith.constant 496 : index
        %swap3A_718 = tpu.vector_load %arg9[%swap3A_716, %swap3A_717] {strides = array<i32>} : memref<32x1024xf32, #tpu.memory_space<vmem>>, vector<1x16xf32>,
        %swap3A_719 = vector.shape_cast %swap3A_718 : vector<1x16xf32> to vector<16xf32>
        %swap3A_720 = vector.shape_cast %bitcast_convert_type3A_714 : vector<16xf32> to vector<1x16xf32>
        tpu.vector_store %arg9[%swap3A_716, %swap3A_717], %swap3A_720 {add = true, strides = array<i32>} : memref<32x1024xf32, #tpu.memory_space<vmem>>, vector<1x16xf32>,
        %swap3A_721 = arith.index_cast %add3A_121 : i32 to index
        %swap3A_722 = arith.constant 1008 : index
        %swap3A_723 = tpu.vector_load %arg9[%swap3A_721, %swap3A_722] {strides = array<i32>} : memref<32x1024xf32, #tpu.memory_space<vmem>>, vector<1x16xf32>,
        %swap3A_724 = vector.shape_cast %swap3A_723 : vector<1x16xf32> to vector<16xf32>
        %swap3A_725 = vector.shape_cast %bitcast_convert_type3A_715 : vector<16xf32> to vector<1x16xf32>
        tpu.vector_store %arg9[%swap3A_721, %swap3A_722], %swap3A_725 {add = true, strides = array<i32>} : memref<32x1024xf32, #tpu.memory_space<vmem>>, vector<1x16xf32>,
      }
      %scan3A_63 = arith.constant 32 : i32
      %add3A_64 = arith.constant 2 : i32
      %add3A_65 = arith.addi %add3A_45, %add3A_64 : i32
      %lt3A = arith.constant 64 : i32
      %lt3A_66 = arith.cmpi slt, %add3A_65, %lt3A : i32
      %convert_element_type3A = arith.extui %lt3A_66 : i1 to i32
      %cond3A = arith.constant 0 : i32
      %cond3A_67 = arith.cmpi ne, %convert_element_type3A, %cond3A : i32
      scf.if %cond3A_67 {
        %add3A_117 = arith.constant 2 : i32
        %add3A_118 = arith.addi %add3A_45, %add3A_117 : i32
        %mul3A_119 = arith.constant 32 : i32
        %mul3A_120 = arith.muli %add3A_118, %mul3A_119 : i32
        %dma_start3A_121 = tpu.memref_slice %arg6[%mul3A_120] : memref<2048xi32, #tpu.memory_space<vmem>> -> memref<32xi32, #tpu.memory_space<vmem>>
        %dma_start3A_122 = arith.constant 0 : i32
        %dma_start3A_123 = arith.constant 0 : i32
        %dma_start3A_124 = tpu.memref_slice %arg2[%dma_start3A_122, %dma_start3A_123] : memref<32768x512xi32, #tpu.memory_space<hbm>> -> memref<32768x512xi32, #tpu.memory_space<hbm>>
        tpu.enqueue_indirect_dma source(%dma_start3A_124 : memref<32768x512xi32, #tpu.memory_space<hbm>>) target(%arg7 : memref<32x512xi32, #tpu.memory_space<vmem>>) offsets(%dma_start3A_121 : memref<32xi32, #tpu.memory_space<vmem>>) semaphore(%arg11 : memref<!tpu.dma_semaphore, #tpu.memory_space<semaphore_mem>>)
      } else {
      }
      %dma_start3A_68 = arith.constant 0 : i32
      %dma_start3A_69 = tpu.memref_slice %arg5[%add3A_48, %dma_start3A_68] : memref<65536x1024xf32, #tpu.memory_space<hbm>> -> memref<32x1024xf32, #tpu.memory_space<hbm>>
      %dma_start3A_70 = arith.constant 0 : i32
      %dma_start3A_71 = tpu.memref_slice %arg5[%add3A_48, %dma_start3A_70] : memref<65536x1024xf32, #tpu.memory_space<hbm>> -> memref<32x1024xf32, #tpu.memory_space<hbm>>
      tpu.enqueue_dma source(%arg9 : memref<32x1024xf32, #tpu.memory_space<vmem>>) target(%dma_start3A_71 : memref<32x1024xf32, #tpu.memory_space<hbm>>) target_semaphore(%arg15 : memref<!tpu.dma_semaphore, #tpu.memory_space<semaphore_mem>>)
      %add3A_72 = arith.constant 2 : i32
      %add3A_73 = arith.addi %add3A_45, %add3A_72 : i32
      %lt3A_74 = arith.constant 64 : i32
      %lt3A_75 = arith.cmpi slt, %add3A_73, %lt3A_74 : i32
      %convert_element_type3A_76 = arith.extui %lt3A_75 : i1 to i32
      %cond3A_77 = arith.constant 0 : i32
      %cond3A_78 = arith.cmpi ne, %convert_element_type3A_76, %cond3A_77 : i32
      scf.if %cond3A_78 {
        %dma_wait3A_117 = arith.constant 0 : i32
        %dma_wait3A_118 = tpu.memref_slice %arg5[%add3A_48, %dma_wait3A_117] : memref<65536x1024xf32, #tpu.memory_space<hbm>> -> memref<32x1024xf32, #tpu.memory_space<hbm>>
        %dma_wait3A_119 = arith.constant 0 : i32
        %dma_wait3A_120 = tpu.memref_slice %arg5[%add3A_48, %dma_wait3A_119] : memref<65536x1024xf32, #tpu.memory_space<hbm>> -> memref<32x1024xf32, #tpu.memory_space<hbm>>
        tpu.wait_dma2 semaphore(%arg15 : memref<!tpu.dma_semaphore, #tpu.memory_space<semaphore_mem>>) src(%arg9 : memref<32x1024xf32, #tpu.memory_space<vmem>>) dst(%dma_wait3A_120 : memref<32x1024xf32, #tpu.memory_space<hbm>>)
        %add3A_121 = arith.constant 2 : i32
        %add3A_122 = arith.addi %add3A_45, %add3A_121 : i32
        %mul3A_123 = arith.constant 32 : i32
        %mul3A_124 = arith.muli %add3A_122, %mul3A_123 : i32
        %add3A_125 = arith.addi %mul3A_2, %mul3A_124 : i32
        %dma_start3A_126 = arith.constant 0 : i32
        %dma_start3A_127 = tpu.memref_slice %arg4[%add3A_125, %dma_start3A_126] : memref<65536x1024xf32, #tpu.memory_space<hbm>> -> memref<32x1024xf32, #tpu.memory_space<hbm>>
        %dma_start3A_128 = arith.constant 0 : i32
        %dma_start3A_129 = tpu.memref_slice %arg4[%add3A_125, %dma_start3A_128] : memref<65536x1024xf32, #tpu.memory_space<hbm>> -> memref<32x1024xf32, #tpu.memory_space<hbm>>
        tpu.enqueue_dma source(%dma_start3A_129 : memref<32x1024xf32, #tpu.memory_space<hbm>>) target(%arg9 : memref<32x1024xf32, #tpu.memory_space<vmem>>) target_semaphore(%arg13 : memref<!tpu.dma_semaphore, #tpu.memory_space<semaphore_mem>>)
      } else {
      }
      %add3A_79 = arith.constant 1 : i32
      %add3A_80 = arith.addi %add3A_43, %add3A_79 : i32
      %mul3A_81 = arith.constant 32 : i32
      %mul3A_82 = arith.muli %add3A_80, %mul3A_81 : i32
      %add3A_83 = arith.addi %mul3A_2, %mul3A_82 : i32
      %mul3A_84 = arith.constant 32 : i32
      %mul3A_85 = arith.muli %add3A_80, %mul3A_84 : i32
      %dma_wait3A_86 = tpu.memref_slice %arg6[%mul3A_85] : memref<2048xi32, #tpu.memory_space<vmem>> -> memref<32xi32, #tpu.memory_space<vmem>>
      %dma_wait3A_87 = arith.constant 0 : i32
      %dma_wait3A_88 = arith.constant 0 : i32
      %dma_wait3A_89 = tpu.memref_slice %arg2[%dma_wait3A_87, %dma_wait3A_88] : memref<32768x512xi32, #tpu.memory_space<hbm>> -> memref<32768x512xi32, #tpu.memory_space<hbm>>
      tpu.wait_indirect_dma semaphore(%arg12 : memref<!tpu.dma_semaphore, #tpu.memory_space<semaphore_mem>>) src(%dma_wait3A_89 : memref<32768x512xi32, #tpu.memory_space<hbm>>) dst(%arg8 : memref<32x512xi32, #tpu.memory_space<vmem>>)
      %dma_wait3A_90 = arith.constant 0 : i32
      %dma_wait3A_91 = tpu.memref_slice %arg4[%add3A_83, %dma_wait3A_90] : memref<65536x1024xf32, #tpu.memory_space<hbm>> -> memref<32x1024xf32, #tpu.memory_space<hbm>>
      %dma_wait3A_92 = arith.constant 0 : i32
      %dma_wait3A_93 = tpu.memref_slice %arg4[%add3A_83, %dma_wait3A_92] : memref<65536x1024xf32, #tpu.memory_space<hbm>> -> memref<32x1024xf32, #tpu.memory_space<hbm>>
      tpu.wait_dma2 semaphore(%arg14 : memref<!tpu.dma_semaphore, #tpu.memory_space<semaphore_mem>>) src(%dma_wait3A_93 : memref<32x1024xf32, #tpu.memory_space<hbm>>) dst(%arg10 : memref<32x1024xf32, #tpu.memory_space<vmem>>)
      %scan3A_94 = arith.constant 0 : i32
      %scan3A_95 = arith.constant 32 : i32
      %scan3A_96 = arith.addi %scan3A_94, %scan3A_95 : i32
      %scan3A_97 = arith.constant 1 : i32
      scf.for %scan3A_117 = %scan3A_94 to %scan3A_96 step %scan3A_97  : i32 {
        %mul3A_118 = arith.constant 1 : i32
        %mul3A_119 = arith.muli %scan3A_117, %mul3A_118 : i32
        %add3A_120 = arith.constant 0 : i32
        %add3A_121 = arith.addi %add3A_120, %mul3A_119 : i32
        %get3A = arith.index_cast %add3A_121 : i32 to index
        %get3A_122 = arith.constant 0 : index
        %get3A_123 = tpu.vector_load %arg8[%get3A, %get3A_122] {strides = array<i32>} : memref<32x512xi32, #tpu.memory_space<vmem>>, vector<1x16xi32>,
        %get3A_124 = vector.shape_cast %get3A_123 : vector<1x16xi32> to vector<16xi32>
        %shift_left3A = arith.constant 16 : i32
        %shift_left3A_125 = vector.broadcast %shift_left3A : i32 to vector<16xi32>
        %shift_left3A_126 = arith.shli %get3A_124, %shift_left3A_125 : vector<16xi32>
        %bitcast_convert_type3A = tpu.bitcast %shift_left3A_126 : vector<16xi32> -> vector<16xf32>
        %bitcast_convert_type3A_127 = tpu.bitcast %get3A_124 : vector<16xi32> -> vector<16xf32>
        %swap3A = arith.index_cast %add3A_121 : i32 to index
        %swap3A_128 = arith.constant 0 : index
        %swap3A_129 = tpu.vector_load %arg10[%swap3A, %swap3A_128] {strides = array<i32>} : memref<32x1024xf32, #tpu.memory_space<vmem>>, vector<1x16xf32>,
        %swap3A_130 = vector.shape_cast %swap3A_129 : vector<1x16xf32> to vector<16xf32>
        %swap3A_131 = vector.shape_cast %bitcast_convert_type3A : vector<16xf32> to vector<1x16xf32>
        tpu.vector_store %arg10[%swap3A, %swap3A_128], %swap3A_131 {add = true, strides = array<i32>} : memref<32x1024xf32, #tpu.memory_space<vmem>>, vector<1x16xf32>,
        %swap3A_132 = arith.index_cast %add3A_121 : i32 to index
        %swap3A_133 = arith.constant 512 : index
        %swap3A_134 = tpu.vector_load %arg10[%swap3A_132, %swap3A_133] {strides = array<i32>} : memref<32x1024xf32, #tpu.memory_space<vmem>>, vector<1x16xf32>,
        %swap3A_135 = vector.shape_cast %swap3A_134 : vector<1x16xf32> to vector<16xf32>
        %swap3A_136 = vector.shape_cast %bitcast_convert_type3A_127 : vector<16xf32> to vector<1x16xf32>
        tpu.vector_store %arg10[%swap3A_132, %swap3A_133], %swap3A_136 {add = true, strides = array<i32>} : memref<32x1024xf32, #tpu.memory_space<vmem>>, vector<1x16xf32>,
        %get3A_137 = arith.index_cast %add3A_121 : i32 to index
        %get3A_138 = arith.constant 16 : index
        %get3A_139 = tpu.vector_load %arg8[%get3A_137, %get3A_138] {strides = array<i32>} : memref<32x512xi32, #tpu.memory_space<vmem>>, vector<1x16xi32>,
        %get3A_140 = vector.shape_cast %get3A_139 : vector<1x16xi32> to vector<16xi32>
        %shift_left3A_141 = arith.constant 16 : i32
        %shift_left3A_142 = vector.broadcast %shift_left3A_141 : i32 to vector<16xi32>
        %shift_left3A_143 = arith.shli %get3A_140, %shift_left3A_142 : vector<16xi32>
        %bitcast_convert_type3A_144 = tpu.bitcast %shift_left3A_143 : vector<16xi32> -> vector<16xf32>
        %bitcast_convert_type3A_145 = tpu.bitcast %get3A_140 : vector<16xi32> -> vector<16xf32>
        %swap3A_146 = arith.index_cast %add3A_121 : i32 to index
        %swap3A_147 = arith.constant 16 : index
        %swap3A_148 = tpu.vector_load %arg10[%swap3A_146, %swap3A_147] {strides = array<i32>} : memref<32x1024xf32, #tpu.memory_space<vmem>>, vector<1x16xf32>,
        %swap3A_149 = vector.shape_cast %swap3A_148 : vector<1x16xf32> to vector<16xf32>
        %swap3A_150 = vector.shape_cast %bitcast_convert_type3A_144 : vector<16xf32> to vector<1x16xf32>
        tpu.vector_store %arg10[%swap3A_146, %swap3A_147], %swap3A_150 {add = true, strides = array<i32>} : memref<32x1024xf32, #tpu.memory_space<vmem>>, vector<1x16xf32>,
        %swap3A_151 = arith.index_cast %add3A_121 : i32 to index
        %swap3A_152 = arith.constant 528 : index
        %swap3A_153 = tpu.vector_load %arg10[%swap3A_151, %swap3A_152] {strides = array<i32>} : memref<32x1024xf32, #tpu.memory_space<vmem>>, vector<1x16xf32>,
        %swap3A_154 = vector.shape_cast %swap3A_153 : vector<1x16xf32> to vector<16xf32>
        %swap3A_155 = vector.shape_cast %bitcast_convert_type3A_145 : vector<16xf32> to vector<1x16xf32>
        tpu.vector_store %arg10[%swap3A_151, %swap3A_152], %swap3A_155 {add = true, strides = array<i32>} : memref<32x1024xf32, #tpu.memory_space<vmem>>, vector<1x16xf32>,
        %get3A_156 = arith.index_cast %add3A_121 : i32 to index
        %get3A_157 = arith.constant 32 : index
        %get3A_158 = tpu.vector_load %arg8[%get3A_156, %get3A_157] {strides = array<i32>} : memref<32x512xi32, #tpu.memory_space<vmem>>, vector<1x16xi32>,
        %get3A_159 = vector.shape_cast %get3A_158 : vector<1x16xi32> to vector<16xi32>
        %shift_left3A_160 = arith.constant 16 : i32
        %shift_left3A_161 = vector.broadcast %shift_left3A_160 : i32 to vector<16xi32>
        %shift_left3A_162 = arith.shli %get3A_159, %shift_left3A_161 : vector<16xi32>
        %bitcast_convert_type3A_163 = tpu.bitcast %shift_left3A_162 : vector<16xi32> -> vector<16xf32>
        %bitcast_convert_type3A_164 = tpu.bitcast %get3A_159 : vector<16xi32> -> vector<16xf32>
        %swap3A_165 = arith.index_cast %add3A_121 : i32 to index
        %swap3A_166 = arith.constant 32 : index
        %swap3A_167 = tpu.vector_load %arg10[%swap3A_165, %swap3A_166] {strides = array<i32>} : memref<32x1024xf32, #tpu.memory_space<vmem>>, vector<1x16xf32>,
        %swap3A_168 = vector.shape_cast %swap3A_167 : vector<1x16xf32> to vector<16xf32>
        %swap3A_169 = vector.shape_cast %bitcast_convert_type3A_163 : vector<16xf32> to vector<1x16xf32>
        tpu.vector_store %arg10[%swap3A_165, %swap3A_166], %swap3A_169 {add = true, strides = array<i32>} : memref<32x1024xf32, #tpu.memory_space<vmem>>, vector<1x16xf32>,
        %swap3A_170 = arith.index_cast %add3A_121 : i32 to index
        %swap3A_171 = arith.constant 544 : index
        %swap3A_172 = tpu.vector_load %arg10[%swap3A_170, %swap3A_171] {strides = array<i32>} : memref<32x1024xf32, #tpu.memory_space<vmem>>, vector<1x16xf32>,
        %swap3A_173 = vector.shape_cast %swap3A_172 : vector<1x16xf32> to vector<16xf32>
        %swap3A_174 = vector.shape_cast %bitcast_convert_type3A_164 : vector<16xf32> to vector<1x16xf32>
        tpu.vector_store %arg10[%swap3A_170, %swap3A_171], %swap3A_174 {add = true, strides = array<i32>} : memref<32x1024xf32, #tpu.memory_space<vmem>>, vector<1x16xf32>,
        %get3A_175 = arith.index_cast %add3A_121 : i32 to index
        %get3A_176 = arith.constant 48 : index
        %get3A_177 = tpu.vector_load %arg8[%get3A_175, %get3A_176] {strides = array<i32>} : memref<32x512xi32, #tpu.memory_space<vmem>>, vector<1x16xi32>,
        %get3A_178 = vector.shape_cast %get3A_177 : vector<1x16xi32> to vector<16xi32>
        %shift_left3A_179 = arith.constant 16 : i32
        %shift_left3A_180 = vector.broadcast %shift_left3A_179 : i32 to vector<16xi32>
        %shift_left3A_181 = arith.shli %get3A_178, %shift_left3A_180 : vector<16xi32>
        %bitcast_convert_type3A_182 = tpu.bitcast %shift_left3A_181 : vector<16xi32> -> vector<16xf32>
        %bitcast_convert_type3A_183 = tpu.bitcast %get3A_178 : vector<16xi32> -> vector<16xf32>
        %swap3A_184 = arith.index_cast %add3A_121 : i32 to index
        %swap3A_185 = arith.constant 48 : index
        %swap3A_186 = tpu.vector_load %arg10[%swap3A_184, %swap3A_185] {strides = array<i32>} : memref<32x1024xf32, #tpu.memory_space<vmem>>, vector<1x16xf32>,
        %swap3A_187 = vector.shape_cast %swap3A_186 : vector<1x16xf32> to vector<16xf32>
        %swap3A_188 = vector.shape_cast %bitcast_convert_type3A_182 : vector<16xf32> to vector<1x16xf32>
        tpu.vector_store %arg10[%swap3A_184, %swap3A_185], %swap3A_188 {add = true, strides = array<i32>} : memref<32x1024xf32, #tpu.memory_space<vmem>>, vector<1x16xf32>,
        %swap3A_189 = arith.index_cast %add3A_121 : i32 to index
        %swap3A_190 = arith.constant 560 : index
        %swap3A_191 = tpu.vector_load %arg10[%swap3A_189, %swap3A_190] {strides = array<i32>} : memref<32x1024xf32, #tpu.memory_space<vmem>>, vector<1x16xf32>,
        %swap3A_192 = vector.shape_cast %swap3A_191 : vector<1x16xf32> to vector<16xf32>
        %swap3A_193 = vector.shape_cast %bitcast_convert_type3A_183 : vector<16xf32> to vector<1x16xf32>
        tpu.vector_store %arg10[%swap3A_189, %swap3A_190], %swap3A_193 {add = true, strides = array<i32>} : memref<32x1024xf32, #tpu.memory_space<vmem>>, vector<1x16xf32>,
        %get3A_194 = arith.index_cast %add3A_121 : i32 to index
        %get3A_195 = arith.constant 64 : index
        %get3A_196 = tpu.vector_load %arg8[%get3A_194, %get3A_195] {strides = array<i32>} : memref<32x512xi32, #tpu.memory_space<vmem>>, vector<1x16xi32>,
        %get3A_197 = vector.shape_cast %get3A_196 : vector<1x16xi32> to vector<16xi32>
        %shift_left3A_198 = arith.constant 16 : i32
        %shift_left3A_199 = vector.broadcast %shift_left3A_198 : i32 to vector<16xi32>
        %shift_left3A_200 = arith.shli %get3A_197, %shift_left3A_199 : vector<16xi32>
        %bitcast_convert_type3A_201 = tpu.bitcast %shift_left3A_200 : vector<16xi32> -> vector<16xf32>
        %bitcast_convert_type3A_202 = tpu.bitcast %get3A_197 : vector<16xi32> -> vector<16xf32>
        %swap3A_203 = arith.index_cast %add3A_121 : i32 to index
        %swap3A_204 = arith.constant 64 : index
        %swap3A_205 = tpu.vector_load %arg10[%swap3A_203, %swap3A_204] {strides = array<i32>} : memref<32x1024xf32, #tpu.memory_space<vmem>>, vector<1x16xf32>,
        %swap3A_206 = vector.shape_cast %swap3A_205 : vector<1x16xf32> to vector<16xf32>
        %swap3A_207 = vector.shape_cast %bitcast_convert_type3A_201 : vector<16xf32> to vector<1x16xf32>
        tpu.vector_store %arg10[%swap3A_203, %swap3A_204], %swap3A_207 {add = true, strides = array<i32>} : memref<32x1024xf32, #tpu.memory_space<vmem>>, vector<1x16xf32>,
        %swap3A_208 = arith.index_cast %add3A_121 : i32 to index
        %swap3A_209 = arith.constant 576 : index
        %swap3A_210 = tpu.vector_load %arg10[%swap3A_208, %swap3A_209] {strides = array<i32>} : memref<32x1024xf32, #tpu.memory_space<vmem>>, vector<1x16xf32>,
        %swap3A_211 = vector.shape_cast %swap3A_210 : vector<1x16xf32> to vector<16xf32>
        %swap3A_212 = vector.shape_cast %bitcast_convert_type3A_202 : vector<16xf32> to vector<1x16xf32>
        tpu.vector_store %arg10[%swap3A_208, %swap3A_209], %swap3A_212 {add = true, strides = array<i32>} : memref<32x1024xf32, #tpu.memory_space<vmem>>, vector<1x16xf32>,
        %get3A_213 = arith.index_cast %add3A_121 : i32 to index
        %get3A_214 = arith.constant 80 : index
        %get3A_215 = tpu.vector_load %arg8[%get3A_213, %get3A_214] {strides = array<i32>} : memref<32x512xi32, #tpu.memory_space<vmem>>, vector<1x16xi32>,
        %get3A_216 = vector.shape_cast %get3A_215 : vector<1x16xi32> to vector<16xi32>
        %shift_left3A_217 = arith.constant 16 : i32
        %shift_left3A_218 = vector.broadcast %shift_left3A_217 : i32 to vector<16xi32>
        %shift_left3A_219 = arith.shli %get3A_216, %shift_left3A_218 : vector<16xi32>
        %bitcast_convert_type3A_220 = tpu.bitcast %shift_left3A_219 : vector<16xi32> -> vector<16xf32>
        %bitcast_convert_type3A_221 = tpu.bitcast %get3A_216 : vector<16xi32> -> vector<16xf32>
        %swap3A_222 = arith.index_cast %add3A_121 : i32 to index
        %swap3A_223 = arith.constant 80 : index
        %swap3A_224 = tpu.vector_load %arg10[%swap3A_222, %swap3A_223] {strides = array<i32>} : memref<32x1024xf32, #tpu.memory_space<vmem>>, vector<1x16xf32>,
        %swap3A_225 = vector.shape_cast %swap3A_224 : vector<1x16xf32> to vector<16xf32>
        %swap3A_226 = vector.shape_cast %bitcast_convert_type3A_220 : vector<16xf32> to vector<1x16xf32>
        tpu.vector_store %arg10[%swap3A_222, %swap3A_223], %swap3A_226 {add = true, strides = array<i32>} : memref<32x1024xf32, #tpu.memory_space<vmem>>, vector<1x16xf32>,
        %swap3A_227 = arith.index_cast %add3A_121 : i32 to index
        %swap3A_228 = arith.constant 592 : index
        %swap3A_229 = tpu.vector_load %arg10[%swap3A_227, %swap3A_228] {strides = array<i32>} : memref<32x1024xf32, #tpu.memory_space<vmem>>, vector<1x16xf32>,
        %swap3A_230 = vector.shape_cast %swap3A_229 : vector<1x16xf32> to vector<16xf32>
        %swap3A_231 = vector.shape_cast %bitcast_convert_type3A_221 : vector<16xf32> to vector<1x16xf32>
        tpu.vector_store %arg10[%swap3A_227, %swap3A_228], %swap3A_231 {add = true, strides = array<i32>} : memref<32x1024xf32, #tpu.memory_space<vmem>>, vector<1x16xf32>,
        %get3A_232 = arith.index_cast %add3A_121 : i32 to index
        %get3A_233 = arith.constant 96 : index
        %get3A_234 = tpu.vector_load %arg8[%get3A_232, %get3A_233] {strides = array<i32>} : memref<32x512xi32, #tpu.memory_space<vmem>>, vector<1x16xi32>,
        %get3A_235 = vector.shape_cast %get3A_234 : vector<1x16xi32> to vector<16xi32>
        %shift_left3A_236 = arith.constant 16 : i32
        %shift_left3A_237 = vector.broadcast %shift_left3A_236 : i32 to vector<16xi32>
        %shift_left3A_238 = arith.shli %get3A_235, %shift_left3A_237 : vector<16xi32>
        %bitcast_convert_type3A_239 = tpu.bitcast %shift_left3A_238 : vector<16xi32> -> vector<16xf32>
        %bitcast_convert_type3A_240 = tpu.bitcast %get3A_235 : vector<16xi32> -> vector<16xf32>
        %swap3A_241 = arith.index_cast %add3A_121 : i32 to index
        %swap3A_242 = arith.constant 96 : index
        %swap3A_243 = tpu.vector_load %arg10[%swap3A_241, %swap3A_242] {strides = array<i32>} : memref<32x1024xf32, #tpu.memory_space<vmem>>, vector<1x16xf32>,
        %swap3A_244 = vector.shape_cast %swap3A_243 : vector<1x16xf32> to vector<16xf32>
        %swap3A_245 = vector.shape_cast %bitcast_convert_type3A_239 : vector<16xf32> to vector<1x16xf32>
        tpu.vector_store %arg10[%swap3A_241, %swap3A_242], %swap3A_245 {add = true, strides = array<i32>} : memref<32x1024xf32, #tpu.memory_space<vmem>>, vector<1x16xf32>,
        %swap3A_246 = arith.index_cast %add3A_121 : i32 to index
        %swap3A_247 = arith.constant 608 : index
        %swap3A_248 = tpu.vector_load %arg10[%swap3A_246, %swap3A_247] {strides = array<i32>} : memref<32x1024xf32, #tpu.memory_space<vmem>>, vector<1x16xf32>,
        %swap3A_249 = vector.shape_cast %swap3A_248 : vector<1x16xf32> to vector<16xf32>
        %swap3A_250 = vector.shape_cast %bitcast_convert_type3A_240 : vector<16xf32> to vector<1x16xf32>
        tpu.vector_store %arg10[%swap3A_246, %swap3A_247], %swap3A_250 {add = true, strides = array<i32>} : memref<32x1024xf32, #tpu.memory_space<vmem>>, vector<1x16xf32>,
        %get3A_251 = arith.index_cast %add3A_121 : i32 to index
        %get3A_252 = arith.constant 112 : index
        %get3A_253 = tpu.vector_load %arg8[%get3A_251, %get3A_252] {strides = array<i32>} : memref<32x512xi32, #tpu.memory_space<vmem>>, vector<1x16xi32>,
        %get3A_254 = vector.shape_cast %get3A_253 : vector<1x16xi32> to vector<16xi32>
        %shift_left3A_255 = arith.constant 16 : i32
        %shift_left3A_256 = vector.broadcast %shift_left3A_255 : i32 to vector<16xi32>
        %shift_left3A_257 = arith.shli %get3A_254, %shift_left3A_256 : vector<16xi32>
        %bitcast_convert_type3A_258 = tpu.bitcast %shift_left3A_257 : vector<16xi32> -> vector<16xf32>
        %bitcast_convert_type3A_259 = tpu.bitcast %get3A_254 : vector<16xi32> -> vector<16xf32>
        %swap3A_260 = arith.index_cast %add3A_121 : i32 to index
        %swap3A_261 = arith.constant 112 : index
        %swap3A_262 = tpu.vector_load %arg10[%swap3A_260, %swap3A_261] {strides = array<i32>} : memref<32x1024xf32, #tpu.memory_space<vmem>>, vector<1x16xf32>,
        %swap3A_263 = vector.shape_cast %swap3A_262 : vector<1x16xf32> to vector<16xf32>
        %swap3A_264 = vector.shape_cast %bitcast_convert_type3A_258 : vector<16xf32> to vector<1x16xf32>
        tpu.vector_store %arg10[%swap3A_260, %swap3A_261], %swap3A_264 {add = true, strides = array<i32>} : memref<32x1024xf32, #tpu.memory_space<vmem>>, vector<1x16xf32>,
        %swap3A_265 = arith.index_cast %add3A_121 : i32 to index
        %swap3A_266 = arith.constant 624 : index
        %swap3A_267 = tpu.vector_load %arg10[%swap3A_265, %swap3A_266] {strides = array<i32>} : memref<32x1024xf32, #tpu.memory_space<vmem>>, vector<1x16xf32>,
        %swap3A_268 = vector.shape_cast %swap3A_267 : vector<1x16xf32> to vector<16xf32>
        %swap3A_269 = vector.shape_cast %bitcast_convert_type3A_259 : vector<16xf32> to vector<1x16xf32>
        tpu.vector_store %arg10[%swap3A_265, %swap3A_266], %swap3A_269 {add = true, strides = array<i32>} : memref<32x1024xf32, #tpu.memory_space<vmem>>, vector<1x16xf32>,
        %get3A_270 = arith.index_cast %add3A_121 : i32 to index
        %get3A_271 = arith.constant 128 : index
        %get3A_272 = tpu.vector_load %arg8[%get3A_270, %get3A_271] {strides = array<i32>} : memref<32x512xi32, #tpu.memory_space<vmem>>, vector<1x16xi32>,
        %get3A_273 = vector.shape_cast %get3A_272 : vector<1x16xi32> to vector<16xi32>
        %shift_left3A_274 = arith.constant 16 : i32
        %shift_left3A_275 = vector.broadcast %shift_left3A_274 : i32 to vector<16xi32>
        %shift_left3A_276 = arith.shli %get3A_273, %shift_left3A_275 : vector<16xi32>
        %bitcast_convert_type3A_277 = tpu.bitcast %shift_left3A_276 : vector<16xi32> -> vector<16xf32>
        %bitcast_convert_type3A_278 = tpu.bitcast %get3A_273 : vector<16xi32> -> vector<16xf32>
        %swap3A_279 = arith.index_cast %add3A_121 : i32 to index
        %swap3A_280 = arith.constant 128 : index
        %swap3A_281 = tpu.vector_load %arg10[%swap3A_279, %swap3A_280] {strides = array<i32>} : memref<32x1024xf32, #tpu.memory_space<vmem>>, vector<1x16xf32>,
        %swap3A_282 = vector.shape_cast %swap3A_281 : vector<1x16xf32> to vector<16xf32>
        %swap3A_283 = vector.shape_cast %bitcast_convert_type3A_277 : vector<16xf32> to vector<1x16xf32>
        tpu.vector_store %arg10[%swap3A_279, %swap3A_280], %swap3A_283 {add = true, strides = array<i32>} : memref<32x1024xf32, #tpu.memory_space<vmem>>, vector<1x16xf32>,
        %swap3A_284 = arith.index_cast %add3A_121 : i32 to index
        %swap3A_285 = arith.constant 640 : index
        %swap3A_286 = tpu.vector_load %arg10[%swap3A_284, %swap3A_285] {strides = array<i32>} : memref<32x1024xf32, #tpu.memory_space<vmem>>, vector<1x16xf32>,
        %swap3A_287 = vector.shape_cast %swap3A_286 : vector<1x16xf32> to vector<16xf32>
        %swap3A_288 = vector.shape_cast %bitcast_convert_type3A_278 : vector<16xf32> to vector<1x16xf32>
        tpu.vector_store %arg10[%swap3A_284, %swap3A_285], %swap3A_288 {add = true, strides = array<i32>} : memref<32x1024xf32, #tpu.memory_space<vmem>>, vector<1x16xf32>,
        %get3A_289 = arith.index_cast %add3A_121 : i32 to index
        %get3A_290 = arith.constant 144 : index
        %get3A_291 = tpu.vector_load %arg8[%get3A_289, %get3A_290] {strides = array<i32>} : memref<32x512xi32, #tpu.memory_space<vmem>>, vector<1x16xi32>,
        %get3A_292 = vector.shape_cast %get3A_291 : vector<1x16xi32> to vector<16xi32>
        %shift_left3A_293 = arith.constant 16 : i32
        %shift_left3A_294 = vector.broadcast %shift_left3A_293 : i32 to vector<16xi32>
        %shift_left3A_295 = arith.shli %get3A_292, %shift_left3A_294 : vector<16xi32>
        %bitcast_convert_type3A_296 = tpu.bitcast %shift_left3A_295 : vector<16xi32> -> vector<16xf32>
        %bitcast_convert_type3A_297 = tpu.bitcast %get3A_292 : vector<16xi32> -> vector<16xf32>
        %swap3A_298 = arith.index_cast %add3A_121 : i32 to index
        %swap3A_299 = arith.constant 144 : index
        %swap3A_300 = tpu.vector_load %arg10[%swap3A_298, %swap3A_299] {strides = array<i32>} : memref<32x1024xf32, #tpu.memory_space<vmem>>, vector<1x16xf32>,
        %swap3A_301 = vector.shape_cast %swap3A_300 : vector<1x16xf32> to vector<16xf32>
        %swap3A_302 = vector.shape_cast %bitcast_convert_type3A_296 : vector<16xf32> to vector<1x16xf32>
        tpu.vector_store %arg10[%swap3A_298, %swap3A_299], %swap3A_302 {add = true, strides = array<i32>} : memref<32x1024xf32, #tpu.memory_space<vmem>>, vector<1x16xf32>,
        %swap3A_303 = arith.index_cast %add3A_121 : i32 to index
        %swap3A_304 = arith.constant 656 : index
        %swap3A_305 = tpu.vector_load %arg10[%swap3A_303, %swap3A_304] {strides = array<i32>} : memref<32x1024xf32, #tpu.memory_space<vmem>>, vector<1x16xf32>,
        %swap3A_306 = vector.shape_cast %swap3A_305 : vector<1x16xf32> to vector<16xf32>
        %swap3A_307 = vector.shape_cast %bitcast_convert_type3A_297 : vector<16xf32> to vector<1x16xf32>
        tpu.vector_store %arg10[%swap3A_303, %swap3A_304], %swap3A_307 {add = true, strides = array<i32>} : memref<32x1024xf32, #tpu.memory_space<vmem>>, vector<1x16xf32>,
        %get3A_308 = arith.index_cast %add3A_121 : i32 to index
        %get3A_309 = arith.constant 160 : index
        %get3A_310 = tpu.vector_load %arg8[%get3A_308, %get3A_309] {strides = array<i32>} : memref<32x512xi32, #tpu.memory_space<vmem>>, vector<1x16xi32>,
        %get3A_311 = vector.shape_cast %get3A_310 : vector<1x16xi32> to vector<16xi32>
        %shift_left3A_312 = arith.constant 16 : i32
        %shift_left3A_313 = vector.broadcast %shift_left3A_312 : i32 to vector<16xi32>
        %shift_left3A_314 = arith.shli %get3A_311, %shift_left3A_313 : vector<16xi32>
        %bitcast_convert_type3A_315 = tpu.bitcast %shift_left3A_314 : vector<16xi32> -> vector<16xf32>
        %bitcast_convert_type3A_316 = tpu.bitcast %get3A_311 : vector<16xi32> -> vector<16xf32>
        %swap3A_317 = arith.index_cast %add3A_121 : i32 to index
        %swap3A_318 = arith.constant 160 : index
        %swap3A_319 = tpu.vector_load %arg10[%swap3A_317, %swap3A_318] {strides = array<i32>} : memref<32x1024xf32, #tpu.memory_space<vmem>>, vector<1x16xf32>,
        %swap3A_320 = vector.shape_cast %swap3A_319 : vector<1x16xf32> to vector<16xf32>
        %swap3A_321 = vector.shape_cast %bitcast_convert_type3A_315 : vector<16xf32> to vector<1x16xf32>
        tpu.vector_store %arg10[%swap3A_317, %swap3A_318], %swap3A_321 {add = true, strides = array<i32>} : memref<32x1024xf32, #tpu.memory_space<vmem>>, vector<1x16xf32>,
        %swap3A_322 = arith.index_cast %add3A_121 : i32 to index
        %swap3A_323 = arith.constant 672 : index
        %swap3A_324 = tpu.vector_load %arg10[%swap3A_322, %swap3A_323] {strides = array<i32>} : memref<32x1024xf32, #tpu.memory_space<vmem>>, vector<1x16xf32>,
        %swap3A_325 = vector.shape_cast %swap3A_324 : vector<1x16xf32> to vector<16xf32>
        %swap3A_326 = vector.shape_cast %bitcast_convert_type3A_316 : vector<16xf32> to vector<1x16xf32>
        tpu.vector_store %arg10[%swap3A_322, %swap3A_323], %swap3A_326 {add = true, strides = array<i32>} : memref<32x1024xf32, #tpu.memory_space<vmem>>, vector<1x16xf32>,
        %get3A_327 = arith.index_cast %add3A_121 : i32 to index
        %get3A_328 = arith.constant 176 : index
        %get3A_329 = tpu.vector_load %arg8[%get3A_327, %get3A_328] {strides = array<i32>} : memref<32x512xi32, #tpu.memory_space<vmem>>, vector<1x16xi32>,
        %get3A_330 = vector.shape_cast %get3A_329 : vector<1x16xi32> to vector<16xi32>
        %shift_left3A_331 = arith.constant 16 : i32
        %shift_left3A_332 = vector.broadcast %shift_left3A_331 : i32 to vector<16xi32>
        %shift_left3A_333 = arith.shli %get3A_330, %shift_left3A_332 : vector<16xi32>
        %bitcast_convert_type3A_334 = tpu.bitcast %shift_left3A_333 : vector<16xi32> -> vector<16xf32>
        %bitcast_convert_type3A_335 = tpu.bitcast %get3A_330 : vector<16xi32> -> vector<16xf32>
        %swap3A_336 = arith.index_cast %add3A_121 : i32 to index
        %swap3A_337 = arith.constant 176 : index
        %swap3A_338 = tpu.vector_load %arg10[%swap3A_336, %swap3A_337] {strides = array<i32>} : memref<32x1024xf32, #tpu.memory_space<vmem>>, vector<1x16xf32>,
        %swap3A_339 = vector.shape_cast %swap3A_338 : vector<1x16xf32> to vector<16xf32>
        %swap3A_340 = vector.shape_cast %bitcast_convert_type3A_334 : vector<16xf32> to vector<1x16xf32>
        tpu.vector_store %arg10[%swap3A_336, %swap3A_337], %swap3A_340 {add = true, strides = array<i32>} : memref<32x1024xf32, #tpu.memory_space<vmem>>, vector<1x16xf32>,
        %swap3A_341 = arith.index_cast %add3A_121 : i32 to index
        %swap3A_342 = arith.constant 688 : index
        %swap3A_343 = tpu.vector_load %arg10[%swap3A_341, %swap3A_342] {strides = array<i32>} : memref<32x1024xf32, #tpu.memory_space<vmem>>, vector<1x16xf32>,
        %swap3A_344 = vector.shape_cast %swap3A_343 : vector<1x16xf32> to vector<16xf32>
        %swap3A_345 = vector.shape_cast %bitcast_convert_type3A_335 : vector<16xf32> to vector<1x16xf32>
        tpu.vector_store %arg10[%swap3A_341, %swap3A_342], %swap3A_345 {add = true, strides = array<i32>} : memref<32x1024xf32, #tpu.memory_space<vmem>>, vector<1x16xf32>,
        %get3A_346 = arith.index_cast %add3A_121 : i32 to index
        %get3A_347 = arith.constant 192 : index
        %get3A_348 = tpu.vector_load %arg8[%get3A_346, %get3A_347] {strides = array<i32>} : memref<32x512xi32, #tpu.memory_space<vmem>>, vector<1x16xi32>,
        %get3A_349 = vector.shape_cast %get3A_348 : vector<1x16xi32> to vector<16xi32>
        %shift_left3A_350 = arith.constant 16 : i32
        %shift_left3A_351 = vector.broadcast %shift_left3A_350 : i32 to vector<16xi32>
        %shift_left3A_352 = arith.shli %get3A_349, %shift_left3A_351 : vector<16xi32>
        %bitcast_convert_type3A_353 = tpu.bitcast %shift_left3A_352 : vector<16xi32> -> vector<16xf32>
        %bitcast_convert_type3A_354 = tpu.bitcast %get3A_349 : vector<16xi32> -> vector<16xf32>
        %swap3A_355 = arith.index_cast %add3A_121 : i32 to index
        %swap3A_356 = arith.constant 192 : index
        %swap3A_357 = tpu.vector_load %arg10[%swap3A_355, %swap3A_356] {strides = array<i32>} : memref<32x1024xf32, #tpu.memory_space<vmem>>, vector<1x16xf32>,
        %swap3A_358 = vector.shape_cast %swap3A_357 : vector<1x16xf32> to vector<16xf32>
        %swap3A_359 = vector.shape_cast %bitcast_convert_type3A_353 : vector<16xf32> to vector<1x16xf32>
        tpu.vector_store %arg10[%swap3A_355, %swap3A_356], %swap3A_359 {add = true, strides = array<i32>} : memref<32x1024xf32, #tpu.memory_space<vmem>>, vector<1x16xf32>,
        %swap3A_360 = arith.index_cast %add3A_121 : i32 to index
        %swap3A_361 = arith.constant 704 : index
        %swap3A_362 = tpu.vector_load %arg10[%swap3A_360, %swap3A_361] {strides = array<i32>} : memref<32x1024xf32, #tpu.memory_space<vmem>>, vector<1x16xf32>,
        %swap3A_363 = vector.shape_cast %swap3A_362 : vector<1x16xf32> to vector<16xf32>
        %swap3A_364 = vector.shape_cast %bitcast_convert_type3A_354 : vector<16xf32> to vector<1x16xf32>
        tpu.vector_store %arg10[%swap3A_360, %swap3A_361], %swap3A_364 {add = true, strides = array<i32>} : memref<32x1024xf32, #tpu.memory_space<vmem>>, vector<1x16xf32>,
        %get3A_365 = arith.index_cast %add3A_121 : i32 to index
        %get3A_366 = arith.constant 208 : index
        %get3A_367 = tpu.vector_load %arg8[%get3A_365, %get3A_366] {strides = array<i32>} : memref<32x512xi32, #tpu.memory_space<vmem>>, vector<1x16xi32>,
        %get3A_368 = vector.shape_cast %get3A_367 : vector<1x16xi32> to vector<16xi32>
        %shift_left3A_369 = arith.constant 16 : i32
        %shift_left3A_370 = vector.broadcast %shift_left3A_369 : i32 to vector<16xi32>
        %shift_left3A_371 = arith.shli %get3A_368, %shift_left3A_370 : vector<16xi32>
        %bitcast_convert_type3A_372 = tpu.bitcast %shift_left3A_371 : vector<16xi32> -> vector<16xf32>
        %bitcast_convert_type3A_373 = tpu.bitcast %get3A_368 : vector<16xi32> -> vector<16xf32>
        %swap3A_374 = arith.index_cast %add3A_121 : i32 to index
        %swap3A_375 = arith.constant 208 : index
        %swap3A_376 = tpu.vector_load %arg10[%swap3A_374, %swap3A_375] {strides = array<i32>} : memref<32x1024xf32, #tpu.memory_space<vmem>>, vector<1x16xf32>,
        %swap3A_377 = vector.shape_cast %swap3A_376 : vector<1x16xf32> to vector<16xf32>
        %swap3A_378 = vector.shape_cast %bitcast_convert_type3A_372 : vector<16xf32> to vector<1x16xf32>
        tpu.vector_store %arg10[%swap3A_374, %swap3A_375], %swap3A_378 {add = true, strides = array<i32>} : memref<32x1024xf32, #tpu.memory_space<vmem>>, vector<1x16xf32>,
        %swap3A_379 = arith.index_cast %add3A_121 : i32 to index
        %swap3A_380 = arith.constant 720 : index
        %swap3A_381 = tpu.vector_load %arg10[%swap3A_379, %swap3A_380] {strides = array<i32>} : memref<32x1024xf32, #tpu.memory_space<vmem>>, vector<1x16xf32>,
        %swap3A_382 = vector.shape_cast %swap3A_381 : vector<1x16xf32> to vector<16xf32>
        %swap3A_383 = vector.shape_cast %bitcast_convert_type3A_373 : vector<16xf32> to vector<1x16xf32>
        tpu.vector_store %arg10[%swap3A_379, %swap3A_380], %swap3A_383 {add = true, strides = array<i32>} : memref<32x1024xf32, #tpu.memory_space<vmem>>, vector<1x16xf32>,
        %get3A_384 = arith.index_cast %add3A_121 : i32 to index
        %get3A_385 = arith.constant 224 : index
        %get3A_386 = tpu.vector_load %arg8[%get3A_384, %get3A_385] {strides = array<i32>} : memref<32x512xi32, #tpu.memory_space<vmem>>, vector<1x16xi32>,
        %get3A_387 = vector.shape_cast %get3A_386 : vector<1x16xi32> to vector<16xi32>
        %shift_left3A_388 = arith.constant 16 : i32
        %shift_left3A_389 = vector.broadcast %shift_left3A_388 : i32 to vector<16xi32>
        %shift_left3A_390 = arith.shli %get3A_387, %shift_left3A_389 : vector<16xi32>
        %bitcast_convert_type3A_391 = tpu.bitcast %shift_left3A_390 : vector<16xi32> -> vector<16xf32>
        %bitcast_convert_type3A_392 = tpu.bitcast %get3A_387 : vector<16xi32> -> vector<16xf32>
        %swap3A_393 = arith.index_cast %add3A_121 : i32 to index
        %swap3A_394 = arith.constant 224 : index
        %swap3A_395 = tpu.vector_load %arg10[%swap3A_393, %swap3A_394] {strides = array<i32>} : memref<32x1024xf32, #tpu.memory_space<vmem>>, vector<1x16xf32>,
        %swap3A_396 = vector.shape_cast %swap3A_395 : vector<1x16xf32> to vector<16xf32>
        %swap3A_397 = vector.shape_cast %bitcast_convert_type3A_391 : vector<16xf32> to vector<1x16xf32>
        tpu.vector_store %arg10[%swap3A_393, %swap3A_394], %swap3A_397 {add = true, strides = array<i32>} : memref<32x1024xf32, #tpu.memory_space<vmem>>, vector<1x16xf32>,
        %swap3A_398 = arith.index_cast %add3A_121 : i32 to index
        %swap3A_399 = arith.constant 736 : index
        %swap3A_400 = tpu.vector_load %arg10[%swap3A_398, %swap3A_399] {strides = array<i32>} : memref<32x1024xf32, #tpu.memory_space<vmem>>, vector<1x16xf32>,
        %swap3A_401 = vector.shape_cast %swap3A_400 : vector<1x16xf32> to vector<16xf32>
        %swap3A_402 = vector.shape_cast %bitcast_convert_type3A_392 : vector<16xf32> to vector<1x16xf32>
        tpu.vector_store %arg10[%swap3A_398, %swap3A_399], %swap3A_402 {add = true, strides = array<i32>} : memref<32x1024xf32, #tpu.memory_space<vmem>>, vector<1x16xf32>,
        %get3A_403 = arith.index_cast %add3A_121 : i32 to index
        %get3A_404 = arith.constant 240 : index
        %get3A_405 = tpu.vector_load %arg8[%get3A_403, %get3A_404] {strides = array<i32>} : memref<32x512xi32, #tpu.memory_space<vmem>>, vector<1x16xi32>,
        %get3A_406 = vector.shape_cast %get3A_405 : vector<1x16xi32> to vector<16xi32>
        %shift_left3A_407 = arith.constant 16 : i32
        %shift_left3A_408 = vector.broadcast %shift_left3A_407 : i32 to vector<16xi32>
        %shift_left3A_409 = arith.shli %get3A_406, %shift_left3A_408 : vector<16xi32>
        %bitcast_convert_type3A_410 = tpu.bitcast %shift_left3A_409 : vector<16xi32> -> vector<16xf32>
        %bitcast_convert_type3A_411 = tpu.bitcast %get3A_406 : vector<16xi32> -> vector<16xf32>
        %swap3A_412 = arith.index_cast %add3A_121 : i32 to index
        %swap3A_413 = arith.constant 240 : index
        %swap3A_414 = tpu.vector_load %arg10[%swap3A_412, %swap3A_413] {strides = array<i32>} : memref<32x1024xf32, #tpu.memory_space<vmem>>, vector<1x16xf32>,
        %swap3A_415 = vector.shape_cast %swap3A_414 : vector<1x16xf32> to vector<16xf32>
        %swap3A_416 = vector.shape_cast %bitcast_convert_type3A_410 : vector<16xf32> to vector<1x16xf32>
        tpu.vector_store %arg10[%swap3A_412, %swap3A_413], %swap3A_416 {add = true, strides = array<i32>} : memref<32x1024xf32, #tpu.memory_space<vmem>>, vector<1x16xf32>,
        %swap3A_417 = arith.index_cast %add3A_121 : i32 to index
        %swap3A_418 = arith.constant 752 : index
        %swap3A_419 = tpu.vector_load %arg10[%swap3A_417, %swap3A_418] {strides = array<i32>} : memref<32x1024xf32, #tpu.memory_space<vmem>>, vector<1x16xf32>,
        %swap3A_420 = vector.shape_cast %swap3A_419 : vector<1x16xf32> to vector<16xf32>
        %swap3A_421 = vector.shape_cast %bitcast_convert_type3A_411 : vector<16xf32> to vector<1x16xf32>
        tpu.vector_store %arg10[%swap3A_417, %swap3A_418], %swap3A_421 {add = true, strides = array<i32>} : memref<32x1024xf32, #tpu.memory_space<vmem>>, vector<1x16xf32>,
        %get3A_422 = arith.index_cast %add3A_121 : i32 to index
        %get3A_423 = arith.constant 256 : index
        %get3A_424 = tpu.vector_load %arg8[%get3A_422, %get3A_423] {strides = array<i32>} : memref<32x512xi32, #tpu.memory_space<vmem>>, vector<1x16xi32>,
        %get3A_425 = vector.shape_cast %get3A_424 : vector<1x16xi32> to vector<16xi32>
        %shift_left3A_426 = arith.constant 16 : i32
        %shift_left3A_427 = vector.broadcast %shift_left3A_426 : i32 to vector<16xi32>
        %shift_left3A_428 = arith.shli %get3A_425, %shift_left3A_427 : vector<16xi32>
        %bitcast_convert_type3A_429 = tpu.bitcast %shift_left3A_428 : vector<16xi32> -> vector<16xf32>
        %bitcast_convert_type3A_430 = tpu.bitcast %get3A_425 : vector<16xi32> -> vector<16xf32>
        %swap3A_431 = arith.index_cast %add3A_121 : i32 to index
        %swap3A_432 = arith.constant 256 : index
        %swap3A_433 = tpu.vector_load %arg10[%swap3A_431, %swap3A_432] {strides = array<i32>} : memref<32x1024xf32, #tpu.memory_space<vmem>>, vector<1x16xf32>,
        %swap3A_434 = vector.shape_cast %swap3A_433 : vector<1x16xf32> to vector<16xf32>
        %swap3A_435 = vector.shape_cast %bitcast_convert_type3A_429 : vector<16xf32> to vector<1x16xf32>
        tpu.vector_store %arg10[%swap3A_431, %swap3A_432], %swap3A_435 {add = true, strides = array<i32>} : memref<32x1024xf32, #tpu.memory_space<vmem>>, vector<1x16xf32>,
        %swap3A_436 = arith.index_cast %add3A_121 : i32 to index
        %swap3A_437 = arith.constant 768 : index
        %swap3A_438 = tpu.vector_load %arg10[%swap3A_436, %swap3A_437] {strides = array<i32>} : memref<32x1024xf32, #tpu.memory_space<vmem>>, vector<1x16xf32>,
        %swap3A_439 = vector.shape_cast %swap3A_438 : vector<1x16xf32> to vector<16xf32>
        %swap3A_440 = vector.shape_cast %bitcast_convert_type3A_430 : vector<16xf32> to vector<1x16xf32>
        tpu.vector_store %arg10[%swap3A_436, %swap3A_437], %swap3A_440 {add = true, strides = array<i32>} : memref<32x1024xf32, #tpu.memory_space<vmem>>, vector<1x16xf32>,
        %get3A_441 = arith.index_cast %add3A_121 : i32 to index
        %get3A_442 = arith.constant 272 : index
        %get3A_443 = tpu.vector_load %arg8[%get3A_441, %get3A_442] {strides = array<i32>} : memref<32x512xi32, #tpu.memory_space<vmem>>, vector<1x16xi32>,
        %get3A_444 = vector.shape_cast %get3A_443 : vector<1x16xi32> to vector<16xi32>
        %shift_left3A_445 = arith.constant 16 : i32
        %shift_left3A_446 = vector.broadcast %shift_left3A_445 : i32 to vector<16xi32>
        %shift_left3A_447 = arith.shli %get3A_444, %shift_left3A_446 : vector<16xi32>
        %bitcast_convert_type3A_448 = tpu.bitcast %shift_left3A_447 : vector<16xi32> -> vector<16xf32>
        %bitcast_convert_type3A_449 = tpu.bitcast %get3A_444 : vector<16xi32> -> vector<16xf32>
        %swap3A_450 = arith.index_cast %add3A_121 : i32 to index
        %swap3A_451 = arith.constant 272 : index
        %swap3A_452 = tpu.vector_load %arg10[%swap3A_450, %swap3A_451] {strides = array<i32>} : memref<32x1024xf32, #tpu.memory_space<vmem>>, vector<1x16xf32>,
        %swap3A_453 = vector.shape_cast %swap3A_452 : vector<1x16xf32> to vector<16xf32>
        %swap3A_454 = vector.shape_cast %bitcast_convert_type3A_448 : vector<16xf32> to vector<1x16xf32>
        tpu.vector_store %arg10[%swap3A_450, %swap3A_451], %swap3A_454 {add = true, strides = array<i32>} : memref<32x1024xf32, #tpu.memory_space<vmem>>, vector<1x16xf32>,
        %swap3A_455 = arith.index_cast %add3A_121 : i32 to index
        %swap3A_456 = arith.constant 784 : index
        %swap3A_457 = tpu.vector_load %arg10[%swap3A_455, %swap3A_456] {strides = array<i32>} : memref<32x1024xf32, #tpu.memory_space<vmem>>, vector<1x16xf32>,
        %swap3A_458 = vector.shape_cast %swap3A_457 : vector<1x16xf32> to vector<16xf32>
        %swap3A_459 = vector.shape_cast %bitcast_convert_type3A_449 : vector<16xf32> to vector<1x16xf32>
        tpu.vector_store %arg10[%swap3A_455, %swap3A_456], %swap3A_459 {add = true, strides = array<i32>} : memref<32x1024xf32, #tpu.memory_space<vmem>>, vector<1x16xf32>,
        %get3A_460 = arith.index_cast %add3A_121 : i32 to index
        %get3A_461 = arith.constant 288 : index
        %get3A_462 = tpu.vector_load %arg8[%get3A_460, %get3A_461] {strides = array<i32>} : memref<32x512xi32, #tpu.memory_space<vmem>>, vector<1x16xi32>,
        %get3A_463 = vector.shape_cast %get3A_462 : vector<1x16xi32> to vector<16xi32>
        %shift_left3A_464 = arith.constant 16 : i32
        %shift_left3A_465 = vector.broadcast %shift_left3A_464 : i32 to vector<16xi32>
        %shift_left3A_466 = arith.shli %get3A_463, %shift_left3A_465 : vector<16xi32>
        %bitcast_convert_type3A_467 = tpu.bitcast %shift_left3A_466 : vector<16xi32> -> vector<16xf32>
        %bitcast_convert_type3A_468 = tpu.bitcast %get3A_463 : vector<16xi32> -> vector<16xf32>
        %swap3A_469 = arith.index_cast %add3A_121 : i32 to index
        %swap3A_470 = arith.constant 288 : index
        %swap3A_471 = tpu.vector_load %arg10[%swap3A_469, %swap3A_470] {strides = array<i32>} : memref<32x1024xf32, #tpu.memory_space<vmem>>, vector<1x16xf32>,
        %swap3A_472 = vector.shape_cast %swap3A_471 : vector<1x16xf32> to vector<16xf32>
        %swap3A_473 = vector.shape_cast %bitcast_convert_type3A_467 : vector<16xf32> to vector<1x16xf32>
        tpu.vector_store %arg10[%swap3A_469, %swap3A_470], %swap3A_473 {add = true, strides = array<i32>} : memref<32x1024xf32, #tpu.memory_space<vmem>>, vector<1x16xf32>,
        %swap3A_474 = arith.index_cast %add3A_121 : i32 to index
        %swap3A_475 = arith.constant 800 : index
        %swap3A_476 = tpu.vector_load %arg10[%swap3A_474, %swap3A_475] {strides = array<i32>} : memref<32x1024xf32, #tpu.memory_space<vmem>>, vector<1x16xf32>,
        %swap3A_477 = vector.shape_cast %swap3A_476 : vector<1x16xf32> to vector<16xf32>
        %swap3A_478 = vector.shape_cast %bitcast_convert_type3A_468 : vector<16xf32> to vector<1x16xf32>
        tpu.vector_store %arg10[%swap3A_474, %swap3A_475], %swap3A_478 {add = true, strides = array<i32>} : memref<32x1024xf32, #tpu.memory_space<vmem>>, vector<1x16xf32>,
        %get3A_479 = arith.index_cast %add3A_121 : i32 to index
        %get3A_480 = arith.constant 304 : index
        %get3A_481 = tpu.vector_load %arg8[%get3A_479, %get3A_480] {strides = array<i32>} : memref<32x512xi32, #tpu.memory_space<vmem>>, vector<1x16xi32>,
        %get3A_482 = vector.shape_cast %get3A_481 : vector<1x16xi32> to vector<16xi32>
        %shift_left3A_483 = arith.constant 16 : i32
        %shift_left3A_484 = vector.broadcast %shift_left3A_483 : i32 to vector<16xi32>
        %shift_left3A_485 = arith.shli %get3A_482, %shift_left3A_484 : vector<16xi32>
        %bitcast_convert_type3A_486 = tpu.bitcast %shift_left3A_485 : vector<16xi32> -> vector<16xf32>
        %bitcast_convert_type3A_487 = tpu.bitcast %get3A_482 : vector<16xi32> -> vector<16xf32>
        %swap3A_488 = arith.index_cast %add3A_121 : i32 to index
        %swap3A_489 = arith.constant 304 : index
        %swap3A_490 = tpu.vector_load %arg10[%swap3A_488, %swap3A_489] {strides = array<i32>} : memref<32x1024xf32, #tpu.memory_space<vmem>>, vector<1x16xf32>,
        %swap3A_491 = vector.shape_cast %swap3A_490 : vector<1x16xf32> to vector<16xf32>
        %swap3A_492 = vector.shape_cast %bitcast_convert_type3A_486 : vector<16xf32> to vector<1x16xf32>
        tpu.vector_store %arg10[%swap3A_488, %swap3A_489], %swap3A_492 {add = true, strides = array<i32>} : memref<32x1024xf32, #tpu.memory_space<vmem>>, vector<1x16xf32>,
        %swap3A_493 = arith.index_cast %add3A_121 : i32 to index
        %swap3A_494 = arith.constant 816 : index
        %swap3A_495 = tpu.vector_load %arg10[%swap3A_493, %swap3A_494] {strides = array<i32>} : memref<32x1024xf32, #tpu.memory_space<vmem>>, vector<1x16xf32>,
        %swap3A_496 = vector.shape_cast %swap3A_495 : vector<1x16xf32> to vector<16xf32>
        %swap3A_497 = vector.shape_cast %bitcast_convert_type3A_487 : vector<16xf32> to vector<1x16xf32>
        tpu.vector_store %arg10[%swap3A_493, %swap3A_494], %swap3A_497 {add = true, strides = array<i32>} : memref<32x1024xf32, #tpu.memory_space<vmem>>, vector<1x16xf32>,
        %get3A_498 = arith.index_cast %add3A_121 : i32 to index
        %get3A_499 = arith.constant 320 : index
        %get3A_500 = tpu.vector_load %arg8[%get3A_498, %get3A_499] {strides = array<i32>} : memref<32x512xi32, #tpu.memory_space<vmem>>, vector<1x16xi32>,
        %get3A_501 = vector.shape_cast %get3A_500 : vector<1x16xi32> to vector<16xi32>
        %shift_left3A_502 = arith.constant 16 : i32
        %shift_left3A_503 = vector.broadcast %shift_left3A_502 : i32 to vector<16xi32>
        %shift_left3A_504 = arith.shli %get3A_501, %shift_left3A_503 : vector<16xi32>
        %bitcast_convert_type3A_505 = tpu.bitcast %shift_left3A_504 : vector<16xi32> -> vector<16xf32>
        %bitcast_convert_type3A_506 = tpu.bitcast %get3A_501 : vector<16xi32> -> vector<16xf32>
        %swap3A_507 = arith.index_cast %add3A_121 : i32 to index
        %swap3A_508 = arith.constant 320 : index
        %swap3A_509 = tpu.vector_load %arg10[%swap3A_507, %swap3A_508] {strides = array<i32>} : memref<32x1024xf32, #tpu.memory_space<vmem>>, vector<1x16xf32>,
        %swap3A_510 = vector.shape_cast %swap3A_509 : vector<1x16xf32> to vector<16xf32>
        %swap3A_511 = vector.shape_cast %bitcast_convert_type3A_505 : vector<16xf32> to vector<1x16xf32>
        tpu.vector_store %arg10[%swap3A_507, %swap3A_508], %swap3A_511 {add = true, strides = array<i32>} : memref<32x1024xf32, #tpu.memory_space<vmem>>, vector<1x16xf32>,
        %swap3A_512 = arith.index_cast %add3A_121 : i32 to index
        %swap3A_513 = arith.constant 832 : index
        %swap3A_514 = tpu.vector_load %arg10[%swap3A_512, %swap3A_513] {strides = array<i32>} : memref<32x1024xf32, #tpu.memory_space<vmem>>, vector<1x16xf32>,
        %swap3A_515 = vector.shape_cast %swap3A_514 : vector<1x16xf32> to vector<16xf32>
        %swap3A_516 = vector.shape_cast %bitcast_convert_type3A_506 : vector<16xf32> to vector<1x16xf32>
        tpu.vector_store %arg10[%swap3A_512, %swap3A_513], %swap3A_516 {add = true, strides = array<i32>} : memref<32x1024xf32, #tpu.memory_space<vmem>>, vector<1x16xf32>,
        %get3A_517 = arith.index_cast %add3A_121 : i32 to index
        %get3A_518 = arith.constant 336 : index
        %get3A_519 = tpu.vector_load %arg8[%get3A_517, %get3A_518] {strides = array<i32>} : memref<32x512xi32, #tpu.memory_space<vmem>>, vector<1x16xi32>,
        %get3A_520 = vector.shape_cast %get3A_519 : vector<1x16xi32> to vector<16xi32>
        %shift_left3A_521 = arith.constant 16 : i32
        %shift_left3A_522 = vector.broadcast %shift_left3A_521 : i32 to vector<16xi32>
        %shift_left3A_523 = arith.shli %get3A_520, %shift_left3A_522 : vector<16xi32>
        %bitcast_convert_type3A_524 = tpu.bitcast %shift_left3A_523 : vector<16xi32> -> vector<16xf32>
        %bitcast_convert_type3A_525 = tpu.bitcast %get3A_520 : vector<16xi32> -> vector<16xf32>
        %swap3A_526 = arith.index_cast %add3A_121 : i32 to index
        %swap3A_527 = arith.constant 336 : index
        %swap3A_528 = tpu.vector_load %arg10[%swap3A_526, %swap3A_527] {strides = array<i32>} : memref<32x1024xf32, #tpu.memory_space<vmem>>, vector<1x16xf32>,
        %swap3A_529 = vector.shape_cast %swap3A_528 : vector<1x16xf32> to vector<16xf32>
        %swap3A_530 = vector.shape_cast %bitcast_convert_type3A_524 : vector<16xf32> to vector<1x16xf32>
        tpu.vector_store %arg10[%swap3A_526, %swap3A_527], %swap3A_530 {add = true, strides = array<i32>} : memref<32x1024xf32, #tpu.memory_space<vmem>>, vector<1x16xf32>,
        %swap3A_531 = arith.index_cast %add3A_121 : i32 to index
        %swap3A_532 = arith.constant 848 : index
        %swap3A_533 = tpu.vector_load %arg10[%swap3A_531, %swap3A_532] {strides = array<i32>} : memref<32x1024xf32, #tpu.memory_space<vmem>>, vector<1x16xf32>,
        %swap3A_534 = vector.shape_cast %swap3A_533 : vector<1x16xf32> to vector<16xf32>
        %swap3A_535 = vector.shape_cast %bitcast_convert_type3A_525 : vector<16xf32> to vector<1x16xf32>
        tpu.vector_store %arg10[%swap3A_531, %swap3A_532], %swap3A_535 {add = true, strides = array<i32>} : memref<32x1024xf32, #tpu.memory_space<vmem>>, vector<1x16xf32>,
        %get3A_536 = arith.index_cast %add3A_121 : i32 to index
        %get3A_537 = arith.constant 352 : index
        %get3A_538 = tpu.vector_load %arg8[%get3A_536, %get3A_537] {strides = array<i32>} : memref<32x512xi32, #tpu.memory_space<vmem>>, vector<1x16xi32>,
        %get3A_539 = vector.shape_cast %get3A_538 : vector<1x16xi32> to vector<16xi32>
        %shift_left3A_540 = arith.constant 16 : i32
        %shift_left3A_541 = vector.broadcast %shift_left3A_540 : i32 to vector<16xi32>
        %shift_left3A_542 = arith.shli %get3A_539, %shift_left3A_541 : vector<16xi32>
        %bitcast_convert_type3A_543 = tpu.bitcast %shift_left3A_542 : vector<16xi32> -> vector<16xf32>
        %bitcast_convert_type3A_544 = tpu.bitcast %get3A_539 : vector<16xi32> -> vector<16xf32>
        %swap3A_545 = arith.index_cast %add3A_121 : i32 to index
        %swap3A_546 = arith.constant 352 : index
        %swap3A_547 = tpu.vector_load %arg10[%swap3A_545, %swap3A_546] {strides = array<i32>} : memref<32x1024xf32, #tpu.memory_space<vmem>>, vector<1x16xf32>,
        %swap3A_548 = vector.shape_cast %swap3A_547 : vector<1x16xf32> to vector<16xf32>
        %swap3A_549 = vector.shape_cast %bitcast_convert_type3A_543 : vector<16xf32> to vector<1x16xf32>
        tpu.vector_store %arg10[%swap3A_545, %swap3A_546], %swap3A_549 {add = true, strides = array<i32>} : memref<32x1024xf32, #tpu.memory_space<vmem>>, vector<1x16xf32>,
        %swap3A_550 = arith.index_cast %add3A_121 : i32 to index
        %swap3A_551 = arith.constant 864 : index
        %swap3A_552 = tpu.vector_load %arg10[%swap3A_550, %swap3A_551] {strides = array<i32>} : memref<32x1024xf32, #tpu.memory_space<vmem>>, vector<1x16xf32>,
        %swap3A_553 = vector.shape_cast %swap3A_552 : vector<1x16xf32> to vector<16xf32>
        %swap3A_554 = vector.shape_cast %bitcast_convert_type3A_544 : vector<16xf32> to vector<1x16xf32>
        tpu.vector_store %arg10[%swap3A_550, %swap3A_551], %swap3A_554 {add = true, strides = array<i32>} : memref<32x1024xf32, #tpu.memory_space<vmem>>, vector<1x16xf32>,
        %get3A_555 = arith.index_cast %add3A_121 : i32 to index
        %get3A_556 = arith.constant 368 : index
        %get3A_557 = tpu.vector_load %arg8[%get3A_555, %get3A_556] {strides = array<i32>} : memref<32x512xi32, #tpu.memory_space<vmem>>, vector<1x16xi32>,
        %get3A_558 = vector.shape_cast %get3A_557 : vector<1x16xi32> to vector<16xi32>
        %shift_left3A_559 = arith.constant 16 : i32
        %shift_left3A_560 = vector.broadcast %shift_left3A_559 : i32 to vector<16xi32>
        %shift_left3A_561 = arith.shli %get3A_558, %shift_left3A_560 : vector<16xi32>
        %bitcast_convert_type3A_562 = tpu.bitcast %shift_left3A_561 : vector<16xi32> -> vector<16xf32>
        %bitcast_convert_type3A_563 = tpu.bitcast %get3A_558 : vector<16xi32> -> vector<16xf32>
        %swap3A_564 = arith.index_cast %add3A_121 : i32 to index
        %swap3A_565 = arith.constant 368 : index
        %swap3A_566 = tpu.vector_load %arg10[%swap3A_564, %swap3A_565] {strides = array<i32>} : memref<32x1024xf32, #tpu.memory_space<vmem>>, vector<1x16xf32>,
        %swap3A_567 = vector.shape_cast %swap3A_566 : vector<1x16xf32> to vector<16xf32>
        %swap3A_568 = vector.shape_cast %bitcast_convert_type3A_562 : vector<16xf32> to vector<1x16xf32>
        tpu.vector_store %arg10[%swap3A_564, %swap3A_565], %swap3A_568 {add = true, strides = array<i32>} : memref<32x1024xf32, #tpu.memory_space<vmem>>, vector<1x16xf32>,
        %swap3A_569 = arith.index_cast %add3A_121 : i32 to index
        %swap3A_570 = arith.constant 880 : index
        %swap3A_571 = tpu.vector_load %arg10[%swap3A_569, %swap3A_570] {strides = array<i32>} : memref<32x1024xf32, #tpu.memory_space<vmem>>, vector<1x16xf32>,
        %swap3A_572 = vector.shape_cast %swap3A_571 : vector<1x16xf32> to vector<16xf32>
        %swap3A_573 = vector.shape_cast %bitcast_convert_type3A_563 : vector<16xf32> to vector<1x16xf32>
        tpu.vector_store %arg10[%swap3A_569, %swap3A_570], %swap3A_573 {add = true, strides = array<i32>} : memref<32x1024xf32, #tpu.memory_space<vmem>>, vector<1x16xf32>,
        %get3A_574 = arith.index_cast %add3A_121 : i32 to index
        %get3A_575 = arith.constant 384 : index
        %get3A_576 = tpu.vector_load %arg8[%get3A_574, %get3A_575] {strides = array<i32>} : memref<32x512xi32, #tpu.memory_space<vmem>>, vector<1x16xi32>,
        %get3A_577 = vector.shape_cast %get3A_576 : vector<1x16xi32> to vector<16xi32>
        %shift_left3A_578 = arith.constant 16 : i32
        %shift_left3A_579 = vector.broadcast %shift_left3A_578 : i32 to vector<16xi32>
        %shift_left3A_580 = arith.shli %get3A_577, %shift_left3A_579 : vector<16xi32>
        %bitcast_convert_type3A_581 = tpu.bitcast %shift_left3A_580 : vector<16xi32> -> vector<16xf32>
        %bitcast_convert_type3A_582 = tpu.bitcast %get3A_577 : vector<16xi32> -> vector<16xf32>
        %swap3A_583 = arith.index_cast %add3A_121 : i32 to index
        %swap3A_584 = arith.constant 384 : index
        %swap3A_585 = tpu.vector_load %arg10[%swap3A_583, %swap3A_584] {strides = array<i32>} : memref<32x1024xf32, #tpu.memory_space<vmem>>, vector<1x16xf32>,
        %swap3A_586 = vector.shape_cast %swap3A_585 : vector<1x16xf32> to vector<16xf32>
        %swap3A_587 = vector.shape_cast %bitcast_convert_type3A_581 : vector<16xf32> to vector<1x16xf32>
        tpu.vector_store %arg10[%swap3A_583, %swap3A_584], %swap3A_587 {add = true, strides = array<i32>} : memref<32x1024xf32, #tpu.memory_space<vmem>>, vector<1x16xf32>,
        %swap3A_588 = arith.index_cast %add3A_121 : i32 to index
        %swap3A_589 = arith.constant 896 : index
        %swap3A_590 = tpu.vector_load %arg10[%swap3A_588, %swap3A_589] {strides = array<i32>} : memref<32x1024xf32, #tpu.memory_space<vmem>>, vector<1x16xf32>,
        %swap3A_591 = vector.shape_cast %swap3A_590 : vector<1x16xf32> to vector<16xf32>
        %swap3A_592 = vector.shape_cast %bitcast_convert_type3A_582 : vector<16xf32> to vector<1x16xf32>
        tpu.vector_store %arg10[%swap3A_588, %swap3A_589], %swap3A_592 {add = true, strides = array<i32>} : memref<32x1024xf32, #tpu.memory_space<vmem>>, vector<1x16xf32>,
        %get3A_593 = arith.index_cast %add3A_121 : i32 to index
        %get3A_594 = arith.constant 400 : index
        %get3A_595 = tpu.vector_load %arg8[%get3A_593, %get3A_594] {strides = array<i32>} : memref<32x512xi32, #tpu.memory_space<vmem>>, vector<1x16xi32>,
        %get3A_596 = vector.shape_cast %get3A_595 : vector<1x16xi32> to vector<16xi32>
        %shift_left3A_597 = arith.constant 16 : i32
        %shift_left3A_598 = vector.broadcast %shift_left3A_597 : i32 to vector<16xi32>
        %shift_left3A_599 = arith.shli %get3A_596, %shift_left3A_598 : vector<16xi32>
        %bitcast_convert_type3A_600 = tpu.bitcast %shift_left3A_599 : vector<16xi32> -> vector<16xf32>
        %bitcast_convert_type3A_601 = tpu.bitcast %get3A_596 : vector<16xi32> -> vector<16xf32>
        %swap3A_602 = arith.index_cast %add3A_121 : i32 to index
        %swap3A_603 = arith.constant 400 : index
        %swap3A_604 = tpu.vector_load %arg10[%swap3A_602, %swap3A_603] {strides = array<i32>} : memref<32x1024xf32, #tpu.memory_space<vmem>>, vector<1x16xf32>,
        %swap3A_605 = vector.shape_cast %swap3A_604 : vector<1x16xf32> to vector<16xf32>
        %swap3A_606 = vector.shape_cast %bitcast_convert_type3A_600 : vector<16xf32> to vector<1x16xf32>
        tpu.vector_store %arg10[%swap3A_602, %swap3A_603], %swap3A_606 {add = true, strides = array<i32>} : memref<32x1024xf32, #tpu.memory_space<vmem>>, vector<1x16xf32>,
        %swap3A_607 = arith.index_cast %add3A_121 : i32 to index
        %swap3A_608 = arith.constant 912 : index
        %swap3A_609 = tpu.vector_load %arg10[%swap3A_607, %swap3A_608] {strides = array<i32>} : memref<32x1024xf32, #tpu.memory_space<vmem>>, vector<1x16xf32>,
        %swap3A_610 = vector.shape_cast %swap3A_609 : vector<1x16xf32> to vector<16xf32>
        %swap3A_611 = vector.shape_cast %bitcast_convert_type3A_601 : vector<16xf32> to vector<1x16xf32>
        tpu.vector_store %arg10[%swap3A_607, %swap3A_608], %swap3A_611 {add = true, strides = array<i32>} : memref<32x1024xf32, #tpu.memory_space<vmem>>, vector<1x16xf32>,
        %get3A_612 = arith.index_cast %add3A_121 : i32 to index
        %get3A_613 = arith.constant 416 : index
        %get3A_614 = tpu.vector_load %arg8[%get3A_612, %get3A_613] {strides = array<i32>} : memref<32x512xi32, #tpu.memory_space<vmem>>, vector<1x16xi32>,
        %get3A_615 = vector.shape_cast %get3A_614 : vector<1x16xi32> to vector<16xi32>
        %shift_left3A_616 = arith.constant 16 : i32
        %shift_left3A_617 = vector.broadcast %shift_left3A_616 : i32 to vector<16xi32>
        %shift_left3A_618 = arith.shli %get3A_615, %shift_left3A_617 : vector<16xi32>
        %bitcast_convert_type3A_619 = tpu.bitcast %shift_left3A_618 : vector<16xi32> -> vector<16xf32>
        %bitcast_convert_type3A_620 = tpu.bitcast %get3A_615 : vector<16xi32> -> vector<16xf32>
        %swap3A_621 = arith.index_cast %add3A_121 : i32 to index
        %swap3A_622 = arith.constant 416 : index
        %swap3A_623 = tpu.vector_load %arg10[%swap3A_621, %swap3A_622] {strides = array<i32>} : memref<32x1024xf32, #tpu.memory_space<vmem>>, vector<1x16xf32>,
        %swap3A_624 = vector.shape_cast %swap3A_623 : vector<1x16xf32> to vector<16xf32>
        %swap3A_625 = vector.shape_cast %bitcast_convert_type3A_619 : vector<16xf32> to vector<1x16xf32>
        tpu.vector_store %arg10[%swap3A_621, %swap3A_622], %swap3A_625 {add = true, strides = array<i32>} : memref<32x1024xf32, #tpu.memory_space<vmem>>, vector<1x16xf32>,
        %swap3A_626 = arith.index_cast %add3A_121 : i32 to index
        %swap3A_627 = arith.constant 928 : index
        %swap3A_628 = tpu.vector_load %arg10[%swap3A_626, %swap3A_627] {strides = array<i32>} : memref<32x1024xf32, #tpu.memory_space<vmem>>, vector<1x16xf32>,
        %swap3A_629 = vector.shape_cast %swap3A_628 : vector<1x16xf32> to vector<16xf32>
        %swap3A_630 = vector.shape_cast %bitcast_convert_type3A_620 : vector<16xf32> to vector<1x16xf32>
        tpu.vector_store %arg10[%swap3A_626, %swap3A_627], %swap3A_630 {add = true, strides = array<i32>} : memref<32x1024xf32, #tpu.memory_space<vmem>>, vector<1x16xf32>,
        %get3A_631 = arith.index_cast %add3A_121 : i32 to index
        %get3A_632 = arith.constant 432 : index
        %get3A_633 = tpu.vector_load %arg8[%get3A_631, %get3A_632] {strides = array<i32>} : memref<32x512xi32, #tpu.memory_space<vmem>>, vector<1x16xi32>,
        %get3A_634 = vector.shape_cast %get3A_633 : vector<1x16xi32> to vector<16xi32>
        %shift_left3A_635 = arith.constant 16 : i32
        %shift_left3A_636 = vector.broadcast %shift_left3A_635 : i32 to vector<16xi32>
        %shift_left3A_637 = arith.shli %get3A_634, %shift_left3A_636 : vector<16xi32>
        %bitcast_convert_type3A_638 = tpu.bitcast %shift_left3A_637 : vector<16xi32> -> vector<16xf32>
        %bitcast_convert_type3A_639 = tpu.bitcast %get3A_634 : vector<16xi32> -> vector<16xf32>
        %swap3A_640 = arith.index_cast %add3A_121 : i32 to index
        %swap3A_641 = arith.constant 432 : index
        %swap3A_642 = tpu.vector_load %arg10[%swap3A_640, %swap3A_641] {strides = array<i32>} : memref<32x1024xf32, #tpu.memory_space<vmem>>, vector<1x16xf32>,
        %swap3A_643 = vector.shape_cast %swap3A_642 : vector<1x16xf32> to vector<16xf32>
        %swap3A_644 = vector.shape_cast %bitcast_convert_type3A_638 : vector<16xf32> to vector<1x16xf32>
        tpu.vector_store %arg10[%swap3A_640, %swap3A_641], %swap3A_644 {add = true, strides = array<i32>} : memref<32x1024xf32, #tpu.memory_space<vmem>>, vector<1x16xf32>,
        %swap3A_645 = arith.index_cast %add3A_121 : i32 to index
        %swap3A_646 = arith.constant 944 : index
        %swap3A_647 = tpu.vector_load %arg10[%swap3A_645, %swap3A_646] {strides = array<i32>} : memref<32x1024xf32, #tpu.memory_space<vmem>>, vector<1x16xf32>,
        %swap3A_648 = vector.shape_cast %swap3A_647 : vector<1x16xf32> to vector<16xf32>
        %swap3A_649 = vector.shape_cast %bitcast_convert_type3A_639 : vector<16xf32> to vector<1x16xf32>
        tpu.vector_store %arg10[%swap3A_645, %swap3A_646], %swap3A_649 {add = true, strides = array<i32>} : memref<32x1024xf32, #tpu.memory_space<vmem>>, vector<1x16xf32>,
        %get3A_650 = arith.index_cast %add3A_121 : i32 to index
        %get3A_651 = arith.constant 448 : index
        %get3A_652 = tpu.vector_load %arg8[%get3A_650, %get3A_651] {strides = array<i32>} : memref<32x512xi32, #tpu.memory_space<vmem>>, vector<1x16xi32>,
        %get3A_653 = vector.shape_cast %get3A_652 : vector<1x16xi32> to vector<16xi32>
        %shift_left3A_654 = arith.constant 16 : i32
        %shift_left3A_655 = vector.broadcast %shift_left3A_654 : i32 to vector<16xi32>
        %shift_left3A_656 = arith.shli %get3A_653, %shift_left3A_655 : vector<16xi32>
        %bitcast_convert_type3A_657 = tpu.bitcast %shift_left3A_656 : vector<16xi32> -> vector<16xf32>
        %bitcast_convert_type3A_658 = tpu.bitcast %get3A_653 : vector<16xi32> -> vector<16xf32>
        %swap3A_659 = arith.index_cast %add3A_121 : i32 to index
        %swap3A_660 = arith.constant 448 : index
        %swap3A_661 = tpu.vector_load %arg10[%swap3A_659, %swap3A_660] {strides = array<i32>} : memref<32x1024xf32, #tpu.memory_space<vmem>>, vector<1x16xf32>,
        %swap3A_662 = vector.shape_cast %swap3A_661 : vector<1x16xf32> to vector<16xf32>
        %swap3A_663 = vector.shape_cast %bitcast_convert_type3A_657 : vector<16xf32> to vector<1x16xf32>
        tpu.vector_store %arg10[%swap3A_659, %swap3A_660], %swap3A_663 {add = true, strides = array<i32>} : memref<32x1024xf32, #tpu.memory_space<vmem>>, vector<1x16xf32>,
        %swap3A_664 = arith.index_cast %add3A_121 : i32 to index
        %swap3A_665 = arith.constant 960 : index
        %swap3A_666 = tpu.vector_load %arg10[%swap3A_664, %swap3A_665] {strides = array<i32>} : memref<32x1024xf32, #tpu.memory_space<vmem>>, vector<1x16xf32>,
        %swap3A_667 = vector.shape_cast %swap3A_666 : vector<1x16xf32> to vector<16xf32>
        %swap3A_668 = vector.shape_cast %bitcast_convert_type3A_658 : vector<16xf32> to vector<1x16xf32>
        tpu.vector_store %arg10[%swap3A_664, %swap3A_665], %swap3A_668 {add = true, strides = array<i32>} : memref<32x1024xf32, #tpu.memory_space<vmem>>, vector<1x16xf32>,
        %get3A_669 = arith.index_cast %add3A_121 : i32 to index
        %get3A_670 = arith.constant 464 : index
        %get3A_671 = tpu.vector_load %arg8[%get3A_669, %get3A_670] {strides = array<i32>} : memref<32x512xi32, #tpu.memory_space<vmem>>, vector<1x16xi32>,
        %get3A_672 = vector.shape_cast %get3A_671 : vector<1x16xi32> to vector<16xi32>
        %shift_left3A_673 = arith.constant 16 : i32
        %shift_left3A_674 = vector.broadcast %shift_left3A_673 : i32 to vector<16xi32>
        %shift_left3A_675 = arith.shli %get3A_672, %shift_left3A_674 : vector<16xi32>
        %bitcast_convert_type3A_676 = tpu.bitcast %shift_left3A_675 : vector<16xi32> -> vector<16xf32>
        %bitcast_convert_type3A_677 = tpu.bitcast %get3A_672 : vector<16xi32> -> vector<16xf32>
        %swap3A_678 = arith.index_cast %add3A_121 : i32 to index
        %swap3A_679 = arith.constant 464 : index
        %swap3A_680 = tpu.vector_load %arg10[%swap3A_678, %swap3A_679] {strides = array<i32>} : memref<32x1024xf32, #tpu.memory_space<vmem>>, vector<1x16xf32>,
        %swap3A_681 = vector.shape_cast %swap3A_680 : vector<1x16xf32> to vector<16xf32>
        %swap3A_682 = vector.shape_cast %bitcast_convert_type3A_676 : vector<16xf32> to vector<1x16xf32>
        tpu.vector_store %arg10[%swap3A_678, %swap3A_679], %swap3A_682 {add = true, strides = array<i32>} : memref<32x1024xf32, #tpu.memory_space<vmem>>, vector<1x16xf32>,
        %swap3A_683 = arith.index_cast %add3A_121 : i32 to index
        %swap3A_684 = arith.constant 976 : index
        %swap3A_685 = tpu.vector_load %arg10[%swap3A_683, %swap3A_684] {strides = array<i32>} : memref<32x1024xf32, #tpu.memory_space<vmem>>, vector<1x16xf32>,
        %swap3A_686 = vector.shape_cast %swap3A_685 : vector<1x16xf32> to vector<16xf32>
        %swap3A_687 = vector.shape_cast %bitcast_convert_type3A_677 : vector<16xf32> to vector<1x16xf32>
        tpu.vector_store %arg10[%swap3A_683, %swap3A_684], %swap3A_687 {add = true, strides = array<i32>} : memref<32x1024xf32, #tpu.memory_space<vmem>>, vector<1x16xf32>,
        %get3A_688 = arith.index_cast %add3A_121 : i32 to index
        %get3A_689 = arith.constant 480 : index
        %get3A_690 = tpu.vector_load %arg8[%get3A_688, %get3A_689] {strides = array<i32>} : memref<32x512xi32, #tpu.memory_space<vmem>>, vector<1x16xi32>,
        %get3A_691 = vector.shape_cast %get3A_690 : vector<1x16xi32> to vector<16xi32>
        %shift_left3A_692 = arith.constant 16 : i32
        %shift_left3A_693 = vector.broadcast %shift_left3A_692 : i32 to vector<16xi32>
        %shift_left3A_694 = arith.shli %get3A_691, %shift_left3A_693 : vector<16xi32>
        %bitcast_convert_type3A_695 = tpu.bitcast %shift_left3A_694 : vector<16xi32> -> vector<16xf32>
        %bitcast_convert_type3A_696 = tpu.bitcast %get3A_691 : vector<16xi32> -> vector<16xf32>
        %swap3A_697 = arith.index_cast %add3A_121 : i32 to index
        %swap3A_698 = arith.constant 480 : index
        %swap3A_699 = tpu.vector_load %arg10[%swap3A_697, %swap3A_698] {strides = array<i32>} : memref<32x1024xf32, #tpu.memory_space<vmem>>, vector<1x16xf32>,
        %swap3A_700 = vector.shape_cast %swap3A_699 : vector<1x16xf32> to vector<16xf32>
        %swap3A_701 = vector.shape_cast %bitcast_convert_type3A_695 : vector<16xf32> to vector<1x16xf32>
        tpu.vector_store %arg10[%swap3A_697, %swap3A_698], %swap3A_701 {add = true, strides = array<i32>} : memref<32x1024xf32, #tpu.memory_space<vmem>>, vector<1x16xf32>,
        %swap3A_702 = arith.index_cast %add3A_121 : i32 to index
        %swap3A_703 = arith.constant 992 : index
        %swap3A_704 = tpu.vector_load %arg10[%swap3A_702, %swap3A_703] {strides = array<i32>} : memref<32x1024xf32, #tpu.memory_space<vmem>>, vector<1x16xf32>,
        %swap3A_705 = vector.shape_cast %swap3A_704 : vector<1x16xf32> to vector<16xf32>
        %swap3A_706 = vector.shape_cast %bitcast_convert_type3A_696 : vector<16xf32> to vector<1x16xf32>
        tpu.vector_store %arg10[%swap3A_702, %swap3A_703], %swap3A_706 {add = true, strides = array<i32>} : memref<32x1024xf32, #tpu.memory_space<vmem>>, vector<1x16xf32>,
        %get3A_707 = arith.index_cast %add3A_121 : i32 to index
        %get3A_708 = arith.constant 496 : index
        %get3A_709 = tpu.vector_load %arg8[%get3A_707, %get3A_708] {strides = array<i32>} : memref<32x512xi32, #tpu.memory_space<vmem>>, vector<1x16xi32>,
        %get3A_710 = vector.shape_cast %get3A_709 : vector<1x16xi32> to vector<16xi32>
        %shift_left3A_711 = arith.constant 16 : i32
        %shift_left3A_712 = vector.broadcast %shift_left3A_711 : i32 to vector<16xi32>
        %shift_left3A_713 = arith.shli %get3A_710, %shift_left3A_712 : vector<16xi32>
        %bitcast_convert_type3A_714 = tpu.bitcast %shift_left3A_713 : vector<16xi32> -> vector<16xf32>
        %bitcast_convert_type3A_715 = tpu.bitcast %get3A_710 : vector<16xi32> -> vector<16xf32>
        %swap3A_716 = arith.index_cast %add3A_121 : i32 to index
        %swap3A_717 = arith.constant 496 : index
        %swap3A_718 = tpu.vector_load %arg10[%swap3A_716, %swap3A_717] {strides = array<i32>} : memref<32x1024xf32, #tpu.memory_space<vmem>>, vector<1x16xf32>,
        %swap3A_719 = vector.shape_cast %swap3A_718 : vector<1x16xf32> to vector<16xf32>
        %swap3A_720 = vector.shape_cast %bitcast_convert_type3A_714 : vector<16xf32> to vector<1x16xf32>
        tpu.vector_store %arg10[%swap3A_716, %swap3A_717], %swap3A_720 {add = true, strides = array<i32>} : memref<32x1024xf32, #tpu.memory_space<vmem>>, vector<1x16xf32>,
        %swap3A_721 = arith.index_cast %add3A_121 : i32 to index
        %swap3A_722 = arith.constant 1008 : index
        %swap3A_723 = tpu.vector_load %arg10[%swap3A_721, %swap3A_722] {strides = array<i32>} : memref<32x1024xf32, #tpu.memory_space<vmem>>, vector<1x16xf32>,
        %swap3A_724 = vector.shape_cast %swap3A_723 : vector<1x16xf32> to vector<16xf32>
        %swap3A_725 = vector.shape_cast %bitcast_convert_type3A_715 : vector<16xf32> to vector<1x16xf32>
        tpu.vector_store %arg10[%swap3A_721, %swap3A_722], %swap3A_725 {add = true, strides = array<i32>} : memref<32x1024xf32, #tpu.memory_space<vmem>>, vector<1x16xf32>,
      }
      %scan3A_98 = arith.constant 32 : i32
      %add3A_99 = arith.constant 2 : i32
      %add3A_100 = arith.addi %add3A_80, %add3A_99 : i32
      %lt3A_101 = arith.constant 64 : i32
      %lt3A_102 = arith.cmpi slt, %add3A_100, %lt3A_101 : i32
      %convert_element_type3A_103 = arith.extui %lt3A_102 : i1 to i32
      %cond3A_104 = arith.constant 0 : i32
      %cond3A_105 = arith.cmpi ne, %convert_element_type3A_103, %cond3A_104 : i32
      scf.if %cond3A_105 {
        %add3A_117 = arith.constant 2 : i32
        %add3A_118 = arith.addi %add3A_80, %add3A_117 : i32
        %mul3A_119 = arith.constant 32 : i32
        %mul3A_120 = arith.muli %add3A_118, %mul3A_119 : i32
        %dma_start3A_121 = tpu.memref_slice %arg6[%mul3A_120] : memref<2048xi32, #tpu.memory_space<vmem>> -> memref<32xi32, #tpu.memory_space<vmem>>
        %dma_start3A_122 = arith.constant 0 : i32
        %dma_start3A_123 = arith.constant 0 : i32
        %dma_start3A_124 = tpu.memref_slice %arg2[%dma_start3A_122, %dma_start3A_123] : memref<32768x512xi32, #tpu.memory_space<hbm>> -> memref<32768x512xi32, #tpu.memory_space<hbm>>
        tpu.enqueue_indirect_dma source(%dma_start3A_124 : memref<32768x512xi32, #tpu.memory_space<hbm>>) target(%arg8 : memref<32x512xi32, #tpu.memory_space<vmem>>) offsets(%dma_start3A_121 : memref<32xi32, #tpu.memory_space<vmem>>) semaphore(%arg12 : memref<!tpu.dma_semaphore, #tpu.memory_space<semaphore_mem>>)
      } else {
      }
      %dma_start3A_106 = arith.constant 0 : i32
      %dma_start3A_107 = tpu.memref_slice %arg5[%add3A_83, %dma_start3A_106] : memref<65536x1024xf32, #tpu.memory_space<hbm>> -> memref<32x1024xf32, #tpu.memory_space<hbm>>
      %dma_start3A_108 = arith.constant 0 : i32
      %dma_start3A_109 = tpu.memref_slice %arg5[%add3A_83, %dma_start3A_108] : memref<65536x1024xf32, #tpu.memory_space<hbm>> -> memref<32x1024xf32, #tpu.memory_space<hbm>>
      tpu.enqueue_dma source(%arg10 : memref<32x1024xf32, #tpu.memory_space<vmem>>) target(%dma_start3A_109 : memref<32x1024xf32, #tpu.memory_space<hbm>>) target_semaphore(%arg16 : memref<!tpu.dma_semaphore, #tpu.memory_space<semaphore_mem>>)
      %add3A_110 = arith.constant 2 : i32
      %add3A_111 = arith.addi %add3A_80, %add3A_110 : i32
      %lt3A_112 = arith.constant 64 : i32
      %lt3A_113 = arith.cmpi slt, %add3A_111, %lt3A_112 : i32
      %convert_element_type3A_114 = arith.extui %lt3A_113 : i1 to i32
      %cond3A_115 = arith.constant 0 : i32
      %cond3A_116 = arith.cmpi ne, %convert_element_type3A_114, %cond3A_115 : i32
      scf.if %cond3A_116 {
        %dma_wait3A_117 = arith.constant 0 : i32
        %dma_wait3A_118 = tpu.memref_slice %arg5[%add3A_83, %dma_wait3A_117] : memref<65536x1024xf32, #tpu.memory_space<hbm>> -> memref<32x1024xf32, #tpu.memory_space<hbm>>
        %dma_wait3A_119 = arith.constant 0 : i32
        %dma_wait3A_120 = tpu.memref_slice %arg5[%add3A_83, %dma_wait3A_119] : memref<65536x1024xf32, #tpu.memory_space<hbm>> -> memref<32x1024xf32, #tpu.memory_space<hbm>>
        tpu.wait_dma2 semaphore(%arg16 : memref<!tpu.dma_semaphore, #tpu.memory_space<semaphore_mem>>) src(%arg10 : memref<32x1024xf32, #tpu.memory_space<vmem>>) dst(%dma_wait3A_120 : memref<32x1024xf32, #tpu.memory_space<hbm>>)
        %add3A_121 = arith.constant 2 : i32
        %add3A_122 = arith.addi %add3A_80, %add3A_121 : i32
        %mul3A_123 = arith.constant 32 : i32
        %mul3A_124 = arith.muli %add3A_122, %mul3A_123 : i32
        %add3A_125 = arith.addi %mul3A_2, %mul3A_124 : i32
        %dma_start3A_126 = arith.constant 0 : i32
        %dma_start3A_127 = tpu.memref_slice %arg4[%add3A_125, %dma_start3A_126] : memref<65536x1024xf32, #tpu.memory_space<hbm>> -> memref<32x1024xf32, #tpu.memory_space<hbm>>
        %dma_start3A_128 = arith.constant 0 : i32
        %dma_start3A_129 = tpu.memref_slice %arg4[%add3A_125, %dma_start3A_128] : memref<65536x1024xf32, #tpu.memory_space<hbm>> -> memref<32x1024xf32, #tpu.memory_space<hbm>>
        tpu.enqueue_dma source(%dma_start3A_129 : memref<32x1024xf32, #tpu.memory_space<hbm>>) target(%arg10 : memref<32x1024xf32, #tpu.memory_space<vmem>>) target_semaphore(%arg14 : memref<!tpu.dma_semaphore, #tpu.memory_space<semaphore_mem>>)
      } else {
      }
    }
    %scan3A_27 = arith.constant 32 : i32
    %add3A_28 = arith.constant 1984 : i32
    %add3A_29 = arith.addi %mul3A_2, %add3A_28 : i32
    %dma_wait3A = arith.constant 0 : i32
    %dma_wait3A_30 = tpu.memref_slice %arg5[%add3A_29, %dma_wait3A] : memref<65536x1024xf32, #tpu.memory_space<hbm>> -> memref<32x1024xf32, #tpu.memory_space<hbm>>
    %dma_wait3A_31 = arith.constant 0 : i32
    %dma_wait3A_32 = tpu.memref_slice %arg5[%add3A_29, %dma_wait3A_31] : memref<65536x1024xf32, #tpu.memory_space<hbm>> -> memref<32x1024xf32, #tpu.memory_space<hbm>>
    tpu.wait_dma2 semaphore(%arg15 : memref<!tpu.dma_semaphore, #tpu.memory_space<semaphore_mem>>) src(%arg9 : memref<32x1024xf32, #tpu.memory_space<vmem>>) dst(%dma_wait3A_32 : memref<32x1024xf32, #tpu.memory_space<hbm>>)
    %add3A_33 = arith.constant 2016 : i32
    %add3A_34 = arith.addi %mul3A_2, %add3A_33 : i32
    %dma_wait3A_35 = arith.constant 0 : i32
    %dma_wait3A_36 = tpu.memref_slice %arg5[%add3A_34, %dma_wait3A_35] : memref<65536x1024xf32, #tpu.memory_space<hbm>> -> memref<32x1024xf32, #tpu.memory_space<hbm>>
    %dma_wait3A_37 = arith.constant 0 : i32
    %dma_wait3A_38 = tpu.memref_slice %arg5[%add3A_34, %dma_wait3A_37] : memref<65536x1024xf32, #tpu.memory_space<hbm>> -> memref<32x1024xf32, #tpu.memory_space<hbm>>
    tpu.wait_dma2 semaphore(%arg16 : memref<!tpu.dma_semaphore, #tpu.memory_space<semaphore_mem>>) src(%arg10 : memref<32x1024xf32, #tpu.memory_space<vmem>>) dst(%dma_wait3A_38 : memref<32x1024xf32, #tpu.memory_space<hbm>>)
    return
  }
}

module attributes {stable_mosaic.version = 14 : i64} {
  func.func @_ln_body(%arg0: i32, %arg1: memref<2048x1024xf32, #tpu.memory_space<vmem>>, %arg2: memref<1x1024xf32, #tpu.memory_space<vmem>>, %arg3: memref<1x1024xf32, #tpu.memory_space<vmem>>, %arg4: memref<2048x512xi32, #tpu.memory_space<vmem>>) attributes {dimension_semantics = [#tpu.dimension_semantics<arbitrary>], iteration_bounds = array<i64: 16>, scalar_prefetch = 0 : i64, scratch_operands = 0 : i64, tpu.core_type = #tpu.core_type<tc>, window_params = [{transform_indices = @transform_0, window_bounds = array<i64: 2048, 1024>}, {pipeline_mode = #tpu.pipeline_mode<synchronous>, transform_indices = @transform_1, window_bounds = array<i64: 1, 1024>}, {pipeline_mode = #tpu.pipeline_mode<synchronous>, transform_indices = @transform_2, window_bounds = array<i64: 1, 1024>}, {transform_indices = @transform_3, window_bounds = array<i64: 2048, 512>}]} {
    %get3A = arith.constant 0 : index
    %get3A_0 = arith.constant 0 : index
    %get3A_1 = vector.load %arg1[%get3A, %get3A_0] : memref<2048x1024xf32, #tpu.memory_space<vmem>>, vector<2048x1024xf32>
    %reduce_sum3A = arith.constant dense<0.000000e+00> : vector<2048xf32>
    %reduce_sum3A_2 = vector.multi_reduction <add>, %get3A_1, %reduce_sum3A [1] : vector<2048x1024xf32> to vector<2048xf32>
    %broadcast_in_dim3A = vector.shape_cast %reduce_sum3A_2 : vector<2048xf32> to vector<2048x1xf32>
    %div3A = arith.constant 1.024000e+03 : f32
    %div3A_3 = vector.broadcast %div3A : f32 to vector<2048x1xf32>
    %div3A_4 = arith.divf %broadcast_in_dim3A, %div3A_3 : vector<2048x1xf32>
    %sub3A = vector.broadcast %div3A_4 : vector<2048x1xf32> to vector<2048x1024xf32>
    %sub3A_5 = arith.subf %get3A_1, %sub3A : vector<2048x1024xf32>
    %mul3A = arith.mulf %sub3A_5, %sub3A_5 : vector<2048x1024xf32>
    %reduce_sum3A_6 = arith.constant dense<0.000000e+00> : vector<2048xf32>
    %reduce_sum3A_7 = vector.multi_reduction <add>, %mul3A, %reduce_sum3A_6 [1] : vector<2048x1024xf32> to vector<2048xf32>
    %broadcast_in_dim3A_8 = vector.shape_cast %reduce_sum3A_7 : vector<2048xf32> to vector<2048x1xf32>
    %div3A_9 = arith.constant 1.024000e+03 : f32
    %div3A_10 = vector.broadcast %div3A_9 : f32 to vector<2048x1xf32>
    %div3A_11 = arith.divf %broadcast_in_dim3A_8, %div3A_10 : vector<2048x1xf32>
    %add3A = arith.constant 9.99999974E-6 : f32
    %add3A_12 = vector.broadcast %add3A : f32 to vector<2048x1xf32>
    %add3A_13 = arith.addf %div3A_11, %add3A_12 : vector<2048x1xf32>
    %rsqrt3A = math.rsqrt %add3A_13 : vector<2048x1xf32>
    %mul3A_14 = vector.broadcast %rsqrt3A : vector<2048x1xf32> to vector<2048x1024xf32>
    %mul3A_15 = arith.mulf %sub3A_5, %mul3A_14 : vector<2048x1024xf32>
    %get3A_16 = arith.constant 0 : index
    %get3A_17 = arith.constant 0 : index
    %get3A_18 = vector.load %arg2[%get3A_16, %get3A_17] : memref<1x1024xf32, #tpu.memory_space<vmem>>, vector<1x1024xf32>
    %mul3A_19 = vector.broadcast %get3A_18 : vector<1x1024xf32> to vector<2048x1024xf32>
    %mul3A_20 = arith.mulf %mul3A_15, %mul3A_19 : vector<2048x1024xf32>
    %get3A_21 = arith.constant 0 : index
    %get3A_22 = arith.constant 0 : index
    %get3A_23 = vector.load %arg3[%get3A_21, %get3A_22] : memref<1x1024xf32, #tpu.memory_space<vmem>>, vector<1x1024xf32>
    %add3A_24 = vector.broadcast %get3A_23 : vector<1x1024xf32> to vector<2048x1024xf32>
    %add3A_25 = arith.addf %mul3A_20, %add3A_24 : vector<2048x1024xf32>
    %bitcast_convert_type3A = tpu.bitcast %add3A_25 : vector<2048x1024xf32> -> vector<2048x1024xi32>
    %add3A_26 = arith.constant 32768 : i32
    %add3A_27 = vector.broadcast %add3A_26 : i32 to vector<2048x1024xi32>
    %add3A_28 = arith.addi %bitcast_convert_type3A, %add3A_27 : vector<2048x1024xi32>
    %slice3A = vector.extract_strided_slice %add3A_28 {offsets = [0, 0], sizes = [2048, 512], strides = [1, 1]} : vector<2048x1024xi32> to vector<2048x512xi32>
    %shift_right_logical3A = arith.constant 16 : i32
    %shift_right_logical3A_29 = vector.broadcast %shift_right_logical3A : i32 to vector<2048x512xi32>
    %shift_right_logical3A_30 = arith.shrui %slice3A, %shift_right_logical3A_29 : vector<2048x512xi32>
    %slice3A_31 = vector.extract_strided_slice %add3A_28 {offsets = [0, 512], sizes = [2048, 512], strides = [1, 1]} : vector<2048x1024xi32> to vector<2048x512xi32>
    %and3A = arith.constant -65536 : i32
    %and3A_32 = vector.broadcast %and3A : i32 to vector<2048x512xi32>
    %and3A_33 = arith.andi %slice3A_31, %and3A_32 : vector<2048x512xi32>
    %or3A = arith.ori %shift_right_logical3A_30, %and3A_33 : vector<2048x512xi32>
    %swap3A = arith.constant 0 : index
    %swap3A_34 = arith.constant 0 : index
    %swap3A_35 = vector.load %arg4[%swap3A, %swap3A_34] : memref<2048x512xi32, #tpu.memory_space<vmem>>, vector<2048x512xi32>
    tpu.vector_store %arg4[%swap3A, %swap3A_34], %or3A {strides = array<i32>} : memref<2048x512xi32, #tpu.memory_space<vmem>>, vector<2048x512xi32>,
    return
  }
  func.func @transform_0(%arg0: i32) -> (i32, i32) {
    %c0_i32 = arith.constant 0 : i32
    %c0_i32_0 = arith.constant 0 : i32
    return %arg0, %c0_i32 : i32, i32
  }
  func.func @transform_1(%arg0: i32) -> (i32, i32) {
    %c0_i32 = arith.constant 0 : i32
    %c0_i32_0 = arith.constant 0 : i32
    %c0_i32_1 = arith.constant 0 : i32
    return %c0_i32, %c0_i32_0 : i32, i32
  }
  func.func @transform_2(%arg0: i32) -> (i32, i32) {
    %c0_i32 = arith.constant 0 : i32
    %c0_i32_0 = arith.constant 0 : i32
    %c0_i32_1 = arith.constant 0 : i32
    return %c0_i32, %c0_i32_0 : i32, i32
  }
  func.func @transform_3(%arg0: i32) -> (i32, i32) {
    %c0_i32 = arith.constant 0 : i32
    %c0_i32_0 = arith.constant 0 : i32
    return %arg0, %c0_i32 : i32, i32
  }
}

</mosaic_0001>

<sc_bundles>
// kernel: kernel.4.cloned.1.call-start
scs
__scs_entry_jumppad:
0x0: {  	(pc) =	sbr.rel $0x88, $3  }
0x1: {  	(tag) =	ssettag $0x0;
	lr =	simm.s32 $0x1  }
0x2: {  	[smem:$0x3F9C] =	sst lr;
	_ =	strace $0xD0000000  }
0x3: {  	_ = 	snop  }
0x4: {  	_ = 	snop  }
0x5: {  	_ = 	snop  }
0x6: {  	_ = 	snop  }
0x7: {  	_ = 	snop  }
__scs_overlays_trampoline_lowered:
0x8: {  	[smem:$0x3FAB] =	sst s0  }
0x9: {  	[smem:$0x3FAC] =	sst s1  }
0xa: {  	[smem:$0x3FAD] =	sst s2  }
0xb: {  	[smem:$0x3FAE] =	sst s3  }
0xc: {  	[smem:$0x3FAF] =	sst s4  }
0xd: {  	[smem:$0x3FB0] =	sst s5  }
0xe: {  	[smem:$0x3FB1] =	sst s6  }
0xf: {  	[smem:$0x3FB2] =	sst s7  }
0x10: {  	[smem:$0x3FB3] =	sst s8  }
0x11: {  	[smem:$0x3FB4] =	sst s9;
	s0 =	simm.s32 @!p0 $0x0  }
0x12: {  	s1 =	sld [smem:$0x3F9A];
	s0 =	simm.s32 @p0 $0x1  }
0x13: {  	[smem:$0x3FB5] =	sst s0;
	s0 =	simm.s32 @!p1 $0x0  }
0x14: {  	s2 =	sld [smem:$0x3F99];
	s0 =	simm.s32 @p1 $0x1  }
0x15: {  	[smem:$0x3FB6] =	sst s0;
	s0 =	simm.s32 @!p2 $0x0  }
0x16: {  	s3 =	sld [smem:$0x3FDB];
	s0 =	simm.s32 @p2 $0x1  }
0x17: {  	s4 =	simm.s32 $0x1BF5;
	[smem:$0x3FB8] =	sst s0  }
0x18: {  	s0 =	sld [smem:$0x3F9B];
	_ =	swait.ge [sflag:s4], $0x0  }
0x19: {  	s7 =	sld [smem:$0x3F9C]  }
0x1a: {  	s8 =	sadd.s32 $0xFFFFE003, lr  }
0x1b: {  	s9 =	sadd.s32 $0xFFFFFEF7, lr;
	s5 =	simm.s32 $0xFFFFFFFF;
	p2 =	slt.u32 s8, $0xFFFFF086  }
0x1c: {  	p1 =	slt.u32 s9, $0xF7A;
	s5 =	simm.s32 @!p2 $0x0  }
0x1d: {  	s5 =	simm.s32 @p1 $0x1;
	p0 =	seq.s32 s7, s2  }
0x1e: {  	s7 =	smul.u32 @!p0 $0xF7A, s2;
	p2 =	seq.s32 @!p0 s5, $0x0  }
0x1f: {  	s9 =	smul.u32 $0xF7A, s1;
	s8 =	simm.s32 @!p0 $0x1BF5;
	p2 =	por !p2, p0  }
0x20: {  	[sflag:s8] =	ssyncset.s32 @!p0 $0xFFFFF086;
	s6 =	sadd.s32 @!p0 s3, s7;
	s7 =	simm.s32 @!p0 $0x108  }
0x21: {  	s3 =	sadd.s32 s3, s9;
	s6 =	sadd.s32 @!p0 $0x88, s6;
	s7 =	simm.s32 @p2 $0x1082  }
0x22: {  	[simem:s7], [sflag:s8] =	dma.local @!p0 [hbm:s6], $0xF7A  }
0x23: {  	s9 =	sor.u32 $0xD0000000, s2;
	s6 =	simm.s32 $0x108;
	_ =	swait.ge @!p0 [sflag:s8], $0x0  }
0x24: {  	s3 =	sadd.s32 $0x88, s3;
	s6 =	simm.s32 @!p1 $0x1082;
	[sflag:s4] =	ssyncset.s32 $0xFFFFF086  }
0x25: {  	[simem:s6], [sflag:s4] =	dma.local [hbm:s3], $0xF7A  }
0x26: {  	[smem:$0x3F9C] =	sst s1;
	(tag) =	ssettag s2;
	_ =	strace s9  }
0x27: {  	s1 =	sld [smem:$0x3FAC]  }
0x28: {  	s2 =	sld [smem:$0x3FAD]  }
0x29: {  	s4 =	sld [smem:$0x3FAF]  }
0x2a: {  	p0 =	seq.s32 s5, $0x0;
	s5 =	sld [smem:$0x3FB0]  }
0x2b: {  	s6 =	sld [smem:$0x3FB1]  }
0x2c: {  	s7 =	sld [smem:$0x3FB2]  }
0x2d: {  	s3 =	simm.s32 $0x108;
	s8 =	sld [smem:$0x3FB3]  }
0x2e: {  	s3 =	simm.s32 @!p0 $0x1082;
	s9 =	sld [smem:$0x3FB4]  }
0x2f: {  	lr =	sadd.s32 s0, s3;
	s0 =	sld [smem:$0x3FAB]  }
0x30: {  	s3 =	sld [smem:$0x3FAE]  }
0x31: {  	[smem:$0x3FB7] =	sst s10  }
0x32: {  	s10 =	sld [smem:$0x3FB5];
	_ =	sdelay $0x3  }
0x33: {  	p0 =	seq.s32 s10, $0x1;
	s10 =	sld [smem:$0x3FB7];
	_ =	sdelay $0x3  }
0x34: {  	[smem:$0x3FB7] =	sst s10  }
0x35: {  	s10 =	sld [smem:$0x3FB6];
	_ =	sdelay $0x3  }
0x36: {  	p1 =	seq.s32 s10, $0x1;
	s10 =	sld [smem:$0x3FB7];
	_ =	sdelay $0x3  }
0x37: {  	[smem:$0x3FB7] =	sst s10  }
0x38: {  	s10 =	sld [smem:$0x3FB8]  }
0x39: {  	_ = 	snop;
	(pc) =	sbr.ind lr, $3  }
0x3a: {  	_ = 	snop  }
0x3b: {  	_ = 	snop  }
0x3c: {  	p2 =	seq.s32 s10, $0x1;
	s10 =	sld [smem:$0x3FB7]  }
0x3d: {  	_ =	shalt  }
0x3e: {  	_ =	shalt  }
0x3f: {  	_ =	shalt  }
0x40: {  	_ =	shalt  }
0x41: {  	_ =	shalt  }
0x42: {  	_ =	shalt  }
0x43: {  	_ =	shalt  }
0x44: {  	_ =	shalt  }
0x45: {  	_ =	shalt  }
0x46: {  	_ =	shalt  }
0x47: {  	_ =	shalt  }
0x48: {  	_ =	shalt  }
0x49: {  	_ =	shalt  }
0x4a: {  	_ =	shalt  }
0x4b: {  	_ =	shalt  }
0x4c: {  	_ =	shalt  }
0x4d: {  	_ =	shalt  }
0x4e: {  	_ =	shalt  }
0x4f: {  	_ =	shalt  }
0x50: {  	_ =	shalt  }
0x51: {  	_ =	shalt  }
0x52: {  	_ =	shalt  }
0x53: {  	_ =	shalt  }
0x54: {  	_ =	shalt  }
0x55: {  	_ =	shalt  }
0x56: {  	_ =	shalt  }
0x57: {  	_ =	shalt  }
0x58: {  	_ =	shalt  }
0x59: {  	_ =	shalt  }
0x5a: {  	_ =	shalt  }
0x5b: {  	_ =	shalt  }
0x5c: {  	_ =	shalt  }
0x5d: {  	_ =	shalt  }
0x5e: {  	_ =	shalt  }
0x5f: {  	_ =	shalt  }
0x60: {  	_ =	shalt  }
0x61: {  	_ =	shalt  }
0x62: {  	_ =	shalt  }
0x63: {  	_ =	shalt  }
0x64: {  	_ =	shalt  }
0x65: {  	_ =	shalt  }
0x66: {  	_ =	shalt  }
0x67: {  	_ =	shalt  }
0x68: {  	_ =	shalt  }
0x69: {  	_ =	shalt  }
0x6a: {  	_ =	shalt  }
0x6b: {  	_ =	shalt  }
0x6c: {  	_ =	shalt  }
0x6d: {  	_ =	shalt  }
0x6e: {  	_ =	shalt  }
0x6f: {  	_ =	shalt  }
0x70: {  	_ =	shalt  }
0x71: {  	_ =	shalt  }
0x72: {  	_ =	shalt  }
0x73: {  	_ =	shalt  }
0x74: {  	_ =	shalt  }
0x75: {  	_ =	shalt  }
0x76: {  	_ =	shalt  }
0x77: {  	_ =	shalt  }
0x78: {  	_ =	shalt  }
0x79: {  	_ =	shalt  }
0x7a: {  	_ =	shalt  }
0x7b: {  	_ =	shalt  }
0x7c: {  	_ =	shalt  }
0x7d: {  	_ =	shalt  }
0x7e: {  	_ =	shalt  }
0x7f: {  	_ =	shalt  }
0x80: {  	_ =	shalt  }
0x81: {  	_ =	shalt  }
0x82: {  	_ =	shalt  }
0x83: {  	_ =	shalt  }
0x84: {  	_ =	shalt  }
0x85: {  	_ =	shalt  }
0x86: {  	_ =	shalt  }
0x87: {  	_ =	shalt  }
.Lfunc_end0:
.L_simem_size_0:
called_computation_lowered:
.L_overlay_start_0:
0x88: {  	s2 =	sld [smem:$0x3FD9]  }
0x89: {  	s3 =	sld [smem:$0x3FFE];
	_ =	sdelay $0x1  }
0x8a: {  	s1 =	srdreg.scid  }
0x8b: {  	s0 =	sand.u32 $0x1, s1  }
0x8c: {  	s17 =	sshll.u32 s0, $0xA;
	s2 =	sadd.s32 s3, s2  }
0x8d: {  	s2 =	sadd.s32 s2, s17  }
0x8e: {  	[smem:$0x3FC3] =	sst s2  }
0x8f: {  	_ = 	snop  }
0x90: {  	s2 =	sld [smem:$0x3FC8]  }
0x91: {  	s18 =	sld [smem:$0x3FD0];
	(tm) =	ssettm $0x1  }
0x92: {  	s4 =	sld [smem:$0x3FFB];
	_ =	sdelay $0x3  }
0x93: {  	_ =	strace s4  }
0x94: {  	s4 =	sld [smem:$0x3FFC];
	_ =	sdelay $0x3  }
0x95: {  	_ =	strace s4  }
0x96: {  	s4 =	sld [smem:$0x3FFD];
	_ =	sdelay $0x3  }
0x97: {  	_ =	strace s4  }
0x98: {  	_ =	strace $0x8FFFFFFF  }
0x99: {  	s19 =	sld [smem:$0x3FDB];
	_ =	sdelay $0x1  }
0x9a: {  	s5 =	simm.s32 $_scs_section_size  }
0x9b: {  	s6 =	simm.s32 $_size__tile_overlayer_lowered;
	s7 =	simm.s32 $_tile_overlayer_lowered  }
0x9c: {  	s22 =	simm.s32 $0x1BFF;
	s21 =	sshll.u32 s7, $0x1;
	s4 =	sadd.s32 s5, s19  }
0x9d: {  	s8 =	simm.s32 $0x0;
	s20 =	sshll.u32 s6, $0x1;
	s6 =	sadd.s32 s21, s4  }
0x9e: {  	[timem:s8], [sflag:s22] =	dma.local [hbm:s6], s20  }
0x9f: {  	_ =	swait.ge [sflag:s22], s20  }
0xa0: {  	s5 =	ssub.s32 $0x0, s20;
	[sflag:s22] =	ssyncset.done $0x0  }
0xa1: {  	[sflag:s22] =	ssyncadd.s32 s5;
	_ =	sdelay $0x1  }
0xa2: {  	s23 =	simm.s32 $0x1B8B  }
0xa3: {  	_ =	swait.ge [sflag:s23], $0x1  }
0xa4: {  	[sflag:s23] =	ssyncset.done $0x0  }
0xa5: {  	s25 =	simm.s32 $0x1B8E;
	s24 =	sld [smem:$0x3FFE];
	[sflag:s23] =	ssyncadd.s32 $0xFFFFFFFF  }
0xa6: {  	s26 =	simm.s32 $execute0_lowered;
	[smem:$0x3FD2] =	sst s25  }
0xa7: {  	s6 =	sshll.u32 s26, $0x1;
	_ =	strace $0x80000046;
	[dreg:$0x1] =	wrdreg $0xFFFFFFFF  }
0xa8: {  	s28 =	simm.s32 $_size_execute0_lowered;
	s4 =	sadd.s32 s4, s6;
	[dreg:$0x0] =	wrdreg $0x0  }
0xa9: {  	s6 =	sshll.u32 s28, $0x1;
	[dreg:$0x2] =	wrdreg s4  }
0xaa: {  	[dreg:$0x3] =	wrdreg s6  }
0xab: {  	[dreg:$0x4] =	wrdreg $0xC0  }
0xac: {  	_ =	task [dreg:s8], $0x5FFFF  }
0xad: {  	[dreg:$0x1] =	wrdreg $0xFFFFFFFF  }
0xae: {  	[dreg:$0x0] =	wrdreg $0x60  }
0xaf: {  	[dreg:$0x2] =	wrdreg s24  }
0xb0: {  	[dreg:$0x3] =	wrdreg s2  }
0xb1: {  	[dreg:$0x4] =	wrdreg s18  }
0xb2: {  	[dreg:$0x5] =	wrdreg $0x9  }
0xb3: {  	_ =	task.clear_ibuf [dreg:s8], $0x6FFFF;
	_ =	strace $0x90000046  }
0xb4: {  	s29 =	simm.s32 $0x9;
	_ =	strace $0x80000048  }
0xb5: {  	_ =	swait.ge [sflag:s29], $0x1  }
0xb6: {  	[sflag:s29] =	ssyncadd.s32 $0xFFFFFFFF  }
0xb7: {  	_ =	strace $0x90000048  }
0xb8: {  	_ =	sfence  }
0xb9: {  	s30 =	sld [smem:$0x0];
	_ =	sdelay $0x2  }
0xba: {  	s31 =	sshll.u32 s1, $0xD;
	s1 =	sshrl.u32 s1, $0x2  }
0xbb: {  	s3 =	sand.u32 $0x4000, s31;
	s1 =	sadd.s32 s1, s30  }
0xbc: {  	s0 =	sor.u32 s3, s0;
	s1 =	sshll.u32 s1, $0x11  }
0xbd: {  	s0 =	sor.u32 s1, s0  }
0xbe: {  	s0 =	sadd.s32 $0x8F2B, s0  }
0xbf: {  	[sflag:s0] =	ssyncadd.remote.s32 $0x1  }
0xc0: {  	_ =	sfence.sel $0xFFFF  }
0xc1: {  	[dreg:$0x0] =	wrdreg $0xFFFFFFFF;
	(pc) =	sbr.abs _section_cstart, $3  }
0xc2: {  	[dreg:$0x1] =	wrdreg $0xFFFFFFFF  }
0xc3: {  	_ =	task.clear_ibuf [dreg:s8], $0x2FFFF;
	_ =	strace $0x9FFFFFFF  }
0xc4: {  	(tm) =	ssettm $0x7FFFFFFF  }
0xc5: {  	_ =	shalt  }
tec
execute0_lowered:
.L_overlay_start_1:
0x0: {  	(tag) =	ssettag $0x1  }
0x1: {  	s0 =	rddreg [dreg:$0x0]  }
0x2: {  	s1 =	rddreg [dreg:$0x1]  }
0x3: {  	s2 =	rddreg [dreg:$0x2];
	s3 =	srdreg.scid  }
0x4: {  	s5 =	stileid.u32;
	s23 =	simm.s32 $0x4800;
	s28 =	simm.s32 $0x6800  }
0x5: {  	s29 =	simm.s32 $0x7000;
	s30 =	simm.s32 $0x7800;
	s31 =	simm.s32 $0x8000  }
0x6: {  	s14 =	simm.s32 $0x3;
	s15 =	simm.s32 $0x2;
	s16 =	simm.s32 $0x4  }
0x7: {  	s18 =	simm.s32 $0x6;
	s4 =	sand.u32 $0x1, s3;
	s3 =	simm.s32 $0x0  }
0x8: {  	s5 =	sshll.u32 s5, $0xC;
	s6 =	sshll.u32 s4, $0xB;
	[smem:$0x7FF] =	sst s3  }
0x9: {  	s7 =	ssub.s32 $0x2, s4;
	s4 =	sadd.s32 $0x2800, s0;
	s5 =	sor.u32 s6, s5  }
0xa: {  	_ =	strace $0x80000047;
	s8 =	sshrl.u32 s7, $0x1;
	s6 =	sshrl.u32 s5, $0x3  }
0xb: {  	s9 =	ssub.s32 s7, s8;
	s24 =	sshll.u32 s5, $0x7;
	s10 =	sor.u32 $0x20, s5  }
0xc: {  	s6 =	sadd.s32 s6, s0;
	s7 =	sadd.s32 s1, s24;
	s8 =	sadd.s32 s2, s24  }
.Ltmp0:
0xd: {  	s26 =	smax.u32 s9, $0x1;
	s24 =	simm.s32 $0x5000;
	(pc) =	sbr.rel .LBB2_1-.Ltmp0, $4  }
0xe: {  	s1 =	simm.s32 $0x1;
	s9 =	simm.s32 $0x0;
	s6 =	sadd.s32 $0x800, s6  }
0xf: {  	v2 =	vlaneseq.u32;
	s25 =	sadd.s32 $0x1000, s7;
	s11 =	sadd.s32 $0x3E000, s8;
	[dreg:$0x6] =	wrdreg s26  }
0x10: {  	vm0 =	vmmov $0xffff;
	v1 =	vshrl.u32 v2, $0x3;
	s26 =	simm.s32 $0x6000;
	[dreg:$0x4] =	wrdreg s6;
	s6 =	sadd.s32 $0x2900, s0  }
0x11: {  	v0 =	vand.u32 $0x7, v2;
	v2 =	vor.u32 $0x8, v2;
	v1 =	vmul.u32 $0x8, v1;
	[dreg:$0x5] =	wrdreg s25;
	s25 =	simm.s32 $0x5800;
	s0 =	simm.s32 $0x10800  }
.LBB2_8:
0x12: {  	[hbm4b:s5+s3] =	stream.linear.scatter [tilespmem:s0], [sflag:$0x6], $0x8000, $0x38;
	[tilespmem:$0x18800] =	vst v63  }
0x13: {  	s21 =	simm.s32 $0x5  }
0x14: {  	_ =	swait.ge [sflag:s21], $0x8000  }
0x15: {  	[sflag:s21] =	ssyncset.done $0x0  }
0x16: {  	[sflag:s21] =	ssyncadd.s32 $0xFFFF8000  }
0x17: {  	_ =	swait.ge [sflag:s18], $0x8000  }
0x18: {  	s9 =	rddreg [dreg:$0x7]  }
0x19: {  	s22 =	rddreg [dreg:$0x6];
	s9 =	sadd.s32 $0x1, s9  }
0x1a: {  	p0 =	sne.s32 s9, s22  }
.Ltmp1:
0x1b: {  	_ = 	snop;
	(pc) =	sbr.rel @!p0 .LBB2_9-.Ltmp1, $3  }
0x1c: {  	_ =	sdelay $0x1  }
0x1d: {  	[sflag:s18] =	ssyncset.done $0x0  }
0x1e: {  	[sflag:s18] =	ssyncadd.s32 $0xFFFF8000  }
.LBB2_1:
0x1f: {  	[dreg:$0x7] =	wrdreg s9  }
0x20: {  	s5 =	rddreg [dreg:$0x4];
	s20 =	simm.s32 $0x7  }
0x21: {  	[tilespmem:s3], [sflag:$0x7] =	stream.linear.gather [hbm4b:s5+s3], $0x800, $0x38;
	[tilespmem:$0x18800] =	vst v63  }
0x22: {  	_ =	swait.ge [sflag:s20], $0x800  }
0x23: {  	[sflag:s20] =	ssyncset.done $0x0  }
0x24: {  	[sflag:s20] =	ssyncadd.s32 $0xFFFFF800  }
0x25: {  	v3 =	vld [tilespmem:$0x0];
	_ =	sdelay $0x4  }
0x26: {  	v4 =	vshll.u32 v3, $0x2  }
0x27: {  	v3 =	vand.u32 $0x7, v3;
	v4 =	vand.u32 $0xFFFFFFE0, v4  }
0x28: {  	v3 =	vor.u32 v3, v4  }
0x29: {  	v4 =	vperm.xlane v3, v0;
	_ =	sdelay $0x1  }
0x2a: {  	v4 =	vadd.s32 v1, v4;
	_ =	sdelay $0x1  }
0x2b: {  	v3 =	vperm.xlane v3, v2;
	_ =	sdelay $0x1  }
0x2c: {  	s21 =	simm.s32 $0x800;
	v3 =	vadd.s32 v1, v3  }
0x2d: {  	[tilespmem:s21], [sflag:$0x1] =	stream.indirect_vreg.gather [hbm4b:s4+s3], $0x80, v4, vm0, $0xb8;
	[tilespmem:$0x18800] =	vst v63  }
0x2e: {  	s22 =	simm.s32 $0x1000  }
0x2f: {  	[tilespmem:s22], [sflag:$0x1] =	stream.indirect_vreg.gather [hbm4b:s6+s3], $0x80, v4, vm0, $0xb8;
	[tilespmem:$0x18800] =	vst v63  }
0x30: {  	s9 =	simm.s32 $0x1800  }
0x31: {  	[tilespmem:s9], [sflag:$0x1] =	stream.indirect_vreg.gather [hbm4b:s4+s3], $0x80, v3, vm0, $0xb8;
	[tilespmem:$0x18800] =	vst v63  }
0x32: {  	s12 =	simm.s32 $0x2000  }
0x33: {  	[tilespmem:s12], [sflag:$0x1] =	stream.indirect_vreg.gather [hbm4b:s6+s3], $0x80, v3, vm0, $0xb8;
	[tilespmem:$0x18800] =	vst v63  }
0x34: {  	v3 =	vld [tilespmem:$0x10];
	_ =	sdelay $0x4  }
0x35: {  	v61 =	vshll.u32 v3, $0x2  }
0x36: {  	v3 =	vand.u32 $0x7, v3;
	v4 =	vand.u32 $0xFFFFFFE0, v61  }
0x37: {  	v3 =	vor.u32 v3, v4  }
0x38: {  	v4 =	vperm.xlane v3, v0;
	_ =	sdelay $0x1  }
0x39: {  	v4 =	vadd.s32 v1, v4;
	_ =	sdelay $0x1  }
0x3a: {  	v3 =	vperm.xlane v3, v2;
	_ =	sdelay $0x1  }
0x3b: {  	s13 =	simm.s32 $0x2800;
	v3 =	vadd.s32 v1, v3  }
0x3c: {  	[tilespmem:s13], [sflag:$0x1] =	stream.indirect_vreg.gather [hbm4b:s4+s3], $0x80, v4, vm0, $0xb8;
	[tilespmem:$0x18800] =	vst v63  }
0x3d: {  	s17 =	simm.s32 $0x3000  }
0x3e: {  	[tilespmem:s17], [sflag:$0x1] =	stream.indirect_vreg.gather [hbm4b:s6+s3], $0x80, v4, vm0, $0xb8;
	[tilespmem:$0x18800] =	vst v63  }
0x3f: {  	s19 =	simm.s32 $0x3800  }
0x40: {  	[tilespmem:s19], [sflag:$0x1] =	stream.indirect_vreg.gather [hbm4b:s4+s3], $0x80, v3, vm0, $0xb8;
	[tilespmem:$0x18800] =	vst v63  }
0x41: {  	s20 =	simm.s32 $0x4000  }
0x42: {  	[tilespmem:s20], [sflag:$0x1] =	stream.indirect_vreg.gather [hbm4b:s6+s3], $0x80, v3, vm0, $0xb8;
	[tilespmem:$0x18800] =	vst v63  }
0x43: {  	s21 =	simm.s32 $0x8800  }
0x44: {  	[tilespmem:s21], [sflag:$0x3] =	stream.linear.gather [hbm4b:s7+s3], $0x8000, $0x38;
	[tilespmem:$0x18800] =	vst v63  }
0x45: {  	v3 =	vld [tilespmem:$0x20];
	_ =	sdelay $0x4  }
0x46: {  	v62 =	vshll.u32 v3, $0x2  }
0x47: {  	v3 =	vand.u32 $0x7, v3;
	v4 =	vand.u32 $0xFFFFFFE0, v62  }
0x48: {  	v3 =	vor.u32 v3, v4  }
0x49: {  	v4 =	vperm.xlane v3, v0;
	_ =	sdelay $0x1  }
0x4a: {  	v4 =	vadd.s32 v1, v4;
	_ =	sdelay $0x1  }
0x4b: {  	v3 =	vperm.xlane v3, v2;
	_ =	sdelay $0x1  }
0x4c: {  	v3 =	vadd.s32 v1, v3  }
0x4d: {  	[tilespmem:s23], [sflag:$0x2] =	stream.indirect_vreg.gather [hbm4b:s4+s3], $0x80, v4, vm0, $0xb8;
	[tilespmem:$0x18800] =	vst v63  }
0x4e: {  	_ = 	snop  }
0x4f: {  	[tilespmem:s24], [sflag:$0x2] =	stream.indirect_vreg.gather [hbm4b:s6+s3], $0x80, v4, vm0, $0xb8;
	[tilespmem:$0x18800] =	vst v63  }
0x50: {  	_ = 	snop  }
0x51: {  	[tilespmem:s25], [sflag:$0x2] =	stream.indirect_vreg.gather [hbm4b:s4+s3], $0x80, v3, vm0, $0xb8;
	[tilespmem:$0x18800] =	vst v63  }
0x52: {  	_ = 	snop  }
0x53: {  	[tilespmem:s26], [sflag:$0x2] =	stream.indirect_vreg.gather [hbm4b:s6+s3], $0x80, v3, vm0, $0xb8;
	[tilespmem:$0x18800] =	vst v63  }
0x54: {  	v3 =	vld [tilespmem:$0x30];
	_ =	sdelay $0x4  }
0x55: {  	v63 =	vshll.u32 v3, $0x2  }
0x56: {  	v3 =	vand.u32 $0x7, v3;
	v4 =	vand.u32 $0xFFFFFFE0, v63  }
0x57: {  	v3 =	vor.u32 v3, v4  }
0x58: {  	v4 =	vperm.xlane v3, v0;
	_ =	sdelay $0x1  }
0x59: {  	v4 =	vadd.s32 v1, v4;
	_ =	sdelay $0x1  }
0x5a: {  	v3 =	vperm.xlane v3, v2;
	_ =	sdelay $0x1  }
0x5b: {  	v3 =	vadd.s32 v1, v3  }
0x5c: {  	[tilespmem:s28], [sflag:$0x2] =	stream.indirect_vreg.gather [hbm4b:s4+s3], $0x80, v4, vm0, $0xb8;
	[tilespmem:$0x18800] =	vst v63  }
0x5d: {  	_ = 	snop  }
0x5e: {  	[tilespmem:s29], [sflag:$0x2] =	stream.indirect_vreg.gather [hbm4b:s6+s3], $0x80, v4, vm0, $0xb8;
	[tilespmem:$0x18800] =	vst v63  }
0x5f: {  	_ = 	snop  }
0x60: {  	[tilespmem:s30], [sflag:$0x2] =	stream.indirect_vreg.gather [hbm4b:s4+s3], $0x80, v3, vm0, $0xb8;
	[tilespmem:$0x18800] =	vst v63  }
0x61: {  	_ = 	snop  }
0x62: {  	[tilespmem:s31], [sflag:$0x2] =	stream.indirect_vreg.gather [hbm4b:s6+s3], $0x80, v3, vm0, $0xb8;
	[tilespmem:$0x18800] =	vst v63  }
0x63: {  	s22 =	rddreg [dreg:$0x5];
	s20 =	simm.s32 $0x0  }
0x64: {  	[tilespmem:s0], [sflag:$0x4] =	stream.linear.gather [hbm4b:s22+s3], $0x8000, $0x38;
	[tilespmem:$0x18800] =	vst v63  }
.LBB2_2:
0x65: {  	_ =	swait.ge [sflag:s1], $0x4000  }
0x66: {  	[sflag:s1] =	ssyncset.done $0x0  }
0x67: {  	[sflag:s1] =	ssyncadd.s32 $0xFFFFC000  }
0x68: {  	s5 =	simm.s32 $0x0;
	s9 =	simm.s32 $0x0;
	_ =	swait.ge [sflag:s14], $0x8000  }
0x69: {  	s12 =	sand.u32 $0x380, s5;
	s21 =	sand.u32 $0x3FFFF000, s9;
	[sflag:s14] =	ssyncset.done $0x0  }
0x6a: {  	s5 =	sor.u32 s12, s21;
	[sflag:s14] =	ssyncadd.s32 $0xFFFF8000  }
0x6b: {  	v3 =	vld [tilespmem:s5+$0x800];
	_ =	sdelay $0x1  }
0x6c: {  	s22 =	simm.s32 $0x0  }
0x6d: {  	s9 =	sand.u32 $0x3FFFE000, s22  }
0x6e: {  	s21 =	sor.u32 s12, s9  }
0x6f: {  	v4 =	vshll.u32 v3, $0x10;
	[tilespmem:s21+$0x9800] =	vst.add.f32.msk $0xffff, v3  }
0x70: {  	[tilespmem:s21+$0x8800] =	vst.add.f32.msk $0xffff, v4  }
0x71: {  	v3 =	vld [tilespmem:s5+$0x810];
	_ =	sdelay $0x4  }
0x72: {  	v4 =	vshll.u32 v3, $0x10;
	[tilespmem:s21+$0x9810] =	vst.add.f32.msk $0xffff, v3  }
0x73: {  	[tilespmem:s21+$0x8810] =	vst.add.f32.msk $0xffff, v4  }
0x74: {  	v3 =	vld [tilespmem:s5+$0x820];
	_ =	sdelay $0x4  }
0x75: {  	v4 =	vshll.u32 v3, $0x10;
	[tilespmem:s21+$0x9820] =	vst.add.f32.msk $0xffff, v3  }
0x76: {  	[tilespmem:s21+$0x8820] =	vst.add.f32.msk $0xffff, v4  }
0x77: {  	v3 =	vld [tilespmem:s5+$0x830];
	_ =	sdelay $0x4  }
0x78: {  	v4 =	vshll.u32 v3, $0x10;
	[tilespmem:s21+$0x9830] =	vst.add.f32.msk $0xffff, v3  }
0x79: {  	[tilespmem:s21+$0x8830] =	vst.add.f32.msk $0xffff, v4  }
0x7a: {  	v3 =	vld [tilespmem:s5+$0x840];
	_ =	sdelay $0x4  }
0x7b: {  	v4 =	vshll.u32 v3, $0x10;
	[tilespmem:s21+$0x9840] =	vst.add.f32.msk $0xffff, v3  }
0x7c: {  	[tilespmem:s21+$0x8840] =	vst.add.f32.msk $0xffff, v4  }
0x7d: {  	v3 =	vld [tilespmem:s5+$0x850];
	_ =	sdelay $0x4  }
0x7e: {  	v4 =	vshll.u32 v3, $0x10;
	[tilespmem:s21+$0x9850] =	vst.add.f32.msk $0xffff, v3  }
0x7f: {  	[tilespmem:s21+$0x8850] =	vst.add.f32.msk $0xffff, v4  }
0x80: {  	v3 =	vld [tilespmem:s5+$0x860];
	_ =	sdelay $0x4  }
0x81: {  	v4 =	vshll.u32 v3, $0x10;
	[tilespmem:s21+$0x9860] =	vst.add.f32.msk $0xffff, v3  }
0x82: {  	[tilespmem:s21+$0x8860] =	vst.add.f32.msk $0xffff, v4  }
0x83: {  	v3 =	vld [tilespmem:s5+$0x870];
	_ =	sdelay $0x4  }
0x84: {  	v4 =	vshll.u32 v3, $0x10;
	[tilespmem:s21+$0x9870] =	vst.add.f32.msk $0xffff, v3  }
0x85: {  	[tilespmem:s21+$0x8870] =	vst.add.f32.msk $0xffff, v4  }
0x86: {  	v3 =	vld [tilespmem:s5+$0xC00];
	_ =	sdelay $0x4  }
0x87: {  	v4 =	vshll.u32 v3, $0x10;
	[tilespmem:s21+$0x9C00] =	vst.add.f32.msk $0xffff, v3  }
0x88: {  	[tilespmem:s21+$0x8C00] =	vst.add.f32.msk $0xffff, v4  }
0x89: {  	v3 =	vld [tilespmem:s5+$0xC10];
	_ =	sdelay $0x4  }
0x8a: {  	v4 =	vshll.u32 v3, $0x10;
	[tilespmem:s21+$0x9C10] =	vst.add.f32.msk $0xffff, v3  }
0x8b: {  	[tilespmem:s21+$0x8C10] =	vst.add.f32.msk $0xffff, v4  }
0x8c: {  	v3 =	vld [tilespmem:s5+$0xC20];
	_ =	sdelay $0x4  }
0x8d: {  	v4 =	vshll.u32 v3, $0x10;
	[tilespmem:s21+$0x9C20] =	vst.add.f32.msk $0xffff, v3  }
0x8e: {  	[tilespmem:s21+$0x8C20] =	vst.add.f32.msk $0xffff, v4  }
0x8f: {  	v3 =	vld [tilespmem:s5+$0xC30];
	_ =	sdelay $0x4  }
0x90: {  	v4 =	vshll.u32 v3, $0x10;
	[tilespmem:s21+$0x9C30] =	vst.add.f32.msk $0xffff, v3  }
0x91: {  	[tilespmem:s21+$0x8C30] =	vst.add.f32.msk $0xffff, v4  }
0x92: {  	v3 =	vld [tilespmem:s5+$0xC40];
	_ =	sdelay $0x4  }
0x93: {  	v4 =	vshll.u32 v3, $0x10;
	[tilespmem:s21+$0x9C40] =	vst.add.f32.msk $0xffff, v3  }
0x94: {  	[tilespmem:s21+$0x8C40] =	vst.add.f32.msk $0xffff, v4  }
0x95: {  	v3 =	vld [tilespmem:s5+$0xC50];
	_ =	sdelay $0x4  }
0x96: {  	v4 =	vshll.u32 v3, $0x10;
	[tilespmem:s21+$0x9C50] =	vst.add.f32.msk $0xffff, v3  }
0x97: {  	[tilespmem:s21+$0x8C50] =	vst.add.f32.msk $0xffff, v4  }
0x98: {  	v3 =	vld [tilespmem:s5+$0xC60];
	_ =	sdelay $0x4  }
0x99: {  	v4 =	vshll.u32 v3, $0x10;
	[tilespmem:s21+$0x9C60] =	vst.add.f32.msk $0xffff, v3  }
0x9a: {  	[tilespmem:s21+$0x8C60] =	vst.add.f32.msk $0xffff, v4  }
0x9b: {  	v3 =	vld [tilespmem:s5+$0xC70];
	_ =	sdelay $0x4  }
0x9c: {  	v4 =	vshll.u32 v3, $0x10;
	[tilespmem:s21+$0x9C70] =	vst.add.f32.msk $0xffff, v3  }
0x9d: {  	[tilespmem:s21+$0x8C70] =	vst.add.f32.msk $0xffff, v4  }
0x9e: {  	v3 =	vld [tilespmem:s5+$0x1000];
	_ =	sdelay $0x4  }
0x9f: {  	v4 =	vshll.u32 v3, $0x10;
	[tilespmem:s21+$0xA000] =	vst.add.f32.msk $0xffff, v3  }
0xa0: {  	[tilespmem:s21+$0x9000] =	vst.add.f32.msk $0xffff, v4  }
0xa1: {  	v3 =	vld [tilespmem:s5+$0x1010];
	_ =	sdelay $0x4  }
0xa2: {  	v4 =	vshll.u32 v3, $0x10;
	[tilespmem:s21+$0xA010] =	vst.add.f32.msk $0xffff, v3  }
0xa3: {  	[tilespmem:s21+$0x9010] =	vst.add.f32.msk $0xffff, v4  }
0xa4: {  	v3 =	vld [tilespmem:s5+$0x1020];
	_ =	sdelay $0x4  }
0xa5: {  	v4 =	vshll.u32 v3, $0x10;
	[tilespmem:s21+$0xA020] =	vst.add.f32.msk $0xffff, v3  }
0xa6: {  	[tilespmem:s21+$0x9020] =	vst.add.f32.msk $0xffff, v4  }
0xa7: {  	v3 =	vld [tilespmem:s5+$0x1030];
	_ =	sdelay $0x4  }
0xa8: {  	v4 =	vshll.u32 v3, $0x10;
	[tilespmem:s21+$0xA030] =	vst.add.f32.msk $0xffff, v3  }
0xa9: {  	[tilespmem:s21+$0x9030] =	vst.add.f32.msk $0xffff, v4  }
0xaa: {  	v3 =	vld [tilespmem:s5+$0x1040];
	_ =	sdelay $0x4  }
0xab: {  	v4 =	vshll.u32 v3, $0x10;
	[tilespmem:s21+$0xA040] =	vst.add.f32.msk $0xffff, v3  }
0xac: {  	[tilespmem:s21+$0x9040] =	vst.add.f32.msk $0xffff, v4  }
0xad: {  	v3 =	vld [tilespmem:s5+$0x1050];
	_ =	sdelay $0x4  }
0xae: {  	v4 =	vshll.u32 v3, $0x10;
	[tilespmem:s21+$0xA050] =	vst.add.f32.msk $0xffff, v3  }
0xaf: {  	[tilespmem:s21+$0x9050] =	vst.add.f32.msk $0xffff, v4  }
0xb0: {  	v3 =	vld [tilespmem:s5+$0x1060];
	_ =	sdelay $0x4  }
0xb1: {  	v4 =	vshll.u32 v3, $0x10;
	[tilespmem:s21+$0xA060] =	vst.add.f32.msk $0xffff, v3  }
0xb2: {  	[tilespmem:s21+$0x9060] =	vst.add.f32.msk $0xffff, v4  }
0xb3: {  	v3 =	vld [tilespmem:s5+$0x1070];
	_ =	sdelay $0x4  }
0xb4: {  	v4 =	vshll.u32 v3, $0x10;
	[tilespmem:s21+$0xA070] =	vst.add.f32.msk $0xffff, v3  }
0xb5: {  	[tilespmem:s21+$0x9070] =	vst.add.f32.msk $0xffff, v4  }
0xb6: {  	v3 =	vld [tilespmem:s5+$0x1400];
	_ =	sdelay $0x4  }
0xb7: {  	v4 =	vshll.u32 v3, $0x10;
	[tilespmem:s21+$0xA400] =	vst.add.f32.msk $0xffff, v3  }
0xb8: {  	[tilespmem:s21+$0x9400] =	vst.add.f32.msk $0xffff, v4  }
0xb9: {  	v3 =	vld [tilespmem:s5+$0x1410];
	_ =	sdelay $0x4  }
0xba: {  	v4 =	vshll.u32 v3, $0x10;
	[tilespmem:s21+$0xA410] =	vst.add.f32.msk $0xffff, v3  }
0xbb: {  	[tilespmem:s21+$0x9410] =	vst.add.f32.msk $0xffff, v4  }
0xbc: {  	v3 =	vld [tilespmem:s5+$0x1420];
	_ =	sdelay $0x4  }
0xbd: {  	v4 =	vshll.u32 v3, $0x10;
	[tilespmem:s21+$0xA420] =	vst.add.f32.msk $0xffff, v3  }
0xbe: {  	[tilespmem:s21+$0x9420] =	vst.add.f32.msk $0xffff, v4  }
0xbf: {  	v3 =	vld [tilespmem:s5+$0x1430];
	_ =	sdelay $0x4  }
0xc0: {  	v4 =	vshll.u32 v3, $0x10;
	[tilespmem:s21+$0xA430] =	vst.add.f32.msk $0xffff, v3  }
0xc1: {  	[tilespmem:s21+$0x9430] =	vst.add.f32.msk $0xffff, v4  }
0xc2: {  	v3 =	vld [tilespmem:s5+$0x1440];
	_ =	sdelay $0x4  }
0xc3: {  	v4 =	vshll.u32 v3, $0x10;
	[tilespmem:s21+$0xA440] =	vst.add.f32.msk $0xffff, v3  }
0xc4: {  	[tilespmem:s21+$0x9440] =	vst.add.f32.msk $0xffff, v4  }
0xc5: {  	v3 =	vld [tilespmem:s5+$0x1450];
	_ =	sdelay $0x4  }
0xc6: {  	v4 =	vshll.u32 v3, $0x10;
	[tilespmem:s21+$0xA450] =	vst.add.f32.msk $0xffff, v3  }
0xc7: {  	[tilespmem:s21+$0x9450] =	vst.add.f32.msk $0xffff, v4  }
0xc8: {  	v3 =	vld [tilespmem:s5+$0x1460];
	_ =	sdelay $0x4  }
0xc9: {  	v4 =	vshll.u32 v3, $0x10;
	[tilespmem:s21+$0xA460] =	vst.add.f32.msk $0xffff, v3  }
0xca: {  	[tilespmem:s21+$0x9460] =	vst.add.f32.msk $0xffff, v4  }
0xcb: {  	v4 =	vld [tilespmem:s5+$0x1470];
	_ =	sdelay $0x2  }
0xcc: {  	s13 =	simm.s32 $0x200  }
0xcd: {  	s13 =	sand.u32 $0x3FFFF000, s13;
	s9 =	simm.s32 $0x80  }
0xce: {  	s12 =	simm.s32 $0x2;
	s22 =	sand.u32 $0x380, s9;
	s5 =	simm.s32 $0x1;
	v3 =	vshll.u32 v4, $0x10;
	[tilespmem:s21+$0xA470] =	vst.add.f32.msk $0xffff, v4  }
.LBB2_3:
0xcf: {  	p0 =	sne.s32 s12, $0x1F  }
0xd0: {  	s13 =	sor.u32 s22, s13;
	[tilespmem:s21+$0x9470] =	vst.add.f32.msk $0xffff, v3;
	s17 =	smov.u32 s12;
	s12 =	sadd.s32 $0x1, s12  }
0xd1: {  	v3 =	vld [tilespmem:s13+$0x800];
	_ =	sdelay $0x1  }
0xd2: {  	s21 =	sshll.u32 s5, $0xA;
	s5 =	smov.u32 s17  }
0xd3: {  	s17 =	sand.u32 $0x3FFFE000, s21  }
0xd4: {  	s21 =	sor.u32 s22, s17  }
0xd5: {  	v4 =	vshll.u32 v3, $0x10;
	[tilespmem:s21+$0x9800] =	vst.add.f32.msk $0xffff, v3  }
0xd6: {  	[tilespmem:s21+$0x8800] =	vst.add.f32.msk $0xffff, v4  }
0xd7: {  	v3 =	vld [tilespmem:s13+$0x810];
	_ =	sdelay $0x4  }
0xd8: {  	v4 =	vshll.u32 v3, $0x10;
	[tilespmem:s21+$0x9810] =	vst.add.f32.msk $0xffff, v3  }
0xd9: {  	[tilespmem:s21+$0x8810] =	vst.add.f32.msk $0xffff, v4  }
0xda: {  	v3 =	vld [tilespmem:s13+$0x820];
	_ =	sdelay $0x4  }
0xdb: {  	v4 =	vshll.u32 v3, $0x10;
	[tilespmem:s21+$0x9820] =	vst.add.f32.msk $0xffff, v3  }
0xdc: {  	[tilespmem:s21+$0x8820] =	vst.add.f32.msk $0xffff, v4  }
0xdd: {  	v3 =	vld [tilespmem:s13+$0x830];
	_ =	sdelay $0x4  }
0xde: {  	v4 =	vshll.u32 v3, $0x10;
	[tilespmem:s21+$0x9830] =	vst.add.f32.msk $0xffff, v3  }
0xdf: {  	[tilespmem:s21+$0x8830] =	vst.add.f32.msk $0xffff, v4  }
0xe0: {  	v3 =	vld [tilespmem:s13+$0x840];
	_ =	sdelay $0x4  }
0xe1: {  	v4 =	vshll.u32 v3, $0x10;
	[tilespmem:s21+$0x9840] =	vst.add.f32.msk $0xffff, v3  }
0xe2: {  	[tilespmem:s21+$0x8840] =	vst.add.f32.msk $0xffff, v4  }
0xe3: {  	v3 =	vld [tilespmem:s13+$0x850];
	_ =	sdelay $0x4  }
0xe4: {  	v4 =	vshll.u32 v3, $0x10;
	[tilespmem:s21+$0x9850] =	vst.add.f32.msk $0xffff, v3  }
0xe5: {  	[tilespmem:s21+$0x8850] =	vst.add.f32.msk $0xffff, v4  }
0xe6: {  	v3 =	vld [tilespmem:s13+$0x860];
	_ =	sdelay $0x4  }
0xe7: {  	v4 =	vshll.u32 v3, $0x10;
	[tilespmem:s21+$0x9860] =	vst.add.f32.msk $0xffff, v3  }
0xe8: {  	[tilespmem:s21+$0x8860] =	vst.add.f32.msk $0xffff, v4  }
0xe9: {  	v3 =	vld [tilespmem:s13+$0x870];
	_ =	sdelay $0x4  }
0xea: {  	v4 =	vshll.u32 v3, $0x10;
	[tilespmem:s21+$0x9870] =	vst.add.f32.msk $0xffff, v3  }
0xeb: {  	[tilespmem:s21+$0x8870] =	vst.add.f32.msk $0xffff, v4  }
0xec: {  	v3 =	vld [tilespmem:s13+$0xC00];
	_ =	sdelay $0x4  }
0xed: {  	v4 =	vshll.u32 v3, $0x10;
	[tilespmem:s21+$0x9C00] =	vst.add.f32.msk $0xffff, v3  }
0xee: {  	[tilespmem:s21+$0x8C00] =	vst.add.f32.msk $0xffff, v4  }
0xef: {  	v3 =	vld [tilespmem:s13+$0xC10];
	_ =	sdelay $0x4  }
0xf0: {  	v4 =	vshll.u32 v3, $0x10;
	[tilespmem:s21+$0x9C10] =	vst.add.f32.msk $0xffff, v3  }
0xf1: {  	[tilespmem:s21+$0x8C10] =	vst.add.f32.msk $0xffff, v4  }
0xf2: {  	v3 =	vld [tilespmem:s13+$0xC20];
	_ =	sdelay $0x4  }
0xf3: {  	v4 =	vshll.u32 v3, $0x10;
	[tilespmem:s21+$0x9C20] =	vst.add.f32.msk $0xffff, v3  }
0xf4: {  	[tilespmem:s21+$0x8C20] =	vst.add.f32.msk $0xffff, v4  }
0xf5: {  	v3 =	vld [tilespmem:s13+$0xC30];
	_ =	sdelay $0x4  }
0xf6: {  	v4 =	vshll.u32 v3, $0x10;
	[tilespmem:s21+$0x9C30] =	vst.add.f32.msk $0xffff, v3  }
0xf7: {  	[tilespmem:s21+$0x8C30] =	vst.add.f32.msk $0xffff, v4  }
0xf8: {  	v3 =	vld [tilespmem:s13+$0xC40];
	_ =	sdelay $0x4  }
0xf9: {  	v4 =	vshll.u32 v3, $0x10;
	[tilespmem:s21+$0x9C40] =	vst.add.f32.msk $0xffff, v3  }
0xfa: {  	[tilespmem:s21+$0x8C40] =	vst.add.f32.msk $0xffff, v4  }
0xfb: {  	v3 =	vld [tilespmem:s13+$0xC50];
	_ =	sdelay $0x4  }
0xfc: {  	v4 =	vshll.u32 v3, $0x10;
	[tilespmem:s21+$0x9C50] =	vst.add.f32.msk $0xffff, v3  }
0xfd: {  	[tilespmem:s21+$0x8C50] =	vst.add.f32.msk $0xffff, v4  }
0xfe: {  	v3 =	vld [tilespmem:s13+$0xC60];
	_ =	sdelay $0x4  }
0xff: {  	v4 =	vshll.u32 v3, $0x10;
	[tilespmem:s21+$0x9C60] =	vst.add.f32.msk $0xffff, v3  }
0x100: {  	[tilespmem:s21+$0x8C60] =	vst.add.f32.msk $0xffff, v4  }
0x101: {  	v3 =	vld [tilespmem:s13+$0xC70];
	_ =	sdelay $0x4  }
0x102: {  	v4 =	vshll.u32 v3, $0x10;
	[tilespmem:s21+$0x9C70] =	vst.add.f32.msk $0xffff, v3  }
0x103: {  	[tilespmem:s21+$0x8C70] =	vst.add.f32.msk $0xffff, v4  }
0x104: {  	v3 =	vld [tilespmem:s13+$0x1000];
	_ =	sdelay $0x4  }
0x105: {  	v4 =	vshll.u32 v3, $0x10;
	[tilespmem:s21+$0xA000] =	vst.add.f32.msk $0xffff, v3  }
0x106: {  	[tilespmem:s21+$0x9000] =	vst.add.f32.msk $0xffff, v4  }
0x107: {  	v3 =	vld [tilespmem:s13+$0x1010];
	_ =	sdelay $0x4  }
0x108: {  	v4 =	vshll.u32 v3, $0x10;
	[tilespmem:s21+$0xA010] =	vst.add.f32.msk $0xffff, v3  }
0x109: {  	[tilespmem:s21+$0x9010] =	vst.add.f32.msk $0xffff, v4  }
0x10a: {  	v3 =	vld [tilespmem:s13+$0x1020];
	_ =	sdelay $0x4  }
0x10b: {  	v4 =	vshll.u32 v3, $0x10;
	[tilespmem:s21+$0xA020] =	vst.add.f32.msk $0xffff, v3  }
0x10c: {  	[tilespmem:s21+$0x9020] =	vst.add.f32.msk $0xffff, v4  }
0x10d: {  	v3 =	vld [tilespmem:s13+$0x1030];
	_ =	sdelay $0x4  }
0x10e: {  	v4 =	vshll.u32 v3, $0x10;
	[tilespmem:s21+$0xA030] =	vst.add.f32.msk $0xffff, v3  }
0x10f: {  	[tilespmem:s21+$0x9030] =	vst.add.f32.msk $0xffff, v4  }
0x110: {  	v3 =	vld [tilespmem:s13+$0x1040];
	_ =	sdelay $0x4  }
0x111: {  	v4 =	vshll.u32 v3, $0x10;
	[tilespmem:s21+$0xA040] =	vst.add.f32.msk $0xffff, v3  }
0x112: {  	[tilespmem:s21+$0x9040] =	vst.add.f32.msk $0xffff, v4  }
0x113: {  	v3 =	vld [tilespmem:s13+$0x1050];
	_ =	sdelay $0x4  }
0x114: {  	v4 =	vshll.u32 v3, $0x10;
	[tilespmem:s21+$0xA050] =	vst.add.f32.msk $0xffff, v3  }
0x115: {  	[tilespmem:s21+$0x9050] =	vst.add.f32.msk $0xffff, v4  }
0x116: {  	v3 =	vld [tilespmem:s13+$0x1060];
	_ =	sdelay $0x4  }
0x117: {  	v4 =	vshll.u32 v3, $0x10;
	[tilespmem:s21+$0xA060] =	vst.add.f32.msk $0xffff, v3  }
0x118: {  	[tilespmem:s21+$0x9060] =	vst.add.f32.msk $0xffff, v4  }
0x119: {  	v3 =	vld [tilespmem:s13+$0x1070];
	_ =	sdelay $0x4  }
0x11a: {  	v4 =	vshll.u32 v3, $0x10;
	[tilespmem:s21+$0xA070] =	vst.add.f32.msk $0xffff, v3  }
0x11b: {  	[tilespmem:s21+$0x9070] =	vst.add.f32.msk $0xffff, v4  }
0x11c: {  	v3 =	vld [tilespmem:s13+$0x1400];
	_ =	sdelay $0x4  }
0x11d: {  	v4 =	vshll.u32 v3, $0x10;
	[tilespmem:s21+$0xA400] =	vst.add.f32.msk $0xffff, v3  }
0x11e: {  	[tilespmem:s21+$0x9400] =	vst.add.f32.msk $0xffff, v4  }
0x11f: {  	v3 =	vld [tilespmem:s13+$0x1410];
	_ =	sdelay $0x4  }
0x120: {  	v4 =	vshll.u32 v3, $0x10;
	[tilespmem:s21+$0xA410] =	vst.add.f32.msk $0xffff, v3  }
0x121: {  	[tilespmem:s21+$0x9410] =	vst.add.f32.msk $0xffff, v4  }
0x122: {  	v3 =	vld [tilespmem:s13+$0x1420];
	_ =	sdelay $0x4  }
0x123: {  	v4 =	vshll.u32 v3, $0x10;
	[tilespmem:s21+$0xA420] =	vst.add.f32.msk $0xffff, v3  }
0x124: {  	[tilespmem:s21+$0x9420] =	vst.add.f32.msk $0xffff, v4  }
0x125: {  	v3 =	vld [tilespmem:s13+$0x1430];
	_ =	sdelay $0x4  }
0x126: {  	v4 =	vshll.u32 v3, $0x10;
	[tilespmem:s21+$0xA430] =	vst.add.f32.msk $0xffff, v3  }
0x127: {  	[tilespmem:s21+$0x9430] =	vst.add.f32.msk $0xffff, v4  }
0x128: {  	v3 =	vld [tilespmem:s13+$0x1440];
	_ =	sdelay $0x4  }
0x129: {  	v4 =	vshll.u32 v3, $0x10;
	[tilespmem:s21+$0xA440] =	vst.add.f32.msk $0xffff, v3  }
0x12a: {  	[tilespmem:s21+$0x9440] =	vst.add.f32.msk $0xffff, v4  }
0x12b: {  	v3 =	vld [tilespmem:s13+$0x1450];
	_ =	sdelay $0x4  }
0x12c: {  	v4 =	vshll.u32 v3, $0x10;
	[tilespmem:s21+$0xA450] =	vst.add.f32.msk $0xffff, v3  }
0x12d: {  	[tilespmem:s21+$0x9450] =	vst.add.f32.msk $0xffff, v4  }
0x12e: {  	v3 =	vld [tilespmem:s13+$0x1460];
	_ =	sdelay $0x4  }
0x12f: {  	v4 =	vshll.u32 v3, $0x10;
	[tilespmem:s21+$0xA460] =	vst.add.f32.msk $0xffff, v3  }
0x130: {  	[tilespmem:s21+$0x9460] =	vst.add.f32.msk $0xffff, v4  }
0x131: {  	v4 =	vld [tilespmem:s13+$0x1470]  }
.Ltmp2:
0x132: {  	(pc) =	sbr.rel @p0 .LBB2_3-.Ltmp2, $3  }
0x133: {  	_ =	sdelay $0x1  }
0x134: {  	s9 =	sadd.s32 $0x80, s9;
	s13 =	sshll.u32 s5, $0x9  }
0x135: {  	s22 =	sand.u32 $0x380, s9;
	s13 =	sand.u32 $0x3FFFF000, s13;
	v3 =	vshll.u32 v4, $0x10;
	[tilespmem:s21+$0xA470] =	vst.add.f32.msk $0xffff, v4  }
0x136: {  	s9 =	sor.u32 s22, s13;
	[tilespmem:s21+$0x9470] =	vst.add.f32.msk $0xffff, v3  }
0x137: {  	v3 =	vld [tilespmem:s9+$0x800];
	_ =	sdelay $0x1  }
0x138: {  	s5 =	sshll.u32 s5, $0xA  }
0x139: {  	s5 =	sand.u32 $0x3FFFE000, s5  }
0x13a: {  	s5 =	sor.u32 s22, s5  }
0x13b: {  	v4 =	vshll.u32 v3, $0x10;
	[tilespmem:s5+$0x9800] =	vst.add.f32.msk $0xffff, v3  }
0x13c: {  	[tilespmem:s5+$0x8800] =	vst.add.f32.msk $0xffff, v4  }
0x13d: {  	v3 =	vld [tilespmem:s9+$0x810];
	_ =	sdelay $0x4  }
0x13e: {  	v4 =	vshll.u32 v3, $0x10;
	[tilespmem:s5+$0x9810] =	vst.add.f32.msk $0xffff, v3  }
0x13f: {  	[tilespmem:s5+$0x8810] =	vst.add.f32.msk $0xffff, v4  }
0x140: {  	v3 =	vld [tilespmem:s9+$0x820];
	_ =	sdelay $0x4  }
0x141: {  	v4 =	vshll.u32 v3, $0x10;
	[tilespmem:s5+$0x9820] =	vst.add.f32.msk $0xffff, v3  }
0x142: {  	[tilespmem:s5+$0x8820] =	vst.add.f32.msk $0xffff, v4  }
0x143: {  	v3 =	vld [tilespmem:s9+$0x830];
	_ =	sdelay $0x4  }
0x144: {  	v4 =	vshll.u32 v3, $0x10;
	[tilespmem:s5+$0x9830] =	vst.add.f32.msk $0xffff, v3  }
0x145: {  	[tilespmem:s5+$0x8830] =	vst.add.f32.msk $0xffff, v4  }
0x146: {  	v3 =	vld [tilespmem:s9+$0x840];
	_ =	sdelay $0x4  }
0x147: {  	v4 =	vshll.u32 v3, $0x10;
	[tilespmem:s5+$0x9840] =	vst.add.f32.msk $0xffff, v3  }
0x148: {  	[tilespmem:s5+$0x8840] =	vst.add.f32.msk $0xffff, v4  }
0x149: {  	v3 =	vld [tilespmem:s9+$0x850];
	_ =	sdelay $0x4  }
0x14a: {  	v4 =	vshll.u32 v3, $0x10;
	[tilespmem:s5+$0x9850] =	vst.add.f32.msk $0xffff, v3  }
0x14b: {  	[tilespmem:s5+$0x8850] =	vst.add.f32.msk $0xffff, v4  }
0x14c: {  	v3 =	vld [tilespmem:s9+$0x860];
	_ =	sdelay $0x4  }
0x14d: {  	v4 =	vshll.u32 v3, $0x10;
	[tilespmem:s5+$0x9860] =	vst.add.f32.msk $0xffff, v3  }
0x14e: {  	[tilespmem:s5+$0x8860] =	vst.add.f32.msk $0xffff, v4  }
0x14f: {  	v3 =	vld [tilespmem:s9+$0x870];
	_ =	sdelay $0x4  }
0x150: {  	v4 =	vshll.u32 v3, $0x10;
	[tilespmem:s5+$0x9870] =	vst.add.f32.msk $0xffff, v3  }
0x151: {  	[tilespmem:s5+$0x8870] =	vst.add.f32.msk $0xffff, v4  }
0x152: {  	v3 =	vld [tilespmem:s9+$0xC00];
	_ =	sdelay $0x4  }
0x153: {  	v4 =	vshll.u32 v3, $0x10;
	[tilespmem:s5+$0x9C00] =	vst.add.f32.msk $0xffff, v3  }
0x154: {  	[tilespmem:s5+$0x8C00] =	vst.add.f32.msk $0xffff, v4  }
0x155: {  	v3 =	vld [tilespmem:s9+$0xC10];
	_ =	sdelay $0x4  }
0x156: {  	v4 =	vshll.u32 v3, $0x10;
	[tilespmem:s5+$0x9C10] =	vst.add.f32.msk $0xffff, v3  }
0x157: {  	[tilespmem:s5+$0x8C10] =	vst.add.f32.msk $0xffff, v4  }
0x158: {  	v3 =	vld [tilespmem:s9+$0xC20];
	_ =	sdelay $0x4  }
0x159: {  	v4 =	vshll.u32 v3, $0x10;
	[tilespmem:s5+$0x9C20] =	vst.add.f32.msk $0xffff, v3  }
0x15a: {  	[tilespmem:s5+$0x8C20] =	vst.add.f32.msk $0xffff, v4  }
0x15b: {  	v3 =	vld [tilespmem:s9+$0xC30];
	_ =	sdelay $0x4  }
0x15c: {  	v4 =	vshll.u32 v3, $0x10;
	[tilespmem:s5+$0x9C30] =	vst.add.f32.msk $0xffff, v3  }
0x15d: {  	[tilespmem:s5+$0x8C30] =	vst.add.f32.msk $0xffff, v4  }
0x15e: {  	v3 =	vld [tilespmem:s9+$0xC40];
	_ =	sdelay $0x4  }
0x15f: {  	v4 =	vshll.u32 v3, $0x10;
	[tilespmem:s5+$0x9C40] =	vst.add.f32.msk $0xffff, v3  }
0x160: {  	[tilespmem:s5+$0x8C40] =	vst.add.f32.msk $0xffff, v4  }
0x161: {  	v3 =	vld [tilespmem:s9+$0xC50];
	_ =	sdelay $0x4  }
0x162: {  	v4 =	vshll.u32 v3, $0x10;
	[tilespmem:s5+$0x9C50] =	vst.add.f32.msk $0xffff, v3  }
0x163: {  	[tilespmem:s5+$0x8C50] =	vst.add.f32.msk $0xffff, v4  }
0x164: {  	v3 =	vld [tilespmem:s9+$0xC60];
	_ =	sdelay $0x4  }
0x165: {  	v4 =	vshll.u32 v3, $0x10;
	[tilespmem:s5+$0x9C60] =	vst.add.f32.msk $0xffff, v3  }
0x166: {  	[tilespmem:s5+$0x8C60] =	vst.add.f32.msk $0xffff, v4  }
0x167: {  	v3 =	vld [tilespmem:s9+$0xC70];
	_ =	sdelay $0x4  }
0x168: {  	v4 =	vshll.u32 v3, $0x10;
	[tilespmem:s5+$0x9C70] =	vst.add.f32.msk $0xffff, v3  }
0x169: {  	[tilespmem:s5+$0x8C70] =	vst.add.f32.msk $0xffff, v4  }
0x16a: {  	v3 =	vld [tilespmem:s9+$0x1000];
	_ =	sdelay $0x4  }
0x16b: {  	v4 =	vshll.u32 v3, $0x10;
	[tilespmem:s5+$0xA000] =	vst.add.f32.msk $0xffff, v3  }
0x16c: {  	[tilespmem:s5+$0x9000] =	vst.add.f32.msk $0xffff, v4  }
0x16d: {  	v3 =	vld [tilespmem:s9+$0x1010];
	_ =	sdelay $0x4  }
0x16e: {  	v4 =	vshll.u32 v3, $0x10;
	[tilespmem:s5+$0xA010] =	vst.add.f32.msk $0xffff, v3  }
0x16f: {  	[tilespmem:s5+$0x9010] =	vst.add.f32.msk $0xffff, v4  }
0x170: {  	v3 =	vld [tilespmem:s9+$0x1020];
	_ =	sdelay $0x4  }
0x171: {  	v4 =	vshll.u32 v3, $0x10;
	[tilespmem:s5+$0xA020] =	vst.add.f32.msk $0xffff, v3  }
0x172: {  	[tilespmem:s5+$0x9020] =	vst.add.f32.msk $0xffff, v4  }
0x173: {  	v3 =	vld [tilespmem:s9+$0x1030];
	_ =	sdelay $0x4  }
0x174: {  	v4 =	vshll.u32 v3, $0x10;
	[tilespmem:s5+$0xA030] =	vst.add.f32.msk $0xffff, v3  }
0x175: {  	[tilespmem:s5+$0x9030] =	vst.add.f32.msk $0xffff, v4  }
0x176: {  	v3 =	vld [tilespmem:s9+$0x1040];
	_ =	sdelay $0x4  }
0x177: {  	v4 =	vshll.u32 v3, $0x10;
	[tilespmem:s5+$0xA040] =	vst.add.f32.msk $0xffff, v3  }
0x178: {  	[tilespmem:s5+$0x9040] =	vst.add.f32.msk $0xffff, v4  }
0x179: {  	v3 =	vld [tilespmem:s9+$0x1050];
	_ =	sdelay $0x4  }
0x17a: {  	v4 =	vshll.u32 v3, $0x10;
	[tilespmem:s5+$0xA050] =	vst.add.f32.msk $0xffff, v3  }
0x17b: {  	[tilespmem:s5+$0x9050] =	vst.add.f32.msk $0xffff, v4  }
0x17c: {  	v3 =	vld [tilespmem:s9+$0x1060];
	_ =	sdelay $0x4  }
0x17d: {  	v4 =	vshll.u32 v3, $0x10;
	[tilespmem:s5+$0xA060] =	vst.add.f32.msk $0xffff, v3  }
0x17e: {  	[tilespmem:s5+$0x9060] =	vst.add.f32.msk $0xffff, v4  }
0x17f: {  	v3 =	vld [tilespmem:s9+$0x1070];
	_ =	sdelay $0x4  }
0x180: {  	v4 =	vshll.u32 v3, $0x10;
	[tilespmem:s5+$0xA070] =	vst.add.f32.msk $0xffff, v3  }
0x181: {  	[tilespmem:s5+$0x9070] =	vst.add.f32.msk $0xffff, v4  }
0x182: {  	v3 =	vld [tilespmem:s9+$0x1400];
	_ =	sdelay $0x4  }
0x183: {  	v4 =	vshll.u32 v3, $0x10;
	[tilespmem:s5+$0xA400] =	vst.add.f32.msk $0xffff, v3  }
0x184: {  	[tilespmem:s5+$0x9400] =	vst.add.f32.msk $0xffff, v4  }
0x185: {  	v3 =	vld [tilespmem:s9+$0x1410];
	_ =	sdelay $0x4  }
0x186: {  	v4 =	vshll.u32 v3, $0x10;
	[tilespmem:s5+$0xA410] =	vst.add.f32.msk $0xffff, v3  }
0x187: {  	[tilespmem:s5+$0x9410] =	vst.add.f32.msk $0xffff, v4  }
0x188: {  	v3 =	vld [tilespmem:s9+$0x1420];
	_ =	sdelay $0x4  }
0x189: {  	v4 =	vshll.u32 v3, $0x10;
	[tilespmem:s5+$0xA420] =	vst.add.f32.msk $0xffff, v3  }
0x18a: {  	[tilespmem:s5+$0x9420] =	vst.add.f32.msk $0xffff, v4  }
0x18b: {  	v3 =	vld [tilespmem:s9+$0x1430];
	_ =	sdelay $0x4  }
0x18c: {  	v4 =	vshll.u32 v3, $0x10;
	[tilespmem:s5+$0xA430] =	vst.add.f32.msk $0xffff, v3  }
0x18d: {  	[tilespmem:s5+$0x9430] =	vst.add.f32.msk $0xffff, v4  }
0x18e: {  	v3 =	vld [tilespmem:s9+$0x1440];
	_ =	sdelay $0x4  }
0x18f: {  	v4 =	vshll.u32 v3, $0x10;
	[tilespmem:s5+$0xA440] =	vst.add.f32.msk $0xffff, v3  }
0x190: {  	[tilespmem:s5+$0x9440] =	vst.add.f32.msk $0xffff, v4  }
0x191: {  	v3 =	vld [tilespmem:s9+$0x1450];
	_ =	sdelay $0x4  }
0x192: {  	v4 =	vshll.u32 v3, $0x10;
	[tilespmem:s5+$0xA450] =	vst.add.f32.msk $0xffff, v3  }
0x193: {  	[tilespmem:s5+$0x9450] =	vst.add.f32.msk $0xffff, v4  }
0x194: {  	v3 =	vld [tilespmem:s9+$0x1460];
	_ =	sdelay $0x4  }
0x195: {  	v4 =	vshll.u32 v3, $0x10;
	[tilespmem:s5+$0xA460] =	vst.add.f32.msk $0xffff, v3  }
0x196: {  	[tilespmem:s5+$0x9460] =	vst.add.f32.msk $0xffff, v4  }
0x197: {  	v3 =	vld [tilespmem:s9+$0x1470];
	_ =	sdelay $0x4  }
0x198: {  	p0 =	seq.s32 s20, $0x1F;
	v4 =	vshll.u32 v3, $0x10;
	[tilespmem:s5+$0xA470] =	vst.add.f32.msk $0xffff, v3  }
0x199: {  	s21 =	sshll.u32 s20, $0x1;
	s9 =	simm.s32 @p0 $0x8800;
	[tilespmem:s5+$0x9470] =	vst.add.f32.msk $0xffff, v4;
	s5 =	simm.s32 @p0 $0x0  }
0x19a: {  	[hbm4b:s11+s5] =	stream.linear.scatter @p0 [tilespmem:s9], [sflag:$0x5], $0x8000, $0x38;
	[tilespmem:$0x18800] =	vst v63  }
0x19b: {  	s5 =	sadd.s32 @!p0 $0x2, s21  }
0x19c: {  	s9 =	sshll.u32 @!p0 s5, $0x5  }
0x19d: {  	s9 =	sand.u32 @!p0 $0x3FFFFFE0, s9  }
0x19e: {  	v3 =	vld @!p0 [tilespmem:s9+$0x0];
	_ =	sdelay $0x4  }
0x19f: {  	v4 =	vshll.u32 @!p0 v3, $0x2  }
0x1a0: {  	v5 =	vlaneseq.u32 @!p0;
	v3 =	vand.u32 @!p0 $0x7, v3;
	v4 =	vand.u32 @!p0 $0xFFFFFFE0, v4  }
0x1a1: {  	v6 =	vshrl.u32 @!p0 v5, $0x3;
	v3 =	vor.u32 @!p0 v3, v4;
	v4 =	vand.u32 @!p0 $0x7, v5  }
0x1a2: {  	v6 =	vmul.u32 @!p0 $0x8, v6;
	v7 =	vperm.xlane @!p0 v3, v4;
	_ =	sdelay $0x1  }
0x1a3: {  	v7 =	vadd.s32 @!p0 v6, v7  }
0x1a4: {  	v5 =	vor.u32 @!p0 $0x8, v5  }
0x1a5: {  	v3 =	vperm.xlane @!p0 v3, v5;
	_ =	sdelay $0x1  }
0x1a6: {  	vm1 =	vmmov @!p0 $0xffff;
	s12 =	simm.s32 @!p0 $0x0;
	s13 =	simm.s32 @!p0 $0x800;
	v3 =	vadd.s32 @!p0 v6, v3  }
0x1a7: {  	[tilespmem:s13], [sflag:$0x1] =	stream.indirect_vreg.gather @!p0 [hbm4b:s4+s12], $0x80, v7, vm1, $0xb8;
	[tilespmem:$0x18800] =	vst v63  }
0x1a8: {  	s13 =	simm.s32 @!p0 $0x1000  }
0x1a9: {  	[tilespmem:s13], [sflag:$0x1] =	stream.indirect_vreg.gather @!p0 [hbm4b:s6+s12], $0x80, v7, vm1, $0xb8;
	[tilespmem:$0x18800] =	vst v63  }
0x1aa: {  	s13 =	simm.s32 @!p0 $0x1800  }
0x1ab: {  	[tilespmem:s13], [sflag:$0x1] =	stream.indirect_vreg.gather @!p0 [hbm4b:s4+s12], $0x80, v3, vm1, $0xb8;
	[tilespmem:$0x18800] =	vst v63  }
0x1ac: {  	s13 =	simm.s32 @!p0 $0x2000  }
0x1ad: {  	[tilespmem:s13], [sflag:$0x1] =	stream.indirect_vreg.gather @!p0 [hbm4b:s6+s12], $0x80, v3, vm1, $0xb8;
	[tilespmem:$0x18800] =	vst v63  }
0x1ae: {  	v3 =	vld @!p0 [tilespmem:s9+$0x10];
	_ =	sdelay $0x4  }
0x1af: {  	v7 =	vshll.u32 @!p0 v3, $0x2  }
0x1b0: {  	v3 =	vand.u32 @!p0 $0x7, v3;
	v7 =	vand.u32 @!p0 $0xFFFFFFE0, v7  }
0x1b1: {  	v3 =	vor.u32 @!p0 v3, v7  }
0x1b2: {  	v4 =	vperm.xlane @!p0 v3, v4;
	_ =	sdelay $0x1  }
0x1b3: {  	v4 =	vadd.s32 @!p0 v6, v4;
	_ =	sdelay $0x1  }
0x1b4: {  	v3 =	vperm.xlane @!p0 v3, v5;
	_ =	sdelay $0x1  }
0x1b5: {  	s9 =	simm.s32 @!p0 $0x2800;
	v3 =	vadd.s32 @!p0 v6, v3  }
0x1b6: {  	[tilespmem:s9], [sflag:$0x1] =	stream.indirect_vreg.gather @!p0 [hbm4b:s4+s12], $0x80, v4, vm1, $0xb8;
	[tilespmem:$0x18800] =	vst v63  }
0x1b7: {  	s9 =	simm.s32 @!p0 $0x3000  }
0x1b8: {  	[tilespmem:s9], [sflag:$0x1] =	stream.indirect_vreg.gather @!p0 [hbm4b:s6+s12], $0x80, v4, vm1, $0xb8;
	[tilespmem:$0x18800] =	vst v63  }
0x1b9: {  	s9 =	simm.s32 @!p0 $0x3800  }
0x1ba: {  	[tilespmem:s9], [sflag:$0x1] =	stream.indirect_vreg.gather @!p0 [hbm4b:s4+s12], $0x80, v3, vm1, $0xb8;
	[tilespmem:$0x18800] =	vst v63  }
0x1bb: {  	s9 =	simm.s32 @!p0 $0x4000  }
0x1bc: {  	[tilespmem:s9], [sflag:$0x1] =	stream.indirect_vreg.gather @!p0 [hbm4b:s6+s12], $0x80, v3, vm1, $0xb8;
	[tilespmem:$0x18800] =	vst v63  }
0x1bd: {  	s9 =	sshll.u32 @!p0 s20, $0xD  }
0x1be: {  	s13 =	simm.s32 @!p0 $0x8800;
	s9 =	sadd.s32 @!p0 s9, s8  }
0x1bf: {  	[hbm4b:s9+s12] =	stream.linear.scatter @!p0 [tilespmem:s13], [sflag:$0x5], $0x8000, $0x38;
	[tilespmem:$0x18800] =	vst v63  }
0x1c0: {  	s9 =	simm.s32 @!p0 $0x5  }
0x1c1: {  	_ =	swait.ge @!p0 [sflag:s9], $0x8000  }
0x1c2: {  	s5 =	sshll.u32 @!p0 s5, $0xC;
	[sflag:s9] =	ssyncset.done @!p0 $0x0  }
0x1c3: {  	s5 =	sadd.s32 @!p0 s5, s7;
	[sflag:s9] =	ssyncadd.s32 @!p0 $0xFFFF8000  }
0x1c4: {  	[tilespmem:s13], [sflag:$0x3] =	stream.linear.gather @!p0 [hbm4b:s5+s12], $0x8000, $0x38;
	[tilespmem:$0x18800] =	vst v63  }
0x1c5: {  	_ =	swait.ge [sflag:s15], $0x4000  }
0x1c6: {  	[sflag:s15] =	ssyncset.done $0x0  }
0x1c7: {  	[sflag:s15] =	ssyncadd.s32 $0xFFFFC000  }
0x1c8: {  	s12 =	simm.s32 $0x0;
	s13 =	simm.s32 $0x0;
	_ =	swait.ge [sflag:s16], $0x8000  }
0x1c9: {  	s17 =	sand.u32 $0x380, s12;
	s19 =	sand.u32 $0x3FFFF000, s13;
	[sflag:s16] =	ssyncset.done $0x0  }
0x1ca: {  	s5 =	sor.u32 s17, s19;
	[sflag:s16] =	ssyncadd.s32 $0xFFFF8000  }
0x1cb: {  	v3 =	vld [tilespmem:s5+$0x4800];
	_ =	sdelay $0x1  }
0x1cc: {  	s22 =	simm.s32 $0x0  }
0x1cd: {  	s9 =	sand.u32 $0x3FFFE000, s22  }
0x1ce: {  	s9 =	sor.u32 s17, s9  }
0x1cf: {  	s22 =	sadd.s32 $0x10800, s9;
	v4 =	vshll.u32 v3, $0x10  }
0x1d0: {  	s12 =	sor.u32 $0x1000, s22;
	[tilespmem:s9+$0x10800] =	vst.add.f32.msk $0xffff, v4  }
0x1d1: {  	[tilespmem:s12+$0x0] =	vst.add.f32.msk $0xffff, v3  }
0x1d2: {  	v3 =	vld [tilespmem:s5+$0x4810];
	_ =	sdelay $0x4  }
0x1d3: {  	s13 =	sor.u32 $0x10, s22;
	v4 =	vshll.u32 v3, $0x10  }
0x1d4: {  	s17 =	sor.u32 $0x1010, s22;
	[tilespmem:s13+$0x0] =	vst.add.f32.msk $0xffff, v4  }
0x1d5: {  	[tilespmem:s17+$0x0] =	vst.add.f32.msk $0xffff, v3  }
0x1d6: {  	v3 =	vld [tilespmem:s5+$0x4820];
	_ =	sdelay $0x4  }
0x1d7: {  	s19 =	sor.u32 $0x20, s22;
	v4 =	vshll.u32 v3, $0x10  }
0x1d8: {  	s12 =	sor.u32 $0x1020, s22;
	[tilespmem:s19+$0x0] =	vst.add.f32.msk $0xffff, v4  }
0x1d9: {  	[tilespmem:s12+$0x0] =	vst.add.f32.msk $0xffff, v3  }
0x1da: {  	v3 =	vld [tilespmem:s5+$0x4830];
	_ =	sdelay $0x4  }
0x1db: {  	s13 =	sor.u32 $0x30, s22;
	v4 =	vshll.u32 v3, $0x10  }
0x1dc: {  	s17 =	sor.u32 $0x1030, s22;
	[tilespmem:s13+$0x0] =	vst.add.f32.msk $0xffff, v4  }
0x1dd: {  	[tilespmem:s17+$0x0] =	vst.add.f32.msk $0xffff, v3  }
0x1de: {  	v3 =	vld [tilespmem:s5+$0x4840];
	_ =	sdelay $0x4  }
0x1df: {  	s19 =	sor.u32 $0x40, s22;
	v4 =	vshll.u32 v3, $0x10  }
0x1e0: {  	s12 =	sor.u32 $0x1040, s22;
	[tilespmem:s19+$0x0] =	vst.add.f32.msk $0xffff, v4  }
0x1e1: {  	[tilespmem:s12+$0x0] =	vst.add.f32.msk $0xffff, v3  }
0x1e2: {  	v3 =	vld [tilespmem:s5+$0x4850];
	_ =	sdelay $0x4  }
0x1e3: {  	s13 =	sor.u32 $0x50, s22;
	v4 =	vshll.u32 v3, $0x10  }
0x1e4: {  	s17 =	sor.u32 $0x1050, s22;
	[tilespmem:s13+$0x0] =	vst.add.f32.msk $0xffff, v4  }
0x1e5: {  	[tilespmem:s17+$0x0] =	vst.add.f32.msk $0xffff, v3  }
0x1e6: {  	v3 =	vld [tilespmem:s5+$0x4860];
	_ =	sdelay $0x4  }
0x1e7: {  	s19 =	sor.u32 $0x60, s22;
	v4 =	vshll.u32 v3, $0x10  }
0x1e8: {  	s12 =	sor.u32 $0x1060, s22;
	[tilespmem:s19+$0x0] =	vst.add.f32.msk $0xffff, v4  }
0x1e9: {  	[tilespmem:s12+$0x0] =	vst.add.f32.msk $0xffff, v3  }
0x1ea: {  	v3 =	vld [tilespmem:s5+$0x4870];
	_ =	sdelay $0x4  }
0x1eb: {  	s13 =	sor.u32 $0x70, s22;
	v4 =	vshll.u32 v3, $0x10  }
0x1ec: {  	s17 =	sor.u32 $0x1070, s22;
	[tilespmem:s13+$0x0] =	vst.add.f32.msk $0xffff, v4  }
0x1ed: {  	[tilespmem:s17+$0x0] =	vst.add.f32.msk $0xffff, v3  }
0x1ee: {  	v3 =	vld [tilespmem:s5+$0x4C00];
	_ =	sdelay $0x4  }
0x1ef: {  	s19 =	sor.u32 $0x400, s22;
	v4 =	vshll.u32 v3, $0x10  }
0x1f0: {  	s12 =	sor.u32 $0x1400, s22;
	[tilespmem:s19+$0x0] =	vst.add.f32.msk $0xffff, v4  }
0x1f1: {  	[tilespmem:s12+$0x0] =	vst.add.f32.msk $0xffff, v3  }
0x1f2: {  	v3 =	vld [tilespmem:s5+$0x4C10];
	_ =	sdelay $0x4  }
0x1f3: {  	s13 =	sor.u32 $0x410, s22;
	v4 =	vshll.u32 v3, $0x10  }
0x1f4: {  	s17 =	sor.u32 $0x1410, s22;
	[tilespmem:s13+$0x0] =	vst.add.f32.msk $0xffff, v4  }
0x1f5: {  	[tilespmem:s17+$0x0] =	vst.add.f32.msk $0xffff, v3  }
0x1f6: {  	v3 =	vld [tilespmem:s5+$0x4C20];
	_ =	sdelay $0x4  }
0x1f7: {  	s19 =	sor.u32 $0x420, s22;
	v4 =	vshll.u32 v3, $0x10  }
0x1f8: {  	s12 =	sor.u32 $0x1420, s22;
	[tilespmem:s19+$0x0] =	vst.add.f32.msk $0xffff, v4  }
0x1f9: {  	[tilespmem:s12+$0x0] =	vst.add.f32.msk $0xffff, v3  }
0x1fa: {  	v3 =	vld [tilespmem:s5+$0x4C30];
	_ =	sdelay $0x4  }
0x1fb: {  	s13 =	sor.u32 $0x430, s22;
	v4 =	vshll.u32 v3, $0x10  }
0x1fc: {  	s17 =	sor.u32 $0x1430, s22;
	[tilespmem:s13+$0x0] =	vst.add.f32.msk $0xffff, v4  }
0x1fd: {  	[tilespmem:s17+$0x0] =	vst.add.f32.msk $0xffff, v3  }
0x1fe: {  	v3 =	vld [tilespmem:s5+$0x4C40];
	_ =	sdelay $0x4  }
0x1ff: {  	s19 =	sor.u32 $0x440, s22;
	v4 =	vshll.u32 v3, $0x10  }
0x200: {  	s12 =	sor.u32 $0x1440, s22;
	[tilespmem:s19+$0x0] =	vst.add.f32.msk $0xffff, v4  }
0x201: {  	[tilespmem:s12+$0x0] =	vst.add.f32.msk $0xffff, v3  }
0x202: {  	v3 =	vld [tilespmem:s5+$0x4C50];
	_ =	sdelay $0x4  }
0x203: {  	s13 =	sor.u32 $0x450, s22;
	v4 =	vshll.u32 v3, $0x10  }
0x204: {  	s17 =	sor.u32 $0x1450, s22;
	[tilespmem:s13+$0x0] =	vst.add.f32.msk $0xffff, v4  }
0x205: {  	[tilespmem:s17+$0x0] =	vst.add.f32.msk $0xffff, v3  }
0x206: {  	v3 =	vld [tilespmem:s5+$0x4C60];
	_ =	sdelay $0x4  }
0x207: {  	s19 =	sor.u32 $0x460, s22;
	v4 =	vshll.u32 v3, $0x10  }
0x208: {  	s12 =	sor.u32 $0x1460, s22;
	[tilespmem:s19+$0x0] =	vst.add.f32.msk $0xffff, v4  }
0x209: {  	[tilespmem:s12+$0x0] =	vst.add.f32.msk $0xffff, v3  }
0x20a: {  	v3 =	vld [tilespmem:s5+$0x4C70];
	_ =	sdelay $0x4  }
0x20b: {  	s13 =	sor.u32 $0x470, s22;
	v4 =	vshll.u32 v3, $0x10  }
0x20c: {  	s17 =	sor.u32 $0x1470, s22;
	[tilespmem:s13+$0x0] =	vst.add.f32.msk $0xffff, v4  }
0x20d: {  	[tilespmem:s17+$0x0] =	vst.add.f32.msk $0xffff, v3  }
0x20e: {  	v3 =	vld [tilespmem:s5+$0x5000];
	_ =	sdelay $0x4  }
0x20f: {  	v4 =	vshll.u32 v3, $0x10;
	[tilespmem:s22+$0x1800] =	vst.add.f32.msk $0xffff, v3  }
0x210: {  	[tilespmem:s22+$0x800] =	vst.add.f32.msk $0xffff, v4  }
0x211: {  	v3 =	vld [tilespmem:s5+$0x5010];
	_ =	sdelay $0x4  }
0x212: {  	v4 =	vshll.u32 v3, $0x10;
	[tilespmem:s22+$0x1810] =	vst.add.f32.msk $0xffff, v3  }
0x213: {  	[tilespmem:s22+$0x810] =	vst.add.f32.msk $0xffff, v4  }
0x214: {  	v3 =	vld [tilespmem:s5+$0x5020];
	_ =	sdelay $0x4  }
0x215: {  	v4 =	vshll.u32 v3, $0x10;
	[tilespmem:s22+$0x1820] =	vst.add.f32.msk $0xffff, v3  }
0x216: {  	[tilespmem:s22+$0x820] =	vst.add.f32.msk $0xffff, v4  }
0x217: {  	v3 =	vld [tilespmem:s5+$0x5030];
	_ =	sdelay $0x4  }
0x218: {  	v4 =	vshll.u32 v3, $0x10;
	[tilespmem:s22+$0x1830] =	vst.add.f32.msk $0xffff, v3  }
0x219: {  	[tilespmem:s22+$0x830] =	vst.add.f32.msk $0xffff, v4  }
0x21a: {  	v3 =	vld [tilespmem:s5+$0x5040];
	_ =	sdelay $0x4  }
0x21b: {  	v4 =	vshll.u32 v3, $0x10;
	[tilespmem:s22+$0x1840] =	vst.add.f32.msk $0xffff, v3  }
0x21c: {  	[tilespmem:s22+$0x840] =	vst.add.f32.msk $0xffff, v4  }
0x21d: {  	v3 =	vld [tilespmem:s5+$0x5050];
	_ =	sdelay $0x4  }
0x21e: {  	v4 =	vshll.u32 v3, $0x10;
	[tilespmem:s22+$0x1850] =	vst.add.f32.msk $0xffff, v3  }
0x21f: {  	[tilespmem:s22+$0x850] =	vst.add.f32.msk $0xffff, v4  }
0x220: {  	v3 =	vld [tilespmem:s5+$0x5060];
	_ =	sdelay $0x4  }
0x221: {  	v4 =	vshll.u32 v3, $0x10;
	[tilespmem:s22+$0x1860] =	vst.add.f32.msk $0xffff, v3  }
0x222: {  	[tilespmem:s22+$0x860] =	vst.add.f32.msk $0xffff, v4  }
0x223: {  	v3 =	vld [tilespmem:s5+$0x5070];
	_ =	sdelay $0x4  }
0x224: {  	v4 =	vshll.u32 v3, $0x10;
	[tilespmem:s22+$0x1870] =	vst.add.f32.msk $0xffff, v3  }
0x225: {  	[tilespmem:s22+$0x870] =	vst.add.f32.msk $0xffff, v4  }
0x226: {  	v3 =	vld [tilespmem:s5+$0x5400];
	_ =	sdelay $0x4  }
0x227: {  	v4 =	vshll.u32 v3, $0x10;
	[tilespmem:s22+$0x1C00] =	vst.add.f32.msk $0xffff, v3  }
0x228: {  	[tilespmem:s22+$0xC00] =	vst.add.f32.msk $0xffff, v4  }
0x229: {  	v3 =	vld [tilespmem:s5+$0x5410];
	_ =	sdelay $0x4  }
0x22a: {  	v4 =	vshll.u32 v3, $0x10;
	[tilespmem:s22+$0x1C10] =	vst.add.f32.msk $0xffff, v3  }
0x22b: {  	[tilespmem:s22+$0xC10] =	vst.add.f32.msk $0xffff, v4  }
0x22c: {  	v3 =	vld [tilespmem:s5+$0x5420];
	_ =	sdelay $0x4  }
0x22d: {  	v4 =	vshll.u32 v3, $0x10;
	[tilespmem:s22+$0x1C20] =	vst.add.f32.msk $0xffff, v3  }
0x22e: {  	[tilespmem:s22+$0xC20] =	vst.add.f32.msk $0xffff, v4  }
0x22f: {  	v3 =	vld [tilespmem:s5+$0x5430];
	_ =	sdelay $0x4  }
0x230: {  	v4 =	vshll.u32 v3, $0x10;
	[tilespmem:s22+$0x1C30] =	vst.add.f32.msk $0xffff, v3  }
0x231: {  	[tilespmem:s22+$0xC30] =	vst.add.f32.msk $0xffff, v4  }
0x232: {  	v3 =	vld [tilespmem:s5+$0x5440];
	_ =	sdelay $0x4  }
0x233: {  	v4 =	vshll.u32 v3, $0x10;
	[tilespmem:s22+$0x1C40] =	vst.add.f32.msk $0xffff, v3  }
0x234: {  	[tilespmem:s22+$0xC40] =	vst.add.f32.msk $0xffff, v4  }
0x235: {  	v3 =	vld [tilespmem:s5+$0x5450];
	_ =	sdelay $0x4  }
0x236: {  	v4 =	vshll.u32 v3, $0x10;
	[tilespmem:s22+$0x1C50] =	vst.add.f32.msk $0xffff, v3  }
0x237: {  	[tilespmem:s22+$0xC50] =	vst.add.f32.msk $0xffff, v4  }
0x238: {  	v3 =	vld [tilespmem:s5+$0x5460];
	_ =	sdelay $0x4  }
0x239: {  	v4 =	vshll.u32 v3, $0x10;
	[tilespmem:s22+$0x1C60] =	vst.add.f32.msk $0xffff, v3  }
0x23a: {  	[tilespmem:s22+$0xC60] =	vst.add.f32.msk $0xffff, v4  }
0x23b: {  	v4 =	vld [tilespmem:s5+$0x5470];
	_ =	sdelay $0x3  }
0x23c: {  	s9 =	simm.s32 $0x80;
	s19 =	simm.s32 $0x200;
	s12 =	simm.s32 $0x2  }
0x23d: {  	s13 =	sand.u32 $0x3FFFF000, s19;
	s17 =	sand.u32 $0x380, s9;
	s5 =	simm.s32 $0x1;
	v3 =	vshll.u32 v4, $0x10;
	[tilespmem:s22+$0x1C70] =	vst.add.f32.msk $0xffff, v4  }
.LBB2_5:
0x23e: {  	p1 =	sne.s32 s12, $0x1F  }
0x23f: {  	s13 =	sor.u32 s17, s13;
	[tilespmem:s22+$0xC70] =	vst.add.f32.msk $0xffff, v3;
	s22 =	smov.u32 s12;
	s12 =	sadd.s32 $0x1, s12  }
0x240: {  	v3 =	vld [tilespmem:s13+$0x4800];
	_ =	sdelay $0x1  }
0x241: {  	s19 =	sshll.u32 s5, $0xA;
	s5 =	smov.u32 s22  }
0x242: {  	s19 =	sand.u32 $0x3FFFE000, s19  }
0x243: {  	s17 =	sor.u32 s17, s19  }
0x244: {  	s22 =	sadd.s32 $0x10800, s17;
	v4 =	vshll.u32 v3, $0x10  }
0x245: {  	[tilespmem:s17+$0x10800] =	vst.add.f32.msk $0xffff, v4;
	s17 =	sor.u32 $0x1000, s22  }
0x246: {  	[tilespmem:s17+$0x0] =	vst.add.f32.msk $0xffff, v3  }
0x247: {  	v3 =	vld [tilespmem:s13+$0x4810];
	_ =	sdelay $0x4  }
0x248: {  	s17 =	sor.u32 $0x10, s22;
	v4 =	vshll.u32 v3, $0x10  }
0x249: {  	[tilespmem:s17+$0x0] =	vst.add.f32.msk $0xffff, v4;
	s17 =	sor.u32 $0x1010, s22  }
0x24a: {  	[tilespmem:s17+$0x0] =	vst.add.f32.msk $0xffff, v3  }
0x24b: {  	v3 =	vld [tilespmem:s13+$0x4820];
	_ =	sdelay $0x4  }
0x24c: {  	s17 =	sor.u32 $0x20, s22;
	v4 =	vshll.u32 v3, $0x10  }
0x24d: {  	[tilespmem:s17+$0x0] =	vst.add.f32.msk $0xffff, v4;
	s17 =	sor.u32 $0x1020, s22  }
0x24e: {  	[tilespmem:s17+$0x0] =	vst.add.f32.msk $0xffff, v3  }
0x24f: {  	v3 =	vld [tilespmem:s13+$0x4830];
	_ =	sdelay $0x4  }
0x250: {  	s17 =	sor.u32 $0x30, s22;
	v4 =	vshll.u32 v3, $0x10  }
0x251: {  	[tilespmem:s17+$0x0] =	vst.add.f32.msk $0xffff, v4;
	s17 =	sor.u32 $0x1030, s22  }
0x252: {  	[tilespmem:s17+$0x0] =	vst.add.f32.msk $0xffff, v3  }
0x253: {  	v3 =	vld [tilespmem:s13+$0x4840];
	_ =	sdelay $0x4  }
0x254: {  	s17 =	sor.u32 $0x40, s22;
	v4 =	vshll.u32 v3, $0x10  }
0x255: {  	[tilespmem:s17+$0x0] =	vst.add.f32.msk $0xffff, v4;
	s17 =	sor.u32 $0x1040, s22  }
0x256: {  	[tilespmem:s17+$0x0] =	vst.add.f32.msk $0xffff, v3  }
0x257: {  	v3 =	vld [tilespmem:s13+$0x4850];
	_ =	sdelay $0x4  }
0x258: {  	s17 =	sor.u32 $0x50, s22;
	v4 =	vshll.u32 v3, $0x10  }
0x259: {  	[tilespmem:s17+$0x0] =	vst.add.f32.msk $0xffff, v4;
	s17 =	sor.u32 $0x1050, s22  }
0x25a: {  	[tilespmem:s17+$0x0] =	vst.add.f32.msk $0xffff, v3  }
0x25b: {  	v3 =	vld [tilespmem:s13+$0x4860];
	_ =	sdelay $0x4  }
0x25c: {  	s17 =	sor.u32 $0x60, s22;
	v4 =	vshll.u32 v3, $0x10  }
0x25d: {  	[tilespmem:s17+$0x0] =	vst.add.f32.msk $0xffff, v4;
	s17 =	sor.u32 $0x1060, s22  }
0x25e: {  	[tilespmem:s17+$0x0] =	vst.add.f32.msk $0xffff, v3  }
0x25f: {  	v3 =	vld [tilespmem:s13+$0x4870];
	_ =	sdelay $0x4  }
0x260: {  	s17 =	sor.u32 $0x70, s22;
	v4 =	vshll.u32 v3, $0x10  }
0x261: {  	[tilespmem:s17+$0x0] =	vst.add.f32.msk $0xffff, v4;
	s17 =	sor.u32 $0x1070, s22  }
0x262: {  	[tilespmem:s17+$0x0] =	vst.add.f32.msk $0xffff, v3  }
0x263: {  	v3 =	vld [tilespmem:s13+$0x4C00];
	_ =	sdelay $0x4  }
0x264: {  	s17 =	sor.u32 $0x400, s22;
	v4 =	vshll.u32 v3, $0x10  }
0x265: {  	[tilespmem:s17+$0x0] =	vst.add.f32.msk $0xffff, v4;
	s17 =	sor.u32 $0x1400, s22  }
0x266: {  	[tilespmem:s17+$0x0] =	vst.add.f32.msk $0xffff, v3  }
0x267: {  	v3 =	vld [tilespmem:s13+$0x4C10];
	_ =	sdelay $0x4  }
0x268: {  	s17 =	sor.u32 $0x410, s22;
	v4 =	vshll.u32 v3, $0x10  }
0x269: {  	[tilespmem:s17+$0x0] =	vst.add.f32.msk $0xffff, v4;
	s17 =	sor.u32 $0x1410, s22  }
0x26a: {  	[tilespmem:s17+$0x0] =	vst.add.f32.msk $0xffff, v3  }
0x26b: {  	v3 =	vld [tilespmem:s13+$0x4C20];
	_ =	sdelay $0x4  }
0x26c: {  	s17 =	sor.u32 $0x420, s22;
	v4 =	vshll.u32 v3, $0x10  }
0x26d: {  	[tilespmem:s17+$0x0] =	vst.add.f32.msk $0xffff, v4;
	s17 =	sor.u32 $0x1420, s22  }
0x26e: {  	[tilespmem:s17+$0x0] =	vst.add.f32.msk $0xffff, v3  }
0x26f: {  	v3 =	vld [tilespmem:s13+$0x4C30];
	_ =	sdelay $0x4  }
0x270: {  	s17 =	sor.u32 $0x430, s22;
	v4 =	vshll.u32 v3, $0x10  }
0x271: {  	[tilespmem:s17+$0x0] =	vst.add.f32.msk $0xffff, v4;
	s17 =	sor.u32 $0x1430, s22  }
0x272: {  	[tilespmem:s17+$0x0] =	vst.add.f32.msk $0xffff, v3  }
0x273: {  	v3 =	vld [tilespmem:s13+$0x4C40];
	_ =	sdelay $0x4  }
0x274: {  	s17 =	sor.u32 $0x440, s22;
	v4 =	vshll.u32 v3, $0x10  }
0x275: {  	[tilespmem:s17+$0x0] =	vst.add.f32.msk $0xffff, v4;
	s17 =	sor.u32 $0x1440, s22  }
0x276: {  	[tilespmem:s17+$0x0] =	vst.add.f32.msk $0xffff, v3  }
0x277: {  	v3 =	vld [tilespmem:s13+$0x4C50];
	_ =	sdelay $0x4  }
0x278: {  	s17 =	sor.u32 $0x450, s22;
	v4 =	vshll.u32 v3, $0x10  }
0x279: {  	[tilespmem:s17+$0x0] =	vst.add.f32.msk $0xffff, v4;
	s17 =	sor.u32 $0x1450, s22  }
0x27a: {  	[tilespmem:s17+$0x0] =	vst.add.f32.msk $0xffff, v3  }
0x27b: {  	v3 =	vld [tilespmem:s13+$0x4C60];
	_ =	sdelay $0x4  }
0x27c: {  	s17 =	sor.u32 $0x460, s22;
	v4 =	vshll.u32 v3, $0x10  }
0x27d: {  	[tilespmem:s17+$0x0] =	vst.add.f32.msk $0xffff, v4;
	s17 =	sor.u32 $0x1460, s22  }
0x27e: {  	[tilespmem:s17+$0x0] =	vst.add.f32.msk $0xffff, v3  }
0x27f: {  	v3 =	vld [tilespmem:s13+$0x4C70];
	_ =	sdelay $0x4  }
0x280: {  	s17 =	sor.u32 $0x470, s22;
	v4 =	vshll.u32 v3, $0x10  }
0x281: {  	[tilespmem:s17+$0x0] =	vst.add.f32.msk $0xffff, v4;
	s17 =	sor.u32 $0x1470, s22  }
0x282: {  	[tilespmem:s17+$0x0] =	vst.add.f32.msk $0xffff, v3  }
0x283: {  	v3 =	vld [tilespmem:s13+$0x5000];
	_ =	sdelay $0x4  }
0x284: {  	v4 =	vshll.u32 v3, $0x10;
	[tilespmem:s22+$0x1800] =	vst.add.f32.msk $0xffff, v3  }
0x285: {  	[tilespmem:s22+$0x800] =	vst.add.f32.msk $0xffff, v4  }
0x286: {  	v3 =	vld [tilespmem:s13+$0x5010];
	_ =	sdelay $0x4  }
0x287: {  	v4 =	vshll.u32 v3, $0x10;
	[tilespmem:s22+$0x1810] =	vst.add.f32.msk $0xffff, v3  }
0x288: {  	[tilespmem:s22+$0x810] =	vst.add.f32.msk $0xffff, v4  }
0x289: {  	v3 =	vld [tilespmem:s13+$0x5020];
	_ =	sdelay $0x4  }
0x28a: {  	v4 =	vshll.u32 v3, $0x10;
	[tilespmem:s22+$0x1820] =	vst.add.f32.msk $0xffff, v3  }
0x28b: {  	[tilespmem:s22+$0x820] =	vst.add.f32.msk $0xffff, v4  }
0x28c: {  	v3 =	vld [tilespmem:s13+$0x5030];
	_ =	sdelay $0x4  }
0x28d: {  	v4 =	vshll.u32 v3, $0x10;
	[tilespmem:s22+$0x1830] =	vst.add.f32.msk $0xffff, v3  }
0x28e: {  	[tilespmem:s22+$0x830] =	vst.add.f32.msk $0xffff, v4  }
0x28f: {  	v3 =	vld [tilespmem:s13+$0x5040];
	_ =	sdelay $0x4  }
0x290: {  	v4 =	vshll.u32 v3, $0x10;
	[tilespmem:s22+$0x1840] =	vst.add.f32.msk $0xffff, v3  }
0x291: {  	[tilespmem:s22+$0x840] =	vst.add.f32.msk $0xffff, v4  }
0x292: {  	v3 =	vld [tilespmem:s13+$0x5050];
	_ =	sdelay $0x4  }
0x293: {  	v4 =	vshll.u32 v3, $0x10;
	[tilespmem:s22+$0x1850] =	vst.add.f32.msk $0xffff, v3  }
0x294: {  	[tilespmem:s22+$0x850] =	vst.add.f32.msk $0xffff, v4  }
0x295: {  	v3 =	vld [tilespmem:s13+$0x5060];
	_ =	sdelay $0x4  }
0x296: {  	v4 =	vshll.u32 v3, $0x10;
	[tilespmem:s22+$0x1860] =	vst.add.f32.msk $0xffff, v3  }
0x297: {  	[tilespmem:s22+$0x860] =	vst.add.f32.msk $0xffff, v4  }
0x298: {  	v3 =	vld [tilespmem:s13+$0x5070];
	_ =	sdelay $0x4  }
0x299: {  	v4 =	vshll.u32 v3, $0x10;
	[tilespmem:s22+$0x1870] =	vst.add.f32.msk $0xffff, v3  }
0x29a: {  	[tilespmem:s22+$0x870] =	vst.add.f32.msk $0xffff, v4  }
0x29b: {  	v3 =	vld [tilespmem:s13+$0x5400];
	_ =	sdelay $0x4  }
0x29c: {  	v4 =	vshll.u32 v3, $0x10;
	[tilespmem:s22+$0x1C00] =	vst.add.f32.msk $0xffff, v3  }
0x29d: {  	[tilespmem:s22+$0xC00] =	vst.add.f32.msk $0xffff, v4  }
0x29e: {  	v3 =	vld [tilespmem:s13+$0x5410];
	_ =	sdelay $0x4  }
0x29f: {  	v4 =	vshll.u32 v3, $0x10;
	[tilespmem:s22+$0x1C10] =	vst.add.f32.msk $0xffff, v3  }
0x2a0: {  	[tilespmem:s22+$0xC10] =	vst.add.f32.msk $0xffff, v4  }
0x2a1: {  	v3 =	vld [tilespmem:s13+$0x5420];
	_ =	sdelay $0x4  }
0x2a2: {  	v4 =	vshll.u32 v3, $0x10;
	[tilespmem:s22+$0x1C20] =	vst.add.f32.msk $0xffff, v3  }
0x2a3: {  	[tilespmem:s22+$0xC20] =	vst.add.f32.msk $0xffff, v4  }
0x2a4: {  	v3 =	vld [tilespmem:s13+$0x5430];
	_ =	sdelay $0x4  }
0x2a5: {  	v4 =	vshll.u32 v3, $0x10;
	[tilespmem:s22+$0x1C30] =	vst.add.f32.msk $0xffff, v3  }
0x2a6: {  	[tilespmem:s22+$0xC30] =	vst.add.f32.msk $0xffff, v4  }
0x2a7: {  	v3 =	vld [tilespmem:s13+$0x5440];
	_ =	sdelay $0x4  }
0x2a8: {  	v4 =	vshll.u32 v3, $0x10;
	[tilespmem:s22+$0x1C40] =	vst.add.f32.msk $0xffff, v3  }
0x2a9: {  	[tilespmem:s22+$0xC40] =	vst.add.f32.msk $0xffff, v4  }
0x2aa: {  	v3 =	vld [tilespmem:s13+$0x5450];
	_ =	sdelay $0x4  }
0x2ab: {  	v4 =	vshll.u32 v3, $0x10;
	[tilespmem:s22+$0x1C50] =	vst.add.f32.msk $0xffff, v3  }
0x2ac: {  	[tilespmem:s22+$0xC50] =	vst.add.f32.msk $0xffff, v4  }
0x2ad: {  	v3 =	vld [tilespmem:s13+$0x5460];
	_ =	sdelay $0x4  }
0x2ae: {  	v4 =	vshll.u32 v3, $0x10;
	[tilespmem:s22+$0x1C60] =	vst.add.f32.msk $0xffff, v3  }
0x2af: {  	[tilespmem:s22+$0xC60] =	vst.add.f32.msk $0xffff, v4  }
0x2b0: {  	v4 =	vld [tilespmem:s13+$0x5470]  }
.Ltmp3:
0x2b1: {  	(pc) =	sbr.rel @p1 .LBB2_5-.Ltmp3, $3  }
0x2b2: {  	_ =	sdelay $0x1  }
0x2b3: {  	s9 =	sadd.s32 $0x80, s9;
	s13 =	sshll.u32 s5, $0x9  }
0x2b4: {  	s17 =	sand.u32 $0x380, s9;
	s13 =	sand.u32 $0x3FFFF000, s13;
	v3 =	vshll.u32 v4, $0x10;
	[tilespmem:s22+$0x1C70] =	vst.add.f32.msk $0xffff, v4  }
0x2b5: {  	s9 =	sor.u32 s17, s13;
	[tilespmem:s22+$0xC70] =	vst.add.f32.msk $0xffff, v3  }
0x2b6: {  	v3 =	vld [tilespmem:s9+$0x4800];
	_ =	sdelay $0x1  }
0x2b7: {  	s5 =	sshll.u32 s5, $0xA  }
0x2b8: {  	s5 =	sand.u32 $0x3FFFE000, s5  }
0x2b9: {  	s12 =	sor.u32 s17, s5  }
0x2ba: {  	s5 =	sadd.s32 $0x10800, s12;
	v4 =	vshll.u32 v3, $0x10  }
0x2bb: {  	s13 =	sor.u32 $0x1000, s5;
	[tilespmem:s12+$0x10800] =	vst.add.f32.msk $0xffff, v4  }
0x2bc: {  	[tilespmem:s13+$0x0] =	vst.add.f32.msk $0xffff, v3  }
0x2bd: {  	v3 =	vld [tilespmem:s9+$0x4810];
	_ =	sdelay $0x4  }
0x2be: {  	s17 =	sor.u32 $0x10, s5;
	v33 =	vshll.u32 v3, $0x10  }
0x2bf: {  	s19 =	sor.u32 $0x1010, s5;
	[tilespmem:s17+$0x0] =	vst.add.f32.msk $0xffff, v33  }
0x2c0: {  	[tilespmem:s19+$0x0] =	vst.add.f32.msk $0xffff, v3  }
0x2c1: {  	v3 =	vld [tilespmem:s9+$0x4820];
	_ =	sdelay $0x4  }
0x2c2: {  	s22 =	sor.u32 $0x20, s5;
	v34 =	vshll.u32 v3, $0x10  }
0x2c3: {  	s13 =	sor.u32 $0x1020, s5;
	[tilespmem:s22+$0x0] =	vst.add.f32.msk $0xffff, v34  }
0x2c4: {  	[tilespmem:s13+$0x0] =	vst.add.f32.msk $0xffff, v3  }
0x2c5: {  	v3 =	vld [tilespmem:s9+$0x4830];
	_ =	sdelay $0x4  }
0x2c6: {  	s17 =	sor.u32 $0x30, s5;
	v35 =	vshll.u32 v3, $0x10  }
0x2c7: {  	s19 =	sor.u32 $0x1030, s5;
	[tilespmem:s17+$0x0] =	vst.add.f32.msk $0xffff, v35  }
0x2c8: {  	[tilespmem:s19+$0x0] =	vst.add.f32.msk $0xffff, v3  }
0x2c9: {  	v3 =	vld [tilespmem:s9+$0x4840];
	_ =	sdelay $0x4  }
0x2ca: {  	s22 =	sor.u32 $0x40, s5;
	v36 =	vshll.u32 v3, $0x10  }
0x2cb: {  	s13 =	sor.u32 $0x1040, s5;
	[tilespmem:s22+$0x0] =	vst.add.f32.msk $0xffff, v36  }
0x2cc: {  	[tilespmem:s13+$0x0] =	vst.add.f32.msk $0xffff, v3  }
0x2cd: {  	v3 =	vld [tilespmem:s9+$0x4850];
	_ =	sdelay $0x4  }
0x2ce: {  	s17 =	sor.u32 $0x50, s5;
	v37 =	vshll.u32 v3, $0x10  }
0x2cf: {  	s19 =	sor.u32 $0x1050, s5;
	[tilespmem:s17+$0x0] =	vst.add.f32.msk $0xffff, v37  }
0x2d0: {  	[tilespmem:s19+$0x0] =	vst.add.f32.msk $0xffff, v3  }
0x2d1: {  	v3 =	vld [tilespmem:s9+$0x4860];
	_ =	sdelay $0x4  }
0x2d2: {  	s22 =	sor.u32 $0x60, s5;
	v38 =	vshll.u32 v3, $0x10  }
0x2d3: {  	s13 =	sor.u32 $0x1060, s5;
	[tilespmem:s22+$0x0] =	vst.add.f32.msk $0xffff, v38  }
0x2d4: {  	[tilespmem:s13+$0x0] =	vst.add.f32.msk $0xffff, v3  }
0x2d5: {  	v3 =	vld [tilespmem:s9+$0x4870];
	_ =	sdelay $0x4  }
0x2d6: {  	s17 =	sor.u32 $0x70, s5;
	v39 =	vshll.u32 v3, $0x10  }
0x2d7: {  	s19 =	sor.u32 $0x1070, s5;
	[tilespmem:s17+$0x0] =	vst.add.f32.msk $0xffff, v39  }
0x2d8: {  	[tilespmem:s19+$0x0] =	vst.add.f32.msk $0xffff, v3  }
0x2d9: {  	v3 =	vld [tilespmem:s9+$0x4C00];
	_ =	sdelay $0x4  }
0x2da: {  	s22 =	sor.u32 $0x400, s5;
	v40 =	vshll.u32 v3, $0x10  }
0x2db: {  	s13 =	sor.u32 $0x1400, s5;
	[tilespmem:s22+$0x0] =	vst.add.f32.msk $0xffff, v40  }
0x2dc: {  	[tilespmem:s13+$0x0] =	vst.add.f32.msk $0xffff, v3  }
0x2dd: {  	v3 =	vld [tilespmem:s9+$0x4C10];
	_ =	sdelay $0x4  }
0x2de: {  	s17 =	sor.u32 $0x410, s5;
	v41 =	vshll.u32 v3, $0x10  }
0x2df: {  	s19 =	sor.u32 $0x1410, s5;
	[tilespmem:s17+$0x0] =	vst.add.f32.msk $0xffff, v41  }
0x2e0: {  	[tilespmem:s19+$0x0] =	vst.add.f32.msk $0xffff, v3  }
0x2e1: {  	v3 =	vld [tilespmem:s9+$0x4C20];
	_ =	sdelay $0x4  }
0x2e2: {  	s22 =	sor.u32 $0x420, s5;
	v42 =	vshll.u32 v3, $0x10  }
0x2e3: {  	s13 =	sor.u32 $0x1420, s5;
	[tilespmem:s22+$0x0] =	vst.add.f32.msk $0xffff, v42  }
0x2e4: {  	[tilespmem:s13+$0x0] =	vst.add.f32.msk $0xffff, v3  }
0x2e5: {  	v3 =	vld [tilespmem:s9+$0x4C30];
	_ =	sdelay $0x4  }
0x2e6: {  	s17 =	sor.u32 $0x430, s5;
	v43 =	vshll.u32 v3, $0x10  }
0x2e7: {  	s19 =	sor.u32 $0x1430, s5;
	[tilespmem:s17+$0x0] =	vst.add.f32.msk $0xffff, v43  }
0x2e8: {  	[tilespmem:s19+$0x0] =	vst.add.f32.msk $0xffff, v3  }
0x2e9: {  	v3 =	vld [tilespmem:s9+$0x4C40];
	_ =	sdelay $0x4  }
0x2ea: {  	s22 =	sor.u32 $0x440, s5;
	v44 =	vshll.u32 v3, $0x10  }
0x2eb: {  	s13 =	sor.u32 $0x1440, s5;
	[tilespmem:s22+$0x0] =	vst.add.f32.msk $0xffff, v44  }
0x2ec: {  	[tilespmem:s13+$0x0] =	vst.add.f32.msk $0xffff, v3  }
0x2ed: {  	v3 =	vld [tilespmem:s9+$0x4C50];
	_ =	sdelay $0x4  }
0x2ee: {  	s17 =	sor.u32 $0x450, s5;
	v45 =	vshll.u32 v3, $0x10  }
0x2ef: {  	s19 =	sor.u32 $0x1450, s5;
	[tilespmem:s17+$0x0] =	vst.add.f32.msk $0xffff, v45  }
0x2f0: {  	[tilespmem:s19+$0x0] =	vst.add.f32.msk $0xffff, v3  }
0x2f1: {  	v3 =	vld [tilespmem:s9+$0x4C60];
	_ =	sdelay $0x4  }
0x2f2: {  	s22 =	sor.u32 $0x460, s5;
	v46 =	vshll.u32 v3, $0x10  }
0x2f3: {  	s13 =	sor.u32 $0x1460, s5;
	[tilespmem:s22+$0x0] =	vst.add.f32.msk $0xffff, v46  }
0x2f4: {  	[tilespmem:s13+$0x0] =	vst.add.f32.msk $0xffff, v3  }
0x2f5: {  	v3 =	vld [tilespmem:s9+$0x4C70];
	_ =	sdelay $0x4  }
0x2f6: {  	s17 =	sor.u32 $0x470, s5;
	v47 =	vshll.u32 v3, $0x10  }
0x2f7: {  	s19 =	sor.u32 $0x1470, s5;
	[tilespmem:s17+$0x0] =	vst.add.f32.msk $0xffff, v47  }
0x2f8: {  	[tilespmem:s19+$0x0] =	vst.add.f32.msk $0xffff, v3  }
0x2f9: {  	v3 =	vld [tilespmem:s9+$0x5000];
	_ =	sdelay $0x4  }
0x2fa: {  	v48 =	vshll.u32 v3, $0x10;
	[tilespmem:s5+$0x1800] =	vst.add.f32.msk $0xffff, v3  }
0x2fb: {  	[tilespmem:s5+$0x800] =	vst.add.f32.msk $0xffff, v48  }
0x2fc: {  	v3 =	vld [tilespmem:s9+$0x5010];
	_ =	sdelay $0x4  }
0x2fd: {  	v49 =	vshll.u32 v3, $0x10;
	[tilespmem:s5+$0x1810] =	vst.add.f32.msk $0xffff, v3  }
0x2fe: {  	[tilespmem:s5+$0x810] =	vst.add.f32.msk $0xffff, v49  }
0x2ff: {  	v3 =	vld [tilespmem:s9+$0x5020];
	_ =	sdelay $0x4  }
0x300: {  	v50 =	vshll.u32 v3, $0x10;
	[tilespmem:s5+$0x1820] =	vst.add.f32.msk $0xffff, v3  }
0x301: {  	[tilespmem:s5+$0x820] =	vst.add.f32.msk $0xffff, v50  }
0x302: {  	v3 =	vld [tilespmem:s9+$0x5030];
	_ =	sdelay $0x4  }
0x303: {  	v51 =	vshll.u32 v3, $0x10;
	[tilespmem:s5+$0x1830] =	vst.add.f32.msk $0xffff, v3  }
0x304: {  	[tilespmem:s5+$0x830] =	vst.add.f32.msk $0xffff, v51  }
0x305: {  	v3 =	vld [tilespmem:s9+$0x5040];
	_ =	sdelay $0x4  }
0x306: {  	v52 =	vshll.u32 v3, $0x10;
	[tilespmem:s5+$0x1840] =	vst.add.f32.msk $0xffff, v3  }
0x307: {  	[tilespmem:s5+$0x840] =	vst.add.f32.msk $0xffff, v52  }
0x308: {  	v3 =	vld [tilespmem:s9+$0x5050];
	_ =	sdelay $0x4  }
0x309: {  	v53 =	vshll.u32 v3, $0x10;
	[tilespmem:s5+$0x1850] =	vst.add.f32.msk $0xffff, v3  }
0x30a: {  	[tilespmem:s5+$0x850] =	vst.add.f32.msk $0xffff, v53  }
0x30b: {  	v3 =	vld [tilespmem:s9+$0x5060];
	_ =	sdelay $0x4  }
0x30c: {  	v54 =	vshll.u32 v3, $0x10;
	[tilespmem:s5+$0x1860] =	vst.add.f32.msk $0xffff, v3  }
0x30d: {  	[tilespmem:s5+$0x860] =	vst.add.f32.msk $0xffff, v54  }
0x30e: {  	v3 =	vld [tilespmem:s9+$0x5070];
	_ =	sdelay $0x4  }
0x30f: {  	v55 =	vshll.u32 v3, $0x10;
	[tilespmem:s5+$0x1870] =	vst.add.f32.msk $0xffff, v3  }
0x310: {  	[tilespmem:s5+$0x870] =	vst.add.f32.msk $0xffff, v55  }
0x311: {  	v3 =	vld [tilespmem:s9+$0x5400];
	_ =	sdelay $0x4  }
0x312: {  	v56 =	vshll.u32 v3, $0x10;
	[tilespmem:s5+$0x1C00] =	vst.add.f32.msk $0xffff, v3  }
0x313: {  	[tilespmem:s5+$0xC00] =	vst.add.f32.msk $0xffff, v56  }
0x314: {  	v3 =	vld [tilespmem:s9+$0x5410];
	_ =	sdelay $0x4  }
0x315: {  	v57 =	vshll.u32 v3, $0x10;
	[tilespmem:s5+$0x1C10] =	vst.add.f32.msk $0xffff, v3  }
0x316: {  	[tilespmem:s5+$0xC10] =	vst.add.f32.msk $0xffff, v57  }
0x317: {  	v3 =	vld [tilespmem:s9+$0x5420];
	_ =	sdelay $0x4  }
0x318: {  	v58 =	vshll.u32 v3, $0x10;
	[tilespmem:s5+$0x1C20] =	vst.add.f32.msk $0xffff, v3  }
0x319: {  	[tilespmem:s5+$0xC20] =	vst.add.f32.msk $0xffff, v58  }
0x31a: {  	v3 =	vld [tilespmem:s9+$0x5430];
	_ =	sdelay $0x4  }
0x31b: {  	v59 =	vshll.u32 v3, $0x10;
	[tilespmem:s5+$0x1C30] =	vst.add.f32.msk $0xffff, v3  }
0x31c: {  	[tilespmem:s5+$0xC30] =	vst.add.f32.msk $0xffff, v59  }
0x31d: {  	v3 =	vld [tilespmem:s9+$0x5440];
	_ =	sdelay $0x4  }
0x31e: {  	v60 =	vshll.u32 v3, $0x10;
	[tilespmem:s5+$0x1C40] =	vst.add.f32.msk $0xffff, v3  }
0x31f: {  	[tilespmem:s5+$0xC40] =	vst.add.f32.msk $0xffff, v60  }
0x320: {  	v3 =	vld [tilespmem:s9+$0x5450];
	_ =	sdelay $0x4  }
0x321: {  	v61 =	vshll.u32 v3, $0x10;
	[tilespmem:s5+$0x1C50] =	vst.add.f32.msk $0xffff, v3  }
0x322: {  	[tilespmem:s5+$0xC50] =	vst.add.f32.msk $0xffff, v61  }
0x323: {  	v3 =	vld [tilespmem:s9+$0x5460];
	_ =	sdelay $0x4  }
0x324: {  	v62 =	vshll.u32 v3, $0x10;
	[tilespmem:s5+$0x1C60] =	vst.add.f32.msk $0xffff, v3  }
0x325: {  	[tilespmem:s5+$0xC60] =	vst.add.f32.msk $0xffff, v62  }
0x326: {  	v3 =	vld [tilespmem:s9+$0x5470];
	_ =	sdelay $0x1  }
.Ltmp4:
0x327: {  	_ = 	snop;
	(pc) =	sbr.rel @p0 .LBB2_8-.Ltmp4, $4  }
0x328: {  	s22 =	sshll.u32 s20, $0x6  }
0x329: {  	s9 =	sadd.s32 s10, s22  }
0x32a: {  	s9 =	sshll.u32 s9, $0x7;
	v63 =	vshll.u32 v3, $0x10;
	[tilespmem:s5+$0x1C70] =	vst.add.f32.msk $0xffff, v3  }
0x32b: {  	[tilespmem:s5+$0xC70] =	vst.add.f32.msk $0xffff, v63;
	s5 =	sadd.s32 s2, s9  }
0x32c: {  	s9 =	sadd.s32 $0x3, s21  }
0x32d: {  	s12 =	sshll.u32 s9, $0x5  }
0x32e: {  	s12 =	sand.u32 $0x3FFFFFE0, s12  }
0x32f: {  	v3 =	vld [tilespmem:s12+$0x0];
	_ =	sdelay $0x4  }
0x330: {  	v4 =	vshll.u32 v3, $0x2  }
0x331: {  	v3 =	vand.u32 $0x7, v3;
	v4 =	vand.u32 $0xFFFFFFE0, v4  }
0x332: {  	v3 =	vor.u32 v3, v4  }
0x333: {  	v4 =	vperm.xlane v3, v0;
	_ =	sdelay $0x1  }
0x334: {  	v4 =	vadd.s32 v1, v4;
	_ =	sdelay $0x1  }
0x335: {  	v3 =	vperm.xlane v3, v2;
	_ =	sdelay $0x1  }
0x336: {  	v3 =	vadd.s32 v1, v3  }
0x337: {  	[tilespmem:s23], [sflag:$0x2] =	stream.indirect_vreg.gather [hbm4b:s4+s3], $0x80, v4, vm0, $0xb8;
	[tilespmem:$0x18800] =	vst v63  }
0x338: {  	_ = 	snop  }
0x339: {  	[tilespmem:s24], [sflag:$0x2] =	stream.indirect_vreg.gather [hbm4b:s6+s3], $0x80, v4, vm0, $0xb8;
	[tilespmem:$0x18800] =	vst v63  }
0x33a: {  	_ = 	snop  }
0x33b: {  	[tilespmem:s25], [sflag:$0x2] =	stream.indirect_vreg.gather [hbm4b:s4+s3], $0x80, v3, vm0, $0xb8;
	[tilespmem:$0x18800] =	vst v63  }
0x33c: {  	_ = 	snop  }
0x33d: {  	[tilespmem:s26], [sflag:$0x2] =	stream.indirect_vreg.gather [hbm4b:s6+s3], $0x80, v3, vm0, $0xb8;
	[tilespmem:$0x18800] =	vst v63  }
0x33e: {  	v3 =	vld [tilespmem:s12+$0x10];
	_ =	sdelay $0x4  }
0x33f: {  	v63 =	vshll.u32 v3, $0x2  }
0x340: {  	v3 =	vand.u32 $0x7, v3;
	v4 =	vand.u32 $0xFFFFFFE0, v63  }
0x341: {  	v3 =	vor.u32 v3, v4  }
0x342: {  	v4 =	vperm.xlane v3, v0;
	_ =	sdelay $0x1  }
0x343: {  	v4 =	vadd.s32 v1, v4;
	_ =	sdelay $0x1  }
0x344: {  	v3 =	vperm.xlane v3, v2;
	_ =	sdelay $0x1  }
0x345: {  	v3 =	vadd.s32 v1, v3  }
0x346: {  	[tilespmem:s28], [sflag:$0x2] =	stream.indirect_vreg.gather [hbm4b:s4+s3], $0x80, v4, vm0, $0xb8;
	[tilespmem:$0x18800] =	vst v63  }
0x347: {  	_ = 	snop  }
0x348: {  	[tilespmem:s29], [sflag:$0x2] =	stream.indirect_vreg.gather [hbm4b:s6+s3], $0x80, v4, vm0, $0xb8;
	[tilespmem:$0x18800] =	vst v63  }
0x349: {  	_ = 	snop  }
0x34a: {  	[tilespmem:s30], [sflag:$0x2] =	stream.indirect_vreg.gather [hbm4b:s4+s3], $0x80, v3, vm0, $0xb8;
	[tilespmem:$0x18800] =	vst v63  }
0x34b: {  	_ = 	snop  }
0x34c: {  	[tilespmem:s31], [sflag:$0x2] =	stream.indirect_vreg.gather [hbm4b:s6+s3], $0x80, v3, vm0, $0xb8;
	[tilespmem:$0x18800] =	vst v63  }
0x34d: {  	_ = 	snop  }
0x34e: {  	[hbm4b:s5+s3] =	stream.linear.scatter [tilespmem:s0], [sflag:$0x6], $0x8000, $0x38;
	[tilespmem:$0x18800] =	vst v63  }
.Ltmp5:
0x34f: {  	_ = 	snop;
	(pc) =	sbr.rel .LBB2_2-.Ltmp5, $4  }
0x350: {  	_ =	swait.ge [sflag:s18], $0x8000  }
0x351: {  	s22 =	sshll.u32 s9, $0xC;
	[sflag:s18] =	ssyncset.done $0x0  }
0x352: {  	s20 =	sadd.s32 $0x1, s20;
	s5 =	sadd.s32 s22, s7;
	[sflag:s18] =	ssyncadd.s32 $0xFFFF8000  }
0x353: {  	[tilespmem:s0], [sflag:$0x4] =	stream.linear.gather [hbm4b:s5+s3], $0x8000, $0x38;
	[tilespmem:$0x18800] =	vst v63  }
.LBB2_9:
0x354: {  	_ =	sfence.sel $0x180000  }
0x355: {  	[bflag:$0x0] =	sbarrier.arrive $0xFFFF  }
0x356: {  	_ =	strace $0x90000047  }
0x357: {  	s0 =	stileid.u32;
	[bflag:$0x2] =	sbarrier.arrive $0xFFFF  }
0x358: {  	p0 =	sne.s32 s0, $0x0;
	s0 =	rddreg [dreg:$0x3]  }
0x359: {  	s0 =	sadd.s32 @!p0 $0x100000, s0  }
0x35a: {  	[sflag:s0] =	ssyncadd.tile.s32 @!p0 $0x1;
	_ =	shalt  }
.Lfunc_end2:
_tile_overlayer_lowered:
.L_overlay_start_2:
0x35b: {  	(tag) =	ssettag $0x2  }
0x35c: {  	s0 =	rddreg [dreg:$0x0];
	s2 =	stileid.u32  }
0x35d: {  	s1 =	rddreg [dreg:$0x1];
	p0 =	sne.s32 s2, $0x0  }
0x35e: {  	s3 =	rddreg [dreg:$0x2];
	[bflag:$0x3] =	sbarrier.arrive $0xFFFF;
	s2 =	simm.s32 @!p0 $0x1C07  }
0x35f: {  	[timem:s3], [sflag:s2] =	dma.local @!p0 [hbm:s0], s1  }
0x360: {  	s0 =	simm.s32 @!p0 $0x7  }
0x361: {  	_ =	swait.ge @!p0 [sflag:s0], s1  }
0x362: {  	s1 =	ssub.s32 @!p0 $0x0, s1;
	[sflag:s0] =	ssyncset.done @!p0 $0x0  }
0x363: {  	[sflag:s0] =	ssyncadd.s32 @!p0 s1  }
0x364: {  	[bflag:$0x3] =	sbarrier.arrive $0xFFFF  }
0x365: {  	_ =	shalt  }

</sc_bundles>
